<compile_context>
chip_gen: v7x
topology: tpu7x:2x2x1
jax: 0.10.2.dev20260603
libtpu: 0.0.44.dev20260713+nightly
codegen_flags: <defaults>
</compile_context>

<pallas_src>
import functools

import jax
import jax.numpy as jnp
from jax import lax
from jax.experimental import pallas as pl
from jax.experimental.pallas import tpu as pltpu
from jax.experimental.pallas import tpu_sc as plsc

N = 100000
E = 1600000
D_IN = 32
D_H = 64
NPAD = 100352
NC = 2
NS = 16
NR = NPAD // NS
CW = 16
NCHUNK = D_H // CW
CPS = NCHUNK // NC
EB = 800
NB_AGG = (E // NS) // EB
EBD = 1000
EPC_DEG = E // NC
EPT_DEG = EPC_DEG // NS
NB_DEG = EPT_DEG // EBD
BN = 6272
GRID = NPAD // BN


def _sc_mesh():
    return plsc.VectorSubcoreMesh(core_axis_name="c", subcore_axis_name="s")


def _sc_params():
    return pltpu.CompilerParams(use_tc_tiling_on_sc=False)


def _deg_call(col):
    ones = jnp.ones((EBD,), jnp.float32)
    zeros = jnp.zeros((NR,), jnp.float32)

    @functools.partial(
        pl.kernel,
        out_type=jax.ShapeDtypeStruct((NC * NPAD,), jnp.float32),
        mesh=_sc_mesh(),
        scratch_types=[
            pltpu.VMEM((EBD,), jnp.int32),
            pltpu.VMEM((EBD,), jnp.float32),
            pltpu.VMEM_SHARED((NPAD,), jnp.float32),
        ],
        compiler_params=_sc_params(),
    )
    def deg_k(col_hbm, ones_hbm, zeros_hbm, out_hbm, idx_v, ones_v, acc_s):
        c = lax.axis_index("c")
        s = lax.axis_index("s")
        row0 = pl.multiple_of(s * NR, 128)
        pltpu.sync_copy(zeros_hbm, acc_s.at[pl.ds(row0, NR)])
        pltpu.sync_copy(ones_hbm, ones_v)
        plsc.subcore_barrier()
        ebase = c * EPC_DEG + s * EPT_DEG

        def body(i, carry):
            off = pl.multiple_of(ebase + i * EBD, 8)
            pltpu.sync_copy(col_hbm.at[pl.ds(off, EBD)], idx_v)
            pltpu.sync_copy(ones_v, acc_s.at[idx_v], add=True)
            return carry

        lax.fori_loop(0, NB_DEG, body, 0)
        plsc.subcore_barrier()
        out0 = pl.multiple_of(c * NPAD + row0, 128)
        pltpu.sync_copy(acc_s.at[pl.ds(row0, NR)], out_hbm.at[pl.ds(out0, NR)])

    return deg_k(col, ones, zeros).reshape(NC, NPAD)


EPAD = 1638400


def _rid4_call(row):
    be = 16384
    rowp = jnp.pad(row, (0, EPAD - E))

    def body(row_ref, out_ref):
        r = row_ref[...]
        out_ref[...] = 4 * r[None, :] + lax.broadcasted_iota(
            jnp.int32, (NCHUNK, be), 0)

    return pl.pallas_call(
        body,
        grid=(EPAD // be,),
        in_specs=[pl.BlockSpec((be,), lambda i: (i,))],
        out_specs=pl.BlockSpec((NCHUNK, be), lambda i: (0, i)),
        out_shape=jax.ShapeDtypeStruct((NCHUNK, EPAD), jnp.int32),
    )(rowp)


def _agg_call(y, rid4, col):
    y16 = y.reshape(NCHUNK * NPAD, CW)
    zeros = jnp.zeros((NR, CW), jnp.float32)

    @functools.partial(
        pl.kernel,
        out_type=jax.ShapeDtypeStruct((NPAD, D_H), jnp.float32),
        mesh=_sc_mesh(),
        scratch_types=[
            pltpu.VMEM((2, EB), jnp.int32),
            pltpu.VMEM((2, EB), jnp.int32),
            pltpu.VMEM((2, EB, CW), jnp.float32),
            pltpu.VMEM_SHARED((NPAD, CW), jnp.float32),
            pltpu.SemaphoreType.DMA,
            pltpu.SemaphoreType.DMA,
            pltpu.SemaphoreType.DMA,
        ],
        compiler_params=_sc_params(),
    )
    def agg_k(y16_hbm, rid4_hbm, col_hbm, zeros_hbm, out_hbm,
              rid_v, cid_v, msg_v, acc_s, isem, gsem, ssem):
        c = lax.axis_index("c")
        s = lax.axis_index("s")
        row0 = pl.multiple_of(s * NR, 128)
        ebase = s * (E // NS)

        def idx_slices(i):
            off = pl.multiple_of(ebase + i * EB, 8)
            return (rid4_hbm.at[d, pl.ds(off, EB)],
                    col_hbm.at[pl.ds(off, EB)])

        for sub in range(CPS):
            d = c * CPS + sub
            pltpu.sync_copy(zeros_hbm, acc_s.at[pl.ds(row0, NR)])
            plsc.subcore_barrier()

            r0, c0 = idx_slices(0)
            pltpu.async_copy(r0, rid_v.at[0], isem)
            pltpu.async_copy(c0, cid_v.at[0], isem)

            def body(i, carry):
                b = lax.rem(i, 2)
                nb = 1 - b
                ri, ci = idx_slices(i)
                pltpu.make_async_copy(ri, rid_v.at[b], isem).wait()
                pltpu.make_async_copy(ci, cid_v.at[b], isem).wait()
                gd = pltpu.async_copy(
                    y16_hbm.at[rid_v.at[b]], msg_v.at[b], gsem)

                @pl.when(i > 0)
                def _():
                    pltpu.make_async_copy(
                        msg_v.at[nb], acc_s.at[cid_v.at[nb]], ssem).wait()

                inext = jnp.minimum(i + 1, NB_AGG - 1)
                rn, cn = idx_slices(inext)
                pltpu.async_copy(rn, rid_v.at[nb], isem)
                pltpu.async_copy(cn, cid_v.at[nb], isem)
                gd.wait()
                pltpu.async_copy(msg_v.at[b], acc_s.at[cid_v.at[b]], ssem,
                                 add=True)
                return carry

            lax.fori_loop(0, NB_AGG, body, 0)
            lastb = (NB_AGG - 1) % 2
            rl, cl = idx_slices(NB_AGG - 1)
            pltpu.make_async_copy(rl, rid_v.at[1 - lastb], isem).wait()
            pltpu.make_async_copy(cl, cid_v.at[1 - lastb], isem).wait()
            pltpu.make_async_copy(msg_v.at[lastb], acc_s.at[cid_v.at[lastb]],
                                  ssem).wait()
            plsc.subcore_barrier()
            pltpu.sync_copy(acc_s.at[pl.ds(row0, NR)],
                            out_hbm.at[pl.ds(row0, NR), pl.ds(CW * d, CW)])
            plsc.subcore_barrier()

    return agg_k(y16, rid4, col, zeros)


def _dinv_of(deg_ref):
    deg = deg_ref[0, :] + deg_ref[1, :] + 1.0
    return lax.rsqrt(jnp.maximum(deg, 1.0))


def _full(spec_shape):
    nd = len(spec_shape)
    return pl.BlockSpec(spec_shape, lambda i, _nd=nd: (0,) * _nd)


def _rows(width):
    return pl.BlockSpec((BN, width), lambda i: (i, 0))


_DEG_SPEC = pl.BlockSpec((NC, BN), lambda i: (0, i))


def _dense0_call(deg2, xtp, w0):
    def body(deg_ref, xt_ref, w_ref, y_ref):
        dinv = _dinv_of(deg_ref)
        xw = lax.dot_general(
            xt_ref[...], w_ref[...], (((0,), (0,)), ((), ())),
            preferred_element_type=jnp.float32)
        y_ref[...] = xw * dinv[:, None]

    return pl.pallas_call(
        body,
        grid=(GRID,),
        in_specs=[_DEG_SPEC,
                  pl.BlockSpec((D_IN, BN), lambda i: (0, i)),
                  _full((D_IN, D_H))],
        out_specs=_rows(D_H),
        out_shape=jax.ShapeDtypeStruct((NPAD, D_H), jnp.float32),
    )(deg2, xtp, w0)


def _dense_mid_call(deg2, agg, y, hprev, b, w_next):
    residual = hprev is not None

    def body(*refs):
        if residual:
            deg_ref, agg_ref, y_ref, hp_ref, b_ref, w_ref, h_ref, yn_ref = refs
        else:
            deg_ref, agg_ref, y_ref, b_ref, w_ref, h_ref, yn_ref = refs
        dinv = _dinv_of(deg_ref)
        h = jnp.maximum(
            (agg_ref[...] + y_ref[...]) * dinv[:, None] + b_ref[...], 0.0)
        if residual:
            h = hp_ref[...] + h
        h_ref[...] = h
        yn_ref[...] = (
            jnp.dot(h, w_ref[...], preferred_element_type=jnp.float32)
            * dinv[:, None])

    ins = [deg2, agg, y] + ([hprev] if residual else []) + [b, w_next]
    in_specs = (
        [_DEG_SPEC, _rows(D_H), _rows(D_H)]
        + ([_rows(D_H)] if residual else [])
        + [_full((1, D_H)), _full((D_H, D_H))]
    )
    return pl.pallas_call(
        body,
        grid=(GRID,),
        in_specs=in_specs,
        out_specs=[_rows(D_H), _rows(D_H)],
        out_shape=[
            jax.ShapeDtypeStruct((NPAD, D_H), jnp.float32),
            jax.ShapeDtypeStruct((NPAD, D_H), jnp.float32),
        ],
    )(*ins)


def _dense_final_call(deg2, agg, y, hprev, b2,
                      aw1, ab1, aw2, ab2, cw1, cb1, cw2, cb2):
    def body(deg_ref, agg_ref, y_ref, hp_ref, b_ref, aw1_ref, ab1_ref,
             aw2_ref, ab2_ref, cw1_ref, cb1_ref, cw2_ref, cb2_ref, out_ref):
        dinv = _dinv_of(deg_ref)
        h2 = hp_ref[...] + jnp.maximum(
            (agg_ref[...] + y_ref[...]) * dinv[:, None] + b_ref[...], 0.0)
        t = jnp.maximum(
            jnp.dot(h2, aw1_ref[...], preferred_element_type=jnp.float32)
            + ab1_ref[...], 0.0)
        u = jnp.dot(t, aw2_ref[...], preferred_element_type=jnp.float32) + ab2_ref[...]
        att = 1.0 / (1.0 + jnp.exp(-u))
        hf = h2 * att
        v = jnp.maximum(
            jnp.dot(hf, cw1_ref[...], preferred_element_type=jnp.float32)
            + cb1_ref[...], 0.0)
        logits = (
            jnp.dot(v, cw2_ref[...], preferred_element_type=jnp.float32)
            + cb2_ref[...])
        out_ref[...] = logits.T

    dh2 = D_H // 2
    return pl.pallas_call(
        body,
        grid=(GRID,),
        in_specs=[
            _DEG_SPEC, _rows(D_H), _rows(D_H), _rows(D_H), _full((1, D_H)),
            _full((D_H, dh2)), _full((1, dh2)), _full((dh2, 1)), _full((1, 1)),
            _full((D_H, dh2)), _full((1, dh2)), _full((dh2, 2)), _full((1, 2)),
        ],
        out_specs=pl.BlockSpec((2, BN), lambda i: (0, i)),
        out_shape=jax.ShapeDtypeStruct((2, NPAD), jnp.float32),
    )(deg2, agg, y, hprev, b2, aw1, ab1, aw2, ab2, cw1, cb1, cw2, cb2)


def kernel(x, edge_index, conv0_W, conv0_b, conv1_W, conv1_b, conv2_W, conv2_b,
           att_W1, att_b1, att_W2, att_b2, cls_W1, cls_b1, cls_W2, cls_b2):
    row = edge_index[0]
    col = edge_index[1]
    rid4 = _rid4_call(row)
    xtp = jnp.pad(x.T, ((0, 0), (0, NPAD - N)))

    deg2 = _deg_call(col)

    y0 = _dense0_call(deg2, xtp, conv0_W)
    agg0 = _agg_call(y0, rid4, col)
    h0, y1 = _dense_mid_call(deg2, agg0, y0, None, conv0_b.reshape(1, D_H),
                             conv1_W)
    agg1 = _agg_call(y1, rid4, col)
    h1, y2 = _dense_mid_call(deg2, agg1, y1, h0, conv1_b.reshape(1, D_H),
                             conv2_W)
    agg2 = _agg_call(y2, rid4, col)
    logits = _dense_final_call(
        deg2, agg2, y2, h1, conv2_b.reshape(1, D_H),
        att_W1, att_b1.reshape(1, D_H // 2), att_W2, att_b2.reshape(1, 1),
        cls_W1, cls_b1.reshape(1, D_H // 2), cls_W2, cls_b2.reshape(1, 2))
    return logits[:, :N].T

# --- scband reference (transcript-rebuilt; emitter-appended) ---
"""Pipeline reference for scband-clutter-classification-gnn-52381421142046 (READ-ONLY COPY).

The authoritative reference and input builder live on the scoring server;
editing this copy changes nothing except your own understanding.
"""

import jax, jax.numpy as jnp
import numpy as np

N = 100000
E = 1600000
D_IN = 32
D_H = 64
N_CLS = 2


def setup_inputs(seed: int = 0) -> dict:
    key = jax.random.key(seed)
    ks = jax.random.split(key, 18)
    s_in = 1.0 / np.sqrt(D_IN)
    s_h = 1.0 / np.sqrt(D_H)
    s_h2 = 1.0 / np.sqrt(D_H // 2)
    return {
        "x": jax.random.normal(ks[0], (N, D_IN), dtype=jnp.float32),
        "edge_index": jax.random.randint(ks[1], (2, E), 0, N, dtype=jnp.int32),
        "conv0_W": jax.random.normal(ks[2], (D_IN, D_H), dtype=jnp.float32) * s_in,
        "conv0_b": jnp.zeros((D_H,), dtype=jnp.float32),
        "conv1_W": jax.random.normal(ks[3], (D_H, D_H), dtype=jnp.float32) * s_h,
        "conv1_b": jnp.zeros((D_H,), dtype=jnp.float32),
        "conv2_W": jax.random.normal(ks[4], (D_H, D_H), dtype=jnp.float32) * s_h,
        "conv2_b": jnp.zeros((D_H,), dtype=jnp.float32),
        "att_W1": jax.random.normal(ks[5], (D_H, D_H // 2), dtype=jnp.float32) * s_h,
        "att_b1": jnp.zeros((D_H // 2,), dtype=jnp.float32),
        "att_W2": jax.random.normal(ks[6], (D_H // 2, 1), dtype=jnp.float32) * s_h2,
        "att_b2": jnp.zeros((1,), dtype=jnp.float32),
        "cls_W1": jax.random.normal(ks[7], (D_H, D_H // 2), dtype=jnp.float32) * s_h,
        "cls_b1": jnp.zeros((D_H // 2,), dtype=jnp.float32),
        "cls_W2": jax.random.normal(ks[8], (D_H // 2, N_CLS), dtype=jnp.float32) * s_h2,
        "cls_b2": jnp.zeros((N_CLS,), dtype=jnp.float32),
    }


def _gcn_conv(x, row, col, W, b):
    # PyG GCNConv with self-loops already appended to (row, col):
    # x' = x @ W; deg computed on dst (col); norm = d^{-1/2}[src] * d^{-1/2}[dst];
    # out[dst] += norm * x'[src]; out += bias
    num_nodes = x.shape[0]
    xw = x @ W
    deg = jnp.zeros((num_nodes,), dtype=xw.dtype).at[col].add(1.0)
    dinv = jnp.where(deg > 0, jax.lax.rsqrt(jnp.maximum(deg, 1e-12)), 0.0)
    norm = dinv[row] * dinv[col]
    msgs = xw[row] * norm[:, None]
    out = jnp.zeros((num_nodes, W.shape[1]), dtype=xw.dtype).at[col].add(msgs)
    return out + b


def reference(x, edge_index, conv0_W, conv0_b, conv1_W, conv1_b, conv2_W, conv2_b,
              att_W1, att_b1, att_W2, att_b2, cls_W1, cls_b1, cls_W2, cls_b2):
    num_nodes = x.shape[0]
    loop = jnp.arange(num_nodes, dtype=edge_index.dtype)
    row = jnp.concatenate([edge_index[0], loop])
    col = jnp.concatenate([edge_index[1], loop])
    # layer 0 (no residual: shape changes 32 -> 64); dropout is identity in eval
    h = jax.nn.relu(_gcn_conv(x, row, col, conv0_W, conv0_b))
    # layers 1..2 with residual (shapes match)
    for W, b in ((conv1_W, conv1_b), (conv2_W, conv2_b)):
        h_new = jax.nn.relu(_gcn_conv(h, row, col, W, b))
        h = h + h_new
    att = jax.nn.sigmoid(jax.nn.relu(h @ att_W1 + att_b1) @ att_W2 + att_b2)
    h = h * att
    logits = jax.nn.relu(h @ cls_W1 + cls_b1) @ cls_W2 + cls_b2
    return logits

if __name__ == "__main__":
    import jax
    _d = setup_inputs()
    print(jax.jit(kernel)(*tuple(_d.values())))

</pallas_src>

<mosaic_0001>
#map = affine_map<(d0, d1) -> (0, 0)>
#map1 = affine_map<(d0, d1) -> (0)>
module attributes {stable_mosaic.version = 14 : i64} {
  func.func @agg_k(%arg0: i32, %arg1: i32, %arg2: memref<401408x16xf32, #tpu.memory_space<hbm>>, %arg3: memref<4x1638400xi32, #tpu.memory_space<hbm>>, %arg4: memref<1600000xi32, #tpu.memory_space<hbm>>, %arg5: memref<6272x16xf32, #tpu.memory_space<hbm>>, %arg6: memref<100352x64xf32, #tpu.memory_space<hbm>>, %arg7: memref<2x800xi32, #tpu.memory_space<vmem>>, %arg8: memref<2x800xi32, #tpu.memory_space<vmem>>, %arg9: memref<2x800x16xf32, #tpu.memory_space<vmem>>, %arg10: memref<100352x16xf32, #tpu.memory_space<vmem_shared>>, %arg11: memref<!tpu.dma_semaphore, #tpu.memory_space<semaphore_mem>>, %arg12: memref<!tpu.dma_semaphore, #tpu.memory_space<semaphore_mem>>, %arg13: memref<!tpu.dma_semaphore, #tpu.memory_space<semaphore_mem>>) attributes {dimension_semantics = [#tpu.dimension_semantics<core_parallel>, #tpu.dimension_semantics<subcore_parallel>], iteration_bounds = array<i64: 2, 16>, scalar_prefetch = 0 : i64, scratch_operands = 7 : i64, tpu.core_type = #tpu.core_type<sc_vector_subcore>, window_params = [{transform_indices = #map}, {transform_indices = #map}, {transform_indices = #map1}, {transform_indices = #map}, {transform_indices = #map}]} {
    %mul3A = arith.constant 6272 : i32
    %mul3A_0 = arith.muli %arg1, %mul3A : i32
    %multiple_of3A = tpu.assume_multiple %mul3A_0, 128 : i32
    %mul3A_1 = arith.constant 100000 : i32
    %mul3A_2 = arith.muli %arg1, %mul3A_1 : i32
    %mul3A_3 = arith.constant 2 : i32
    %mul3A_4 = arith.muli %arg0, %mul3A_3 : i32
    %add3A = arith.constant 0 : i32
    %add3A_5 = arith.addi %mul3A_4, %add3A : i32
    "tpu.region"() ({
      %run_scoped3A = tpu.sem_alloc : memref<!tpu.dma_semaphore, #tpu.memory_space<semaphore_mem>>
      %dma_start3A_144 = arith.constant 0 : i32
      %dma_start3A_145 = tpu.memref_slice %arg10[%multiple_of3A, %dma_start3A_144] : memref<100352x16xf32, #tpu.memory_space<vmem_shared>> -> memref<6272x16xf32, #tpu.memory_space<vmem_shared>>
      tpu.enqueue_dma source(%arg5 : memref<6272x16xf32, #tpu.memory_space<hbm>>) target(%dma_start3A_145 : memref<6272x16xf32, #tpu.memory_space<vmem_shared>>) target_semaphore(%run_scoped3A : memref<!tpu.dma_semaphore, #tpu.memory_space<semaphore_mem>>)
      %dma_wait3A_146 = arith.constant 0 : i32
      %dma_wait3A_147 = tpu.memref_slice %arg10[%multiple_of3A, %dma_wait3A_146] : memref<100352x16xf32, #tpu.memory_space<vmem_shared>> -> memref<6272x16xf32, #tpu.memory_space<vmem_shared>>
      tpu.wait_dma2 semaphore(%run_scoped3A : memref<!tpu.dma_semaphore, #tpu.memory_space<semaphore_mem>>) src(%arg5 : memref<6272x16xf32, #tpu.memory_space<hbm>>) dst(%dma_wait3A_147 : memref<6272x16xf32, #tpu.memory_space<vmem_shared>>)
      tpu.yield
    }) : () -> ()
    %barrier3A = arith.constant 0 : index
    tpu.barrier barrier_id(%barrier3A)
    %add3A_6 = arith.constant 0 : i32
    %add3A_7 = arith.addi %mul3A_2, %add3A_6 : i32
    %multiple_of3A_8 = tpu.assume_multiple %add3A_7, 8 : i32
    %dma_start3A = arith.constant 0 : i32
    %dma_start3A_9 = arith.constant 0 : i32
    %dma_start3A_10 = tpu.memref_slice %arg7[%dma_start3A, %dma_start3A_9] : memref<2x800xi32, #tpu.memory_space<vmem>> -> memref<1x800xi32, #tpu.memory_space<vmem>>
    %dma_start3A_11 = tpu.memref_squeeze %dma_start3A_10 : memref<1x800xi32, #tpu.memory_space<vmem>> -> memref<800xi32, #tpu.memory_space<vmem>>
    %dma_start3A_12 = tpu.memref_slice %arg3[%add3A_5, %multiple_of3A_8] : memref<4x1638400xi32, #tpu.memory_space<hbm>> -> memref<1x800xi32, #tpu.memory_space<hbm>>
    %dma_start3A_13 = tpu.memref_squeeze %dma_start3A_12 : memref<1x800xi32, #tpu.memory_space<hbm>> -> memref<800xi32, #tpu.memory_space<hbm>>
    %dma_start3A_14 = arith.constant 0 : i32
    %dma_start3A_15 = tpu.memref_slice %arg7[%dma_start3A, %dma_start3A_14] : memref<2x800xi32, #tpu.memory_space<vmem>> -> memref<1x800xi32, #tpu.memory_space<vmem>>
    %dma_start3A_16 = tpu.memref_squeeze %dma_start3A_15 : memref<1x800xi32, #tpu.memory_space<vmem>> -> memref<800xi32, #tpu.memory_space<vmem>>
    %dma_start3A_17 = tpu.memref_slice %arg3[%add3A_5, %multiple_of3A_8] : memref<4x1638400xi32, #tpu.memory_space<hbm>> -> memref<1x800xi32, #tpu.memory_space<hbm>>
    %dma_start3A_18 = tpu.memref_squeeze %dma_start3A_17 : memref<1x800xi32, #tpu.memory_space<hbm>> -> memref<800xi32, #tpu.memory_space<hbm>>
    tpu.enqueue_dma source(%dma_start3A_18 : memref<800xi32, #tpu.memory_space<hbm>>) target(%dma_start3A_16 : memref<800xi32, #tpu.memory_space<vmem>>) target_semaphore(%arg11 : memref<!tpu.dma_semaphore, #tpu.memory_space<semaphore_mem>>)
    %dma_start3A_19 = arith.constant 0 : i32
    %dma_start3A_20 = arith.constant 0 : i32
    %dma_start3A_21 = tpu.memref_slice %arg8[%dma_start3A_19, %dma_start3A_20] : memref<2x800xi32, #tpu.memory_space<vmem>> -> memref<1x800xi32, #tpu.memory_space<vmem>>
    %dma_start3A_22 = tpu.memref_squeeze %dma_start3A_21 : memref<1x800xi32, #tpu.memory_space<vmem>> -> memref<800xi32, #tpu.memory_space<vmem>>
    %dma_start3A_23 = tpu.memref_slice %arg4[%multiple_of3A_8] : memref<1600000xi32, #tpu.memory_space<hbm>> -> memref<800xi32, #tpu.memory_space<hbm>>
    %dma_start3A_24 = arith.constant 0 : i32
    %dma_start3A_25 = tpu.memref_slice %arg8[%dma_start3A_19, %dma_start3A_24] : memref<2x800xi32, #tpu.memory_space<vmem>> -> memref<1x800xi32, #tpu.memory_space<vmem>>
    %dma_start3A_26 = tpu.memref_squeeze %dma_start3A_25 : memref<1x800xi32, #tpu.memory_space<vmem>> -> memref<800xi32, #tpu.memory_space<vmem>>
    %dma_start3A_27 = tpu.memref_slice %arg4[%multiple_of3A_8] : memref<1600000xi32, #tpu.memory_space<hbm>> -> memref<800xi32, #tpu.memory_space<hbm>>
    tpu.enqueue_dma source(%dma_start3A_27 : memref<800xi32, #tpu.memory_space<hbm>>) target(%dma_start3A_26 : memref<800xi32, #tpu.memory_space<vmem>>) target_semaphore(%arg11 : memref<!tpu.dma_semaphore, #tpu.memory_space<semaphore_mem>>)
    %scan3A = arith.constant 0 : i32
    %scan3A_28 = arith.constant 0 : i32
    %scan3A_29 = arith.constant 125 : i32
    %scan3A_30 = arith.addi %scan3A_28, %scan3A_29 : i32
    %scan3A_31 = arith.constant 1 : i32
    scf.for %scan3A_144 = %scan3A_28 to %scan3A_30 step %scan3A_31  : i32 {
      %rem3A = arith.constant 2 : i32
      %rem3A_145 = arith.remsi %scan3A_144, %rem3A : i32
      %sub3A = arith.constant 1 : i32
      %sub3A_146 = arith.subi %sub3A, %rem3A_145 : i32
      %mul3A_147 = arith.constant 800 : i32
      %mul3A_148 = arith.muli %scan3A_144, %mul3A_147 : i32
      %add3A_149 = arith.addi %mul3A_2, %mul3A_148 : i32
      %multiple_of3A_150 = tpu.assume_multiple %add3A_149, 8 : i32
      %dma_wait3A_151 = arith.constant 0 : i32
      %dma_wait3A_152 = tpu.memref_slice %arg7[%rem3A_145, %dma_wait3A_151] : memref<2x800xi32, #tpu.memory_space<vmem>> -> memref<1x800xi32, #tpu.memory_space<vmem>>
      %dma_wait3A_153 = tpu.memref_squeeze %dma_wait3A_152 : memref<1x800xi32, #tpu.memory_space<vmem>> -> memref<800xi32, #tpu.memory_space<vmem>>
      %dma_wait3A_154 = tpu.memref_slice %arg3[%add3A_5, %multiple_of3A_150] : memref<4x1638400xi32, #tpu.memory_space<hbm>> -> memref<1x800xi32, #tpu.memory_space<hbm>>
      %dma_wait3A_155 = tpu.memref_squeeze %dma_wait3A_154 : memref<1x800xi32, #tpu.memory_space<hbm>> -> memref<800xi32, #tpu.memory_space<hbm>>
      %dma_wait3A_156 = arith.constant 0 : i32
      %dma_wait3A_157 = tpu.memref_slice %arg7[%rem3A_145, %dma_wait3A_156] : memref<2x800xi32, #tpu.memory_space<vmem>> -> memref<1x800xi32, #tpu.memory_space<vmem>>
      %dma_wait3A_158 = tpu.memref_squeeze %dma_wait3A_157 : memref<1x800xi32, #tpu.memory_space<vmem>> -> memref<800xi32, #tpu.memory_space<vmem>>
      %dma_wait3A_159 = tpu.memref_slice %arg3[%add3A_5, %multiple_of3A_150] : memref<4x1638400xi32, #tpu.memory_space<hbm>> -> memref<1x800xi32, #tpu.memory_space<hbm>>
      %dma_wait3A_160 = tpu.memref_squeeze %dma_wait3A_159 : memref<1x800xi32, #tpu.memory_space<hbm>> -> memref<800xi32, #tpu.memory_space<hbm>>
      tpu.wait_dma2 semaphore(%arg11 : memref<!tpu.dma_semaphore, #tpu.memory_space<semaphore_mem>>) src(%dma_wait3A_160 : memref<800xi32, #tpu.memory_space<hbm>>) dst(%dma_wait3A_158 : memref<800xi32, #tpu.memory_space<vmem>>)
      %dma_wait3A_161 = arith.constant 0 : i32
      %dma_wait3A_162 = tpu.memref_slice %arg8[%rem3A_145, %dma_wait3A_161] : memref<2x800xi32, #tpu.memory_space<vmem>> -> memref<1x800xi32, #tpu.memory_space<vmem>>
      %dma_wait3A_163 = tpu.memref_squeeze %dma_wait3A_162 : memref<1x800xi32, #tpu.memory_space<vmem>> -> memref<800xi32, #tpu.memory_space<vmem>>
      %dma_wait3A_164 = tpu.memref_slice %arg4[%multiple_of3A_150] : memref<1600000xi32, #tpu.memory_space<hbm>> -> memref<800xi32, #tpu.memory_space<hbm>>
      %dma_wait3A_165 = arith.constant 0 : i32
      %dma_wait3A_166 = tpu.memref_slice %arg8[%rem3A_145, %dma_wait3A_165] : memref<2x800xi32, #tpu.memory_space<vmem>> -> memref<1x800xi32, #tpu.memory_space<vmem>>
      %dma_wait3A_167 = tpu.memref_squeeze %dma_wait3A_166 : memref<1x800xi32, #tpu.memory_space<vmem>> -> memref<800xi32, #tpu.memory_space<vmem>>
      %dma_wait3A_168 = tpu.memref_slice %arg4[%multiple_of3A_150] : memref<1600000xi32, #tpu.memory_space<hbm>> -> memref<800xi32, #tpu.memory_space<hbm>>
      tpu.wait_dma2 semaphore(%arg11 : memref<!tpu.dma_semaphore, #tpu.memory_space<semaphore_mem>>) src(%dma_wait3A_168 : memref<800xi32, #tpu.memory_space<hbm>>) dst(%dma_wait3A_167 : memref<800xi32, #tpu.memory_space<vmem>>)
      %dma_start3A_169 = arith.constant 0 : i32
      %dma_start3A_170 = arith.constant 0 : i32
      %dma_start3A_171 = tpu.memref_slice %arg9[%rem3A_145, %dma_start3A_169, %dma_start3A_170] : memref<2x800x16xf32, #tpu.memory_space<vmem>> -> memref<1x800x16xf32, #tpu.memory_space<vmem>>
      %dma_start3A_172 = tpu.memref_squeeze %dma_start3A_171 : memref<1x800x16xf32, #tpu.memory_space<vmem>> -> memref<800x16xf32, #tpu.memory_space<vmem>>
      %dma_start3A_173 = arith.constant 0 : i32
      %dma_start3A_174 = tpu.memref_slice %arg7[%rem3A_145, %dma_start3A_173] : memref<2x800xi32, #tpu.memory_space<vmem>> -> memref<1x800xi32, #tpu.memory_space<vmem>>
      %dma_start3A_175 = tpu.memref_squeeze %dma_start3A_174 : memref<1x800xi32, #tpu.memory_space<vmem>> -> memref<800xi32, #tpu.memory_space<vmem>>
      %dma_start3A_176 = arith.constant 0 : i32
      %dma_start3A_177 = arith.constant 0 : i32
      %dma_start3A_178 = tpu.memref_slice %arg2[%dma_start3A_176, %dma_start3A_177] : memref<401408x16xf32, #tpu.memory_space<hbm>> -> memref<401408x16xf32, #tpu.memory_space<hbm>>
      tpu.enqueue_indirect_dma source(%dma_start3A_178 : memref<401408x16xf32, #tpu.memory_space<hbm>>) target(%dma_start3A_172 : memref<800x16xf32, #tpu.memory_space<vmem>>) offsets(%dma_start3A_175 : memref<800xi32, #tpu.memory_space<vmem>>) semaphore(%arg12 : memref<!tpu.dma_semaphore, #tpu.memory_space<semaphore_mem>>)
      %gt3A = arith.constant 0 : i32
      %gt3A_179 = arith.cmpi sgt, %scan3A_144, %gt3A : i32
      %convert_element_type3A = arith.extui %gt3A_179 : i1 to i32
      %cond3A = arith.constant 0 : i32
      %cond3A_180 = arith.cmpi ne, %convert_element_type3A, %cond3A : i32
      scf.if %cond3A_180 {
        %dma_wait3A_226 = arith.constant 0 : i32
        %dma_wait3A_227 = arith.constant 0 : i32
        %dma_wait3A_228 = tpu.memref_slice %arg9[%sub3A_146, %dma_wait3A_226, %dma_wait3A_227] : memref<2x800x16xf32, #tpu.memory_space<vmem>> -> memref<1x800x16xf32, #tpu.memory_space<vmem>>
        %dma_wait3A_229 = tpu.memref_squeeze %dma_wait3A_228 : memref<1x800x16xf32, #tpu.memory_space<vmem>> -> memref<800x16xf32, #tpu.memory_space<vmem>>
        %dma_wait3A_230 = arith.constant 0 : i32
        %dma_wait3A_231 = tpu.memref_slice %arg8[%sub3A_146, %dma_wait3A_230] : memref<2x800xi32, #tpu.memory_space<vmem>> -> memref<1x800xi32, #tpu.memory_space<vmem>>
        %dma_wait3A_232 = tpu.memref_squeeze %dma_wait3A_231 : memref<1x800xi32, #tpu.memory_space<vmem>> -> memref<800xi32, #tpu.memory_space<vmem>>
        %dma_wait3A_233 = arith.constant 0 : i32
        %dma_wait3A_234 = arith.constant 0 : i32
        %dma_wait3A_235 = tpu.memref_slice %arg10[%dma_wait3A_233, %dma_wait3A_234] : memref<100352x16xf32, #tpu.memory_space<vmem_shared>> -> memref<100352x16xf32, #tpu.memory_space<vmem_shared>>
        tpu.wait_indirect_dma semaphore(%arg13 : memref<!tpu.dma_semaphore, #tpu.memory_space<semaphore_mem>>) src(%dma_wait3A_229 : memref<800x16xf32, #tpu.memory_space<vmem>>) dst(%dma_wait3A_235 : memref<100352x16xf32, #tpu.memory_space<vmem_shared>>)
      } else {
      }
      %add3A_181 = arith.constant 1 : i32
      %add3A_182 = arith.addi %scan3A_144, %add3A_181 : i32
      %min3A = arith.constant 124 : i32
      %min3A_183 = arith.minsi %add3A_182, %min3A : i32
      %mul3A_184 = arith.constant 800 : i32
      %mul3A_185 = arith.muli %min3A_183, %mul3A_184 : i32
      %add3A_186 = arith.addi %mul3A_2, %mul3A_185 : i32
      %multiple_of3A_187 = tpu.assume_multiple %add3A_186, 8 : i32
      %dma_start3A_188 = arith.constant 0 : i32
      %dma_start3A_189 = tpu.memref_slice %arg7[%sub3A_146, %dma_start3A_188] : memref<2x800xi32, #tpu.memory_space<vmem>> -> memref<1x800xi32, #tpu.memory_space<vmem>>
      %dma_start3A_190 = tpu.memref_squeeze %dma_start3A_189 : memref<1x800xi32, #tpu.memory_space<vmem>> -> memref<800xi32, #tpu.memory_space<vmem>>
      %dma_start3A_191 = tpu.memref_slice %arg3[%add3A_5, %multiple_of3A_187] : memref<4x1638400xi32, #tpu.memory_space<hbm>> -> memref<1x800xi32, #tpu.memory_space<hbm>>
      %dma_start3A_192 = tpu.memref_squeeze %dma_start3A_191 : memref<1x800xi32, #tpu.memory_space<hbm>> -> memref<800xi32, #tpu.memory_space<hbm>>
      %dma_start3A_193 = arith.constant 0 : i32
      %dma_start3A_194 = tpu.memref_slice %arg7[%sub3A_146, %dma_start3A_193] : memref<2x800xi32, #tpu.memory_space<vmem>> -> memref<1x800xi32, #tpu.memory_space<vmem>>
      %dma_start3A_195 = tpu.memref_squeeze %dma_start3A_194 : memref<1x800xi32, #tpu.memory_space<vmem>> -> memref<800xi32, #tpu.memory_space<vmem>>
      %dma_start3A_196 = tpu.memref_slice %arg3[%add3A_5, %multiple_of3A_187] : memref<4x1638400xi32, #tpu.memory_space<hbm>> -> memref<1x800xi32, #tpu.memory_space<hbm>>
      %dma_start3A_197 = tpu.memref_squeeze %dma_start3A_196 : memref<1x800xi32, #tpu.memory_space<hbm>> -> memref<800xi32, #tpu.memory_space<hbm>>
      tpu.enqueue_dma source(%dma_start3A_197 : memref<800xi32, #tpu.memory_space<hbm>>) target(%dma_start3A_195 : memref<800xi32, #tpu.memory_space<vmem>>) target_semaphore(%arg11 : memref<!tpu.dma_semaphore, #tpu.memory_space<semaphore_mem>>)
      %dma_start3A_198 = arith.constant 0 : i32
      %dma_start3A_199 = tpu.memref_slice %arg8[%sub3A_146, %dma_start3A_198] : memref<2x800xi32, #tpu.memory_space<vmem>> -> memref<1x800xi32, #tpu.memory_space<vmem>>
      %dma_start3A_200 = tpu.memref_squeeze %dma_start3A_199 : memref<1x800xi32, #tpu.memory_space<vmem>> -> memref<800xi32, #tpu.memory_space<vmem>>
      %dma_start3A_201 = tpu.memref_slice %arg4[%multiple_of3A_187] : memref<1600000xi32, #tpu.memory_space<hbm>> -> memref<800xi32, #tpu.memory_space<hbm>>
      %dma_start3A_202 = arith.constant 0 : i32
      %dma_start3A_203 = tpu.memref_slice %arg8[%sub3A_146, %dma_start3A_202] : memref<2x800xi32, #tpu.memory_space<vmem>> -> memref<1x800xi32, #tpu.memory_space<vmem>>
      %dma_start3A_204 = tpu.memref_squeeze %dma_start3A_203 : memref<1x800xi32, #tpu.memory_space<vmem>> -> memref<800xi32, #tpu.memory_space<vmem>>
      %dma_start3A_205 = tpu.memref_slice %arg4[%multiple_of3A_187] : memref<1600000xi32, #tpu.memory_space<hbm>> -> memref<800xi32, #tpu.memory_space<hbm>>
      tpu.enqueue_dma source(%dma_start3A_205 : memref<800xi32, #tpu.memory_space<hbm>>) target(%dma_start3A_204 : memref<800xi32, #tpu.memory_space<vmem>>) target_semaphore(%arg11 : memref<!tpu.dma_semaphore, #tpu.memory_space<semaphore_mem>>)
      %dma_wait3A_206 = arith.constant 0 : i32
      %dma_wait3A_207 = arith.constant 0 : i32
      %dma_wait3A_208 = tpu.memref_slice %arg9[%rem3A_145, %dma_wait3A_206, %dma_wait3A_207] : memref<2x800x16xf32, #tpu.memory_space<vmem>> -> memref<1x800x16xf32, #tpu.memory_space<vmem>>
      %dma_wait3A_209 = tpu.memref_squeeze %dma_wait3A_208 : memref<1x800x16xf32, #tpu.memory_space<vmem>> -> memref<800x16xf32, #tpu.memory_space<vmem>>
      %dma_wait3A_210 = arith.constant 0 : i32
      %dma_wait3A_211 = tpu.memref_slice %arg7[%rem3A_145, %dma_wait3A_210] : memref<2x800xi32, #tpu.memory_space<vmem>> -> memref<1x800xi32, #tpu.memory_space<vmem>>
      %dma_wait3A_212 = tpu.memref_squeeze %dma_wait3A_211 : memref<1x800xi32, #tpu.memory_space<vmem>> -> memref<800xi32, #tpu.memory_space<vmem>>
      %dma_wait3A_213 = arith.constant 0 : i32
      %dma_wait3A_214 = arith.constant 0 : i32
      %dma_wait3A_215 = tpu.memref_slice %arg2[%dma_wait3A_213, %dma_wait3A_214] : memref<401408x16xf32, #tpu.memory_space<hbm>> -> memref<401408x16xf32, #tpu.memory_space<hbm>>
      tpu.wait_indirect_dma semaphore(%arg12 : memref<!tpu.dma_semaphore, #tpu.memory_space<semaphore_mem>>) src(%dma_wait3A_215 : memref<401408x16xf32, #tpu.memory_space<hbm>>) dst(%dma_wait3A_209 : memref<800x16xf32, #tpu.memory_space<vmem>>)
      %dma_start3A_216 = arith.constant 0 : i32
      %dma_start3A_217 = arith.constant 0 : i32
      %dma_start3A_218 = tpu.memref_slice %arg9[%rem3A_145, %dma_start3A_216, %dma_start3A_217] : memref<2x800x16xf32, #tpu.memory_space<vmem>> -> memref<1x800x16xf32, #tpu.memory_space<vmem>>
      %dma_start3A_219 = tpu.memref_squeeze %dma_start3A_218 : memref<1x800x16xf32, #tpu.memory_space<vmem>> -> memref<800x16xf32, #tpu.memory_space<vmem>>
      %dma_start3A_220 = arith.constant 0 : i32
      %dma_start3A_221 = tpu.memref_slice %arg8[%rem3A_145, %dma_start3A_220] : memref<2x800xi32, #tpu.memory_space<vmem>> -> memref<1x800xi32, #tpu.memory_space<vmem>>
      %dma_start3A_222 = tpu.memref_squeeze %dma_start3A_221 : memref<1x800xi32, #tpu.memory_space<vmem>> -> memref<800xi32, #tpu.memory_space<vmem>>
      %dma_start3A_223 = arith.constant 0 : i32
      %dma_start3A_224 = arith.constant 0 : i32
      %dma_start3A_225 = tpu.memref_slice %arg10[%dma_start3A_223, %dma_start3A_224] : memref<100352x16xf32, #tpu.memory_space<vmem_shared>> -> memref<100352x16xf32, #tpu.memory_space<vmem_shared>>
      tpu.enqueue_indirect_dma source(%dma_start3A_219 : memref<800x16xf32, #tpu.memory_space<vmem>>) target(%dma_start3A_225 : memref<100352x16xf32, #tpu.memory_space<vmem_shared>>) offsets(%dma_start3A_222 : memref<800xi32, #tpu.memory_space<vmem>>) semaphore(%arg13 : memref<!tpu.dma_semaphore, #tpu.memory_space<semaphore_mem>>) {add = true}
    }
    %scan3A_32 = arith.constant 125 : i32
    %add3A_33 = arith.constant 99200 : i32
    %add3A_34 = arith.addi %mul3A_2, %add3A_33 : i32
    %multiple_of3A_35 = tpu.assume_multiple %add3A_34, 8 : i32
    %dma_wait3A = arith.constant 1 : i32
    %dma_wait3A_36 = arith.constant 0 : i32
    %dma_wait3A_37 = tpu.memref_slice %arg7[%dma_wait3A, %dma_wait3A_36] : memref<2x800xi32, #tpu.memory_space<vmem>> -> memref<1x800xi32, #tpu.memory_space<vmem>>
    %dma_wait3A_38 = tpu.memref_squeeze %dma_wait3A_37 : memref<1x800xi32, #tpu.memory_space<vmem>> -> memref<800xi32, #tpu.memory_space<vmem>>
    %dma_wait3A_39 = tpu.memref_slice %arg3[%add3A_5, %multiple_of3A_35] : memref<4x1638400xi32, #tpu.memory_space<hbm>> -> memref<1x800xi32, #tpu.memory_space<hbm>>
    %dma_wait3A_40 = tpu.memref_squeeze %dma_wait3A_39 : memref<1x800xi32, #tpu.memory_space<hbm>> -> memref<800xi32, #tpu.memory_space<hbm>>
    %dma_wait3A_41 = arith.constant 0 : i32
    %dma_wait3A_42 = tpu.memref_slice %arg7[%dma_wait3A, %dma_wait3A_41] : memref<2x800xi32, #tpu.memory_space<vmem>> -> memref<1x800xi32, #tpu.memory_space<vmem>>
    %dma_wait3A_43 = tpu.memref_squeeze %dma_wait3A_42 : memref<1x800xi32, #tpu.memory_space<vmem>> -> memref<800xi32, #tpu.memory_space<vmem>>
    %dma_wait3A_44 = tpu.memref_slice %arg3[%add3A_5, %multiple_of3A_35] : memref<4x1638400xi32, #tpu.memory_space<hbm>> -> memref<1x800xi32, #tpu.memory_space<hbm>>
    %dma_wait3A_45 = tpu.memref_squeeze %dma_wait3A_44 : memref<1x800xi32, #tpu.memory_space<hbm>> -> memref<800xi32, #tpu.memory_space<hbm>>
    tpu.wait_dma2 semaphore(%arg11 : memref<!tpu.dma_semaphore, #tpu.memory_space<semaphore_mem>>) src(%dma_wait3A_45 : memref<800xi32, #tpu.memory_space<hbm>>) dst(%dma_wait3A_43 : memref<800xi32, #tpu.memory_space<vmem>>)
    %dma_wait3A_46 = arith.constant 1 : i32
    %dma_wait3A_47 = arith.constant 0 : i32
    %dma_wait3A_48 = tpu.memref_slice %arg8[%dma_wait3A_46, %dma_wait3A_47] : memref<2x800xi32, #tpu.memory_space<vmem>> -> memref<1x800xi32, #tpu.memory_space<vmem>>
    %dma_wait3A_49 = tpu.memref_squeeze %dma_wait3A_48 : memref<1x800xi32, #tpu.memory_space<vmem>> -> memref<800xi32, #tpu.memory_space<vmem>>
    %dma_wait3A_50 = tpu.memref_slice %arg4[%multiple_of3A_35] : memref<1600000xi32, #tpu.memory_space<hbm>> -> memref<800xi32, #tpu.memory_space<hbm>>
    %dma_wait3A_51 = arith.constant 0 : i32
    %dma_wait3A_52 = tpu.memref_slice %arg8[%dma_wait3A_46, %dma_wait3A_51] : memref<2x800xi32, #tpu.memory_space<vmem>> -> memref<1x800xi32, #tpu.memory_space<vmem>>
    %dma_wait3A_53 = tpu.memref_squeeze %dma_wait3A_52 : memref<1x800xi32, #tpu.memory_space<vmem>> -> memref<800xi32, #tpu.memory_space<vmem>>
    %dma_wait3A_54 = tpu.memref_slice %arg4[%multiple_of3A_35] : memref<1600000xi32, #tpu.memory_space<hbm>> -> memref<800xi32, #tpu.memory_space<hbm>>
    tpu.wait_dma2 semaphore(%arg11 : memref<!tpu.dma_semaphore, #tpu.memory_space<semaphore_mem>>) src(%dma_wait3A_54 : memref<800xi32, #tpu.memory_space<hbm>>) dst(%dma_wait3A_53 : memref<800xi32, #tpu.memory_space<vmem>>)
    %dma_wait3A_55 = arith.constant 0 : i32
    %dma_wait3A_56 = arith.constant 0 : i32
    %dma_wait3A_57 = arith.constant 0 : i32
    %dma_wait3A_58 = arith.constant 0 : i32
    %dma_wait3A_59 = tpu.memref_slice %arg9[%dma_wait3A_55, %dma_wait3A_57, %dma_wait3A_58] : memref<2x800x16xf32, #tpu.memory_space<vmem>> -> memref<1x800x16xf32, #tpu.memory_space<vmem>>
    %dma_wait3A_60 = tpu.memref_squeeze %dma_wait3A_59 : memref<1x800x16xf32, #tpu.memory_space<vmem>> -> memref<800x16xf32, #tpu.memory_space<vmem>>
    %dma_wait3A_61 = arith.constant 0 : i32
    %dma_wait3A_62 = tpu.memref_slice %arg8[%dma_wait3A_56, %dma_wait3A_61] : memref<2x800xi32, #tpu.memory_space<vmem>> -> memref<1x800xi32, #tpu.memory_space<vmem>>
    %dma_wait3A_63 = tpu.memref_squeeze %dma_wait3A_62 : memref<1x800xi32, #tpu.memory_space<vmem>> -> memref<800xi32, #tpu.memory_space<vmem>>
    %dma_wait3A_64 = arith.constant 0 : i32
    %dma_wait3A_65 = arith.constant 0 : i32
    %dma_wait3A_66 = tpu.memref_slice %arg10[%dma_wait3A_64, %dma_wait3A_65] : memref<100352x16xf32, #tpu.memory_space<vmem_shared>> -> memref<100352x16xf32, #tpu.memory_space<vmem_shared>>
    tpu.wait_indirect_dma semaphore(%arg13 : memref<!tpu.dma_semaphore, #tpu.memory_space<semaphore_mem>>) src(%dma_wait3A_60 : memref<800x16xf32, #tpu.memory_space<vmem>>) dst(%dma_wait3A_66 : memref<100352x16xf32, #tpu.memory_space<vmem_shared>>)
    %barrier3A_67 = arith.constant 0 : index
    tpu.barrier barrier_id(%barrier3A_67)
    %mul3A_68 = arith.constant 16 : i32
    %mul3A_69 = arith.muli %mul3A_68, %add3A_5 : i32
    "tpu.region"() ({
      %run_scoped3A = tpu.sem_alloc : memref<!tpu.dma_semaphore, #tpu.memory_space<semaphore_mem>>
      %dma_start3A_144 = tpu.memref_slice %arg6[%multiple_of3A, %mul3A_69] : memref<100352x64xf32, #tpu.memory_space<hbm>> -> memref<6272x16xf32, #tpu.memory_space<hbm>>
      %dma_start3A_145 = arith.constant 0 : i32
      %dma_start3A_146 = tpu.memref_slice %arg10[%multiple_of3A, %dma_start3A_145] : memref<100352x16xf32, #tpu.memory_space<vmem_shared>> -> memref<6272x16xf32, #tpu.memory_space<vmem_shared>>
      tpu.enqueue_dma source(%dma_start3A_146 : memref<6272x16xf32, #tpu.memory_space<vmem_shared>>) target(%dma_start3A_144 : memref<6272x16xf32, #tpu.memory_space<hbm>>) target_semaphore(%run_scoped3A : memref<!tpu.dma_semaphore, #tpu.memory_space<semaphore_mem>>)
      %dma_wait3A_147 = tpu.memref_slice %arg6[%multiple_of3A, %mul3A_69] : memref<100352x64xf32, #tpu.memory_space<hbm>> -> memref<6272x16xf32, #tpu.memory_space<hbm>>
      %dma_wait3A_148 = arith.constant 0 : i32
      %dma_wait3A_149 = tpu.memref_slice %arg10[%multiple_of3A, %dma_wait3A_148] : memref<100352x16xf32, #tpu.memory_space<vmem_shared>> -> memref<6272x16xf32, #tpu.memory_space<vmem_shared>>
      tpu.wait_dma2 semaphore(%run_scoped3A : memref<!tpu.dma_semaphore, #tpu.memory_space<semaphore_mem>>) src(%dma_wait3A_149 : memref<6272x16xf32, #tpu.memory_space<vmem_shared>>) dst(%dma_wait3A_147 : memref<6272x16xf32, #tpu.memory_space<hbm>>)
      tpu.yield
    }) : () -> ()
    %barrier3A_70 = arith.constant 0 : index
    tpu.barrier barrier_id(%barrier3A_70)
    %mul3A_71 = arith.constant 2 : i32
    %mul3A_72 = arith.muli %arg0, %mul3A_71 : i32
    %add3A_73 = arith.constant 1 : i32
    %add3A_74 = arith.addi %mul3A_72, %add3A_73 : i32
    "tpu.region"() ({
      %run_scoped3A = tpu.sem_alloc : memref<!tpu.dma_semaphore, #tpu.memory_space<semaphore_mem>>
      %dma_start3A_144 = arith.constant 0 : i32
      %dma_start3A_145 = tpu.memref_slice %arg10[%multiple_of3A, %dma_start3A_144] : memref<100352x16xf32, #tpu.memory_space<vmem_shared>> -> memref<6272x16xf32, #tpu.memory_space<vmem_shared>>
      tpu.enqueue_dma source(%arg5 : memref<6272x16xf32, #tpu.memory_space<hbm>>) target(%dma_start3A_145 : memref<6272x16xf32, #tpu.memory_space<vmem_shared>>) target_semaphore(%run_scoped3A : memref<!tpu.dma_semaphore, #tpu.memory_space<semaphore_mem>>)
      %dma_wait3A_146 = arith.constant 0 : i32
      %dma_wait3A_147 = tpu.memref_slice %arg10[%multiple_of3A, %dma_wait3A_146] : memref<100352x16xf32, #tpu.memory_space<vmem_shared>> -> memref<6272x16xf32, #tpu.memory_space<vmem_shared>>
      tpu.wait_dma2 semaphore(%run_scoped3A : memref<!tpu.dma_semaphore, #tpu.memory_space<semaphore_mem>>) src(%arg5 : memref<6272x16xf32, #tpu.memory_space<hbm>>) dst(%dma_wait3A_147 : memref<6272x16xf32, #tpu.memory_space<vmem_shared>>)
      tpu.yield
    }) : () -> ()
    %barrier3A_75 = arith.constant 0 : index
    tpu.barrier barrier_id(%barrier3A_75)
    %add3A_76 = arith.constant 0 : i32
    %add3A_77 = arith.addi %mul3A_2, %add3A_76 : i32
    %multiple_of3A_78 = tpu.assume_multiple %add3A_77, 8 : i32
    %dma_start3A_79 = arith.constant 0 : i32
    %dma_start3A_80 = arith.constant 0 : i32
    %dma_start3A_81 = tpu.memref_slice %arg7[%dma_start3A_79, %dma_start3A_80] : memref<2x800xi32, #tpu.memory_space<vmem>> -> memref<1x800xi32, #tpu.memory_space<vmem>>
    %dma_start3A_82 = tpu.memref_squeeze %dma_start3A_81 : memref<1x800xi32, #tpu.memory_space<vmem>> -> memref<800xi32, #tpu.memory_space<vmem>>
    %dma_start3A_83 = tpu.memref_slice %arg3[%add3A_74, %multiple_of3A_78] : memref<4x1638400xi32, #tpu.memory_space<hbm>> -> memref<1x800xi32, #tpu.memory_space<hbm>>
    %dma_start3A_84 = tpu.memref_squeeze %dma_start3A_83 : memref<1x800xi32, #tpu.memory_space<hbm>> -> memref<800xi32, #tpu.memory_space<hbm>>
    %dma_start3A_85 = arith.constant 0 : i32
    %dma_start3A_86 = tpu.memref_slice %arg7[%dma_start3A_79, %dma_start3A_85] : memref<2x800xi32, #tpu.memory_space<vmem>> -> memref<1x800xi32, #tpu.memory_space<vmem>>
    %dma_start3A_87 = tpu.memref_squeeze %dma_start3A_86 : memref<1x800xi32, #tpu.memory_space<vmem>> -> memref<800xi32, #tpu.memory_space<vmem>>
    %dma_start3A_88 = tpu.memref_slice %arg3[%add3A_74, %multiple_of3A_78] : memref<4x1638400xi32, #tpu.memory_space<hbm>> -> memref<1x800xi32, #tpu.memory_space<hbm>>
    %dma_start3A_89 = tpu.memref_squeeze %dma_start3A_88 : memref<1x800xi32, #tpu.memory_space<hbm>> -> memref<800xi32, #tpu.memory_space<hbm>>
    tpu.enqueue_dma source(%dma_start3A_89 : memref<800xi32, #tpu.memory_space<hbm>>) target(%dma_start3A_87 : memref<800xi32, #tpu.memory_space<vmem>>) target_semaphore(%arg11 : memref<!tpu.dma_semaphore, #tpu.memory_space<semaphore_mem>>)
    %dma_start3A_90 = arith.constant 0 : i32
    %dma_start3A_91 = arith.constant 0 : i32
    %dma_start3A_92 = tpu.memref_slice %arg8[%dma_start3A_90, %dma_start3A_91] : memref<2x800xi32, #tpu.memory_space<vmem>> -> memref<1x800xi32, #tpu.memory_space<vmem>>
    %dma_start3A_93 = tpu.memref_squeeze %dma_start3A_92 : memref<1x800xi32, #tpu.memory_space<vmem>> -> memref<800xi32, #tpu.memory_space<vmem>>
    %dma_start3A_94 = tpu.memref_slice %arg4[%multiple_of3A_78] : memref<1600000xi32, #tpu.memory_space<hbm>> -> memref<800xi32, #tpu.memory_space<hbm>>
    %dma_start3A_95 = arith.constant 0 : i32
    %dma_start3A_96 = tpu.memref_slice %arg8[%dma_start3A_90, %dma_start3A_95] : memref<2x800xi32, #tpu.memory_space<vmem>> -> memref<1x800xi32, #tpu.memory_space<vmem>>
    %dma_start3A_97 = tpu.memref_squeeze %dma_start3A_96 : memref<1x800xi32, #tpu.memory_space<vmem>> -> memref<800xi32, #tpu.memory_space<vmem>>
    %dma_start3A_98 = tpu.memref_slice %arg4[%multiple_of3A_78] : memref<1600000xi32, #tpu.memory_space<hbm>> -> memref<800xi32, #tpu.memory_space<hbm>>
    tpu.enqueue_dma source(%dma_start3A_98 : memref<800xi32, #tpu.memory_space<hbm>>) target(%dma_start3A_97 : memref<800xi32, #tpu.memory_space<vmem>>) target_semaphore(%arg11 : memref<!tpu.dma_semaphore, #tpu.memory_space<semaphore_mem>>)
    %scan3A_99 = arith.constant 0 : i32
    %scan3A_100 = arith.constant 0 : i32
    %scan3A_101 = arith.constant 125 : i32
    %scan3A_102 = arith.addi %scan3A_100, %scan3A_101 : i32
    %scan3A_103 = arith.constant 1 : i32
    scf.for %scan3A_144 = %scan3A_100 to %scan3A_102 step %scan3A_103  : i32 {
      %rem3A = arith.constant 2 : i32
      %rem3A_145 = arith.remsi %scan3A_144, %rem3A : i32
      %sub3A = arith.constant 1 : i32
      %sub3A_146 = arith.subi %sub3A, %rem3A_145 : i32
      %mul3A_147 = arith.constant 800 : i32
      %mul3A_148 = arith.muli %scan3A_144, %mul3A_147 : i32
      %add3A_149 = arith.addi %mul3A_2, %mul3A_148 : i32
      %multiple_of3A_150 = tpu.assume_multiple %add3A_149, 8 : i32
      %dma_wait3A_151 = arith.constant 0 : i32
      %dma_wait3A_152 = tpu.memref_slice %arg7[%rem3A_145, %dma_wait3A_151] : memref<2x800xi32, #tpu.memory_space<vmem>> -> memref<1x800xi32, #tpu.memory_space<vmem>>
      %dma_wait3A_153 = tpu.memref_squeeze %dma_wait3A_152 : memref<1x800xi32, #tpu.memory_space<vmem>> -> memref<800xi32, #tpu.memory_space<vmem>>
      %dma_wait3A_154 = tpu.memref_slice %arg3[%add3A_74, %multiple_of3A_150] : memref<4x1638400xi32, #tpu.memory_space<hbm>> -> memref<1x800xi32, #tpu.memory_space<hbm>>
      %dma_wait3A_155 = tpu.memref_squeeze %dma_wait3A_154 : memref<1x800xi32, #tpu.memory_space<hbm>> -> memref<800xi32, #tpu.memory_space<hbm>>
      %dma_wait3A_156 = arith.constant 0 : i32
      %dma_wait3A_157 = tpu.memref_slice %arg7[%rem3A_145, %dma_wait3A_156] : memref<2x800xi32, #tpu.memory_space<vmem>> -> memref<1x800xi32, #tpu.memory_space<vmem>>
      %dma_wait3A_158 = tpu.memref_squeeze %dma_wait3A_157 : memref<1x800xi32, #tpu.memory_space<vmem>> -> memref<800xi32, #tpu.memory_space<vmem>>
      %dma_wait3A_159 = tpu.memref_slice %arg3[%add3A_74, %multiple_of3A_150] : memref<4x1638400xi32, #tpu.memory_space<hbm>> -> memref<1x800xi32, #tpu.memory_space<hbm>>
      %dma_wait3A_160 = tpu.memref_squeeze %dma_wait3A_159 : memref<1x800xi32, #tpu.memory_space<hbm>> -> memref<800xi32, #tpu.memory_space<hbm>>
      tpu.wait_dma2 semaphore(%arg11 : memref<!tpu.dma_semaphore, #tpu.memory_space<semaphore_mem>>) src(%dma_wait3A_160 : memref<800xi32, #tpu.memory_space<hbm>>) dst(%dma_wait3A_158 : memref<800xi32, #tpu.memory_space<vmem>>)
      %dma_wait3A_161 = arith.constant 0 : i32
      %dma_wait3A_162 = tpu.memref_slice %arg8[%rem3A_145, %dma_wait3A_161] : memref<2x800xi32, #tpu.memory_space<vmem>> -> memref<1x800xi32, #tpu.memory_space<vmem>>
      %dma_wait3A_163 = tpu.memref_squeeze %dma_wait3A_162 : memref<1x800xi32, #tpu.memory_space<vmem>> -> memref<800xi32, #tpu.memory_space<vmem>>
      %dma_wait3A_164 = tpu.memref_slice %arg4[%multiple_of3A_150] : memref<1600000xi32, #tpu.memory_space<hbm>> -> memref<800xi32, #tpu.memory_space<hbm>>
      %dma_wait3A_165 = arith.constant 0 : i32
      %dma_wait3A_166 = tpu.memref_slice %arg8[%rem3A_145, %dma_wait3A_165] : memref<2x800xi32, #tpu.memory_space<vmem>> -> memref<1x800xi32, #tpu.memory_space<vmem>>
      %dma_wait3A_167 = tpu.memref_squeeze %dma_wait3A_166 : memref<1x800xi32, #tpu.memory_space<vmem>> -> memref<800xi32, #tpu.memory_space<vmem>>
      %dma_wait3A_168 = tpu.memref_slice %arg4[%multiple_of3A_150] : memref<1600000xi32, #tpu.memory_space<hbm>> -> memref<800xi32, #tpu.memory_space<hbm>>
      tpu.wait_dma2 semaphore(%arg11 : memref<!tpu.dma_semaphore, #tpu.memory_space<semaphore_mem>>) src(%dma_wait3A_168 : memref<800xi32, #tpu.memory_space<hbm>>) dst(%dma_wait3A_167 : memref<800xi32, #tpu.memory_space<vmem>>)
      %dma_start3A_169 = arith.constant 0 : i32
      %dma_start3A_170 = arith.constant 0 : i32
      %dma_start3A_171 = tpu.memref_slice %arg9[%rem3A_145, %dma_start3A_169, %dma_start3A_170] : memref<2x800x16xf32, #tpu.memory_space<vmem>> -> memref<1x800x16xf32, #tpu.memory_space<vmem>>
      %dma_start3A_172 = tpu.memref_squeeze %dma_start3A_171 : memref<1x800x16xf32, #tpu.memory_space<vmem>> -> memref<800x16xf32, #tpu.memory_space<vmem>>
      %dma_start3A_173 = arith.constant 0 : i32
      %dma_start3A_174 = tpu.memref_slice %arg7[%rem3A_145, %dma_start3A_173] : memref<2x800xi32, #tpu.memory_space<vmem>> -> memref<1x800xi32, #tpu.memory_space<vmem>>
      %dma_start3A_175 = tpu.memref_squeeze %dma_start3A_174 : memref<1x800xi32, #tpu.memory_space<vmem>> -> memref<800xi32, #tpu.memory_space<vmem>>
      %dma_start3A_176 = arith.constant 0 : i32
      %dma_start3A_177 = arith.constant 0 : i32
      %dma_start3A_178 = tpu.memref_slice %arg2[%dma_start3A_176, %dma_start3A_177] : memref<401408x16xf32, #tpu.memory_space<hbm>> -> memref<401408x16xf32, #tpu.memory_space<hbm>>
      tpu.enqueue_indirect_dma source(%dma_start3A_178 : memref<401408x16xf32, #tpu.memory_space<hbm>>) target(%dma_start3A_172 : memref<800x16xf32, #tpu.memory_space<vmem>>) offsets(%dma_start3A_175 : memref<800xi32, #tpu.memory_space<vmem>>) semaphore(%arg12 : memref<!tpu.dma_semaphore, #tpu.memory_space<semaphore_mem>>)
      %gt3A = arith.constant 0 : i32
      %gt3A_179 = arith.cmpi sgt, %scan3A_144, %gt3A : i32
      %convert_element_type3A = arith.extui %gt3A_179 : i1 to i32
      %cond3A = arith.constant 0 : i32
      %cond3A_180 = arith.cmpi ne, %convert_element_type3A, %cond3A : i32
      scf.if %cond3A_180 {
        %dma_wait3A_226 = arith.constant 0 : i32
        %dma_wait3A_227 = arith.constant 0 : i32
        %dma_wait3A_228 = tpu.memref_slice %arg9[%sub3A_146, %dma_wait3A_226, %dma_wait3A_227] : memref<2x800x16xf32, #tpu.memory_space<vmem>> -> memref<1x800x16xf32, #tpu.memory_space<vmem>>
        %dma_wait3A_229 = tpu.memref_squeeze %dma_wait3A_228 : memref<1x800x16xf32, #tpu.memory_space<vmem>> -> memref<800x16xf32, #tpu.memory_space<vmem>>
        %dma_wait3A_230 = arith.constant 0 : i32
        %dma_wait3A_231 = tpu.memref_slice %arg8[%sub3A_146, %dma_wait3A_230] : memref<2x800xi32, #tpu.memory_space<vmem>> -> memref<1x800xi32, #tpu.memory_space<vmem>>
        %dma_wait3A_232 = tpu.memref_squeeze %dma_wait3A_231 : memref<1x800xi32, #tpu.memory_space<vmem>> -> memref<800xi32, #tpu.memory_space<vmem>>
        %dma_wait3A_233 = arith.constant 0 : i32
        %dma_wait3A_234 = arith.constant 0 : i32
        %dma_wait3A_235 = tpu.memref_slice %arg10[%dma_wait3A_233, %dma_wait3A_234] : memref<100352x16xf32, #tpu.memory_space<vmem_shared>> -> memref<100352x16xf32, #tpu.memory_space<vmem_shared>>
        tpu.wait_indirect_dma semaphore(%arg13 : memref<!tpu.dma_semaphore, #tpu.memory_space<semaphore_mem>>) src(%dma_wait3A_229 : memref<800x16xf32, #tpu.memory_space<vmem>>) dst(%dma_wait3A_235 : memref<100352x16xf32, #tpu.memory_space<vmem_shared>>)
      } else {
      }
      %add3A_181 = arith.constant 1 : i32
      %add3A_182 = arith.addi %scan3A_144, %add3A_181 : i32
      %min3A = arith.constant 124 : i32
      %min3A_183 = arith.minsi %add3A_182, %min3A : i32
      %mul3A_184 = arith.constant 800 : i32
      %mul3A_185 = arith.muli %min3A_183, %mul3A_184 : i32
      %add3A_186 = arith.addi %mul3A_2, %mul3A_185 : i32
      %multiple_of3A_187 = tpu.assume_multiple %add3A_186, 8 : i32
      %dma_start3A_188 = arith.constant 0 : i32
      %dma_start3A_189 = tpu.memref_slice %arg7[%sub3A_146, %dma_start3A_188] : memref<2x800xi32, #tpu.memory_space<vmem>> -> memref<1x800xi32, #tpu.memory_space<vmem>>
      %dma_start3A_190 = tpu.memref_squeeze %dma_start3A_189 : memref<1x800xi32, #tpu.memory_space<vmem>> -> memref<800xi32, #tpu.memory_space<vmem>>
      %dma_start3A_191 = tpu.memref_slice %arg3[%add3A_74, %multiple_of3A_187] : memref<4x1638400xi32, #tpu.memory_space<hbm>> -> memref<1x800xi32, #tpu.memory_space<hbm>>
      %dma_start3A_192 = tpu.memref_squeeze %dma_start3A_191 : memref<1x800xi32, #tpu.memory_space<hbm>> -> memref<800xi32, #tpu.memory_space<hbm>>
      %dma_start3A_193 = arith.constant 0 : i32
      %dma_start3A_194 = tpu.memref_slice %arg7[%sub3A_146, %dma_start3A_193] : memref<2x800xi32, #tpu.memory_space<vmem>> -> memref<1x800xi32, #tpu.memory_space<vmem>>
      %dma_start3A_195 = tpu.memref_squeeze %dma_start3A_194 : memref<1x800xi32, #tpu.memory_space<vmem>> -> memref<800xi32, #tpu.memory_space<vmem>>
      %dma_start3A_196 = tpu.memref_slice %arg3[%add3A_74, %multiple_of3A_187] : memref<4x1638400xi32, #tpu.memory_space<hbm>> -> memref<1x800xi32, #tpu.memory_space<hbm>>
      %dma_start3A_197 = tpu.memref_squeeze %dma_start3A_196 : memref<1x800xi32, #tpu.memory_space<hbm>> -> memref<800xi32, #tpu.memory_space<hbm>>
      tpu.enqueue_dma source(%dma_start3A_197 : memref<800xi32, #tpu.memory_space<hbm>>) target(%dma_start3A_195 : memref<800xi32, #tpu.memory_space<vmem>>) target_semaphore(%arg11 : memref<!tpu.dma_semaphore, #tpu.memory_space<semaphore_mem>>)
      %dma_start3A_198 = arith.constant 0 : i32
      %dma_start3A_199 = tpu.memref_slice %arg8[%sub3A_146, %dma_start3A_198] : memref<2x800xi32, #tpu.memory_space<vmem>> -> memref<1x800xi32, #tpu.memory_space<vmem>>
      %dma_start3A_200 = tpu.memref_squeeze %dma_start3A_199 : memref<1x800xi32, #tpu.memory_space<vmem>> -> memref<800xi32, #tpu.memory_space<vmem>>
      %dma_start3A_201 = tpu.memref_slice %arg4[%multiple_of3A_187] : memref<1600000xi32, #tpu.memory_space<hbm>> -> memref<800xi32, #tpu.memory_space<hbm>>
      %dma_start3A_202 = arith.constant 0 : i32
      %dma_start3A_203 = tpu.memref_slice %arg8[%sub3A_146, %dma_start3A_202] : memref<2x800xi32, #tpu.memory_space<vmem>> -> memref<1x800xi32, #tpu.memory_space<vmem>>
      %dma_start3A_204 = tpu.memref_squeeze %dma_start3A_203 : memref<1x800xi32, #tpu.memory_space<vmem>> -> memref<800xi32, #tpu.memory_space<vmem>>
      %dma_start3A_205 = tpu.memref_slice %arg4[%multiple_of3A_187] : memref<1600000xi32, #tpu.memory_space<hbm>> -> memref<800xi32, #tpu.memory_space<hbm>>
      tpu.enqueue_dma source(%dma_start3A_205 : memref<800xi32, #tpu.memory_space<hbm>>) target(%dma_start3A_204 : memref<800xi32, #tpu.memory_space<vmem>>) target_semaphore(%arg11 : memref<!tpu.dma_semaphore, #tpu.memory_space<semaphore_mem>>)
      %dma_wait3A_206 = arith.constant 0 : i32
      %dma_wait3A_207 = arith.constant 0 : i32
      %dma_wait3A_208 = tpu.memref_slice %arg9[%rem3A_145, %dma_wait3A_206, %dma_wait3A_207] : memref<2x800x16xf32, #tpu.memory_space<vmem>> -> memref<1x800x16xf32, #tpu.memory_space<vmem>>
      %dma_wait3A_209 = tpu.memref_squeeze %dma_wait3A_208 : memref<1x800x16xf32, #tpu.memory_space<vmem>> -> memref<800x16xf32, #tpu.memory_space<vmem>>
      %dma_wait3A_210 = arith.constant 0 : i32
      %dma_wait3A_211 = tpu.memref_slice %arg7[%rem3A_145, %dma_wait3A_210] : memref<2x800xi32, #tpu.memory_space<vmem>> -> memref<1x800xi32, #tpu.memory_space<vmem>>
      %dma_wait3A_212 = tpu.memref_squeeze %dma_wait3A_211 : memref<1x800xi32, #tpu.memory_space<vmem>> -> memref<800xi32, #tpu.memory_space<vmem>>
      %dma_wait3A_213 = arith.constant 0 : i32
      %dma_wait3A_214 = arith.constant 0 : i32
      %dma_wait3A_215 = tpu.memref_slice %arg2[%dma_wait3A_213, %dma_wait3A_214] : memref<401408x16xf32, #tpu.memory_space<hbm>> -> memref<401408x16xf32, #tpu.memory_space<hbm>>
      tpu.wait_indirect_dma semaphore(%arg12 : memref<!tpu.dma_semaphore, #tpu.memory_space<semaphore_mem>>) src(%dma_wait3A_215 : memref<401408x16xf32, #tpu.memory_space<hbm>>) dst(%dma_wait3A_209 : memref<800x16xf32, #tpu.memory_space<vmem>>)
      %dma_start3A_216 = arith.constant 0 : i32
      %dma_start3A_217 = arith.constant 0 : i32
      %dma_start3A_218 = tpu.memref_slice %arg9[%rem3A_145, %dma_start3A_216, %dma_start3A_217] : memref<2x800x16xf32, #tpu.memory_space<vmem>> -> memref<1x800x16xf32, #tpu.memory_space<vmem>>
      %dma_start3A_219 = tpu.memref_squeeze %dma_start3A_218 : memref<1x800x16xf32, #tpu.memory_space<vmem>> -> memref<800x16xf32, #tpu.memory_space<vmem>>
      %dma_start3A_220 = arith.constant 0 : i32
      %dma_start3A_221 = tpu.memref_slice %arg8[%rem3A_145, %dma_start3A_220] : memref<2x800xi32, #tpu.memory_space<vmem>> -> memref<1x800xi32, #tpu.memory_space<vmem>>
      %dma_start3A_222 = tpu.memref_squeeze %dma_start3A_221 : memref<1x800xi32, #tpu.memory_space<vmem>> -> memref<800xi32, #tpu.memory_space<vmem>>
      %dma_start3A_223 = arith.constant 0 : i32
      %dma_start3A_224 = arith.constant 0 : i32
      %dma_start3A_225 = tpu.memref_slice %arg10[%dma_start3A_223, %dma_start3A_224] : memref<100352x16xf32, #tpu.memory_space<vmem_shared>> -> memref<100352x16xf32, #tpu.memory_space<vmem_shared>>
      tpu.enqueue_indirect_dma source(%dma_start3A_219 : memref<800x16xf32, #tpu.memory_space<vmem>>) target(%dma_start3A_225 : memref<100352x16xf32, #tpu.memory_space<vmem_shared>>) offsets(%dma_start3A_222 : memref<800xi32, #tpu.memory_space<vmem>>) semaphore(%arg13 : memref<!tpu.dma_semaphore, #tpu.memory_space<semaphore_mem>>) {add = true}
    }
    %scan3A_104 = arith.constant 125 : i32
    %add3A_105 = arith.constant 99200 : i32
    %add3A_106 = arith.addi %mul3A_2, %add3A_105 : i32
    %multiple_of3A_107 = tpu.assume_multiple %add3A_106, 8 : i32
    %dma_wait3A_108 = arith.constant 1 : i32
    %dma_wait3A_109 = arith.constant 0 : i32
    %dma_wait3A_110 = tpu.memref_slice %arg7[%dma_wait3A_108, %dma_wait3A_109] : memref<2x800xi32, #tpu.memory_space<vmem>> -> memref<1x800xi32, #tpu.memory_space<vmem>>
    %dma_wait3A_111 = tpu.memref_squeeze %dma_wait3A_110 : memref<1x800xi32, #tpu.memory_space<vmem>> -> memref<800xi32, #tpu.memory_space<vmem>>
    %dma_wait3A_112 = tpu.memref_slice %arg3[%add3A_74, %multiple_of3A_107] : memref<4x1638400xi32, #tpu.memory_space<hbm>> -> memref<1x800xi32, #tpu.memory_space<hbm>>
    %dma_wait3A_113 = tpu.memref_squeeze %dma_wait3A_112 : memref<1x800xi32, #tpu.memory_space<hbm>> -> memref<800xi32, #tpu.memory_space<hbm>>
    %dma_wait3A_114 = arith.constant 0 : i32
    %dma_wait3A_115 = tpu.memref_slice %arg7[%dma_wait3A_108, %dma_wait3A_114] : memref<2x800xi32, #tpu.memory_space<vmem>> -> memref<1x800xi32, #tpu.memory_space<vmem>>
    %dma_wait3A_116 = tpu.memref_squeeze %dma_wait3A_115 : memref<1x800xi32, #tpu.memory_space<vmem>> -> memref<800xi32, #tpu.memory_space<vmem>>
    %dma_wait3A_117 = tpu.memref_slice %arg3[%add3A_74, %multiple_of3A_107] : memref<4x1638400xi32, #tpu.memory_space<hbm>> -> memref<1x800xi32, #tpu.memory_space<hbm>>
    %dma_wait3A_118 = tpu.memref_squeeze %dma_wait3A_117 : memref<1x800xi32, #tpu.memory_space<hbm>> -> memref<800xi32, #tpu.memory_space<hbm>>
    tpu.wait_dma2 semaphore(%arg11 : memref<!tpu.dma_semaphore, #tpu.memory_space<semaphore_mem>>) src(%dma_wait3A_118 : memref<800xi32, #tpu.memory_space<hbm>>) dst(%dma_wait3A_116 : memref<800xi32, #tpu.memory_space<vmem>>)
    %dma_wait3A_119 = arith.constant 1 : i32
    %dma_wait3A_120 = arith.constant 0 : i32
    %dma_wait3A_121 = tpu.memref_slice %arg8[%dma_wait3A_119, %dma_wait3A_120] : memref<2x800xi32, #tpu.memory_space<vmem>> -> memref<1x800xi32, #tpu.memory_space<vmem>>
    %dma_wait3A_122 = tpu.memref_squeeze %dma_wait3A_121 : memref<1x800xi32, #tpu.memory_space<vmem>> -> memref<800xi32, #tpu.memory_space<vmem>>
    %dma_wait3A_123 = tpu.memref_slice %arg4[%multiple_of3A_107] : memref<1600000xi32, #tpu.memory_space<hbm>> -> memref<800xi32, #tpu.memory_space<hbm>>
    %dma_wait3A_124 = arith.constant 0 : i32
    %dma_wait3A_125 = tpu.memref_slice %arg8[%dma_wait3A_119, %dma_wait3A_124] : memref<2x800xi32, #tpu.memory_space<vmem>> -> memref<1x800xi32, #tpu.memory_space<vmem>>
    %dma_wait3A_126 = tpu.memref_squeeze %dma_wait3A_125 : memref<1x800xi32, #tpu.memory_space<vmem>> -> memref<800xi32, #tpu.memory_space<vmem>>
    %dma_wait3A_127 = tpu.memref_slice %arg4[%multiple_of3A_107] : memref<1600000xi32, #tpu.memory_space<hbm>> -> memref<800xi32, #tpu.memory_space<hbm>>
    tpu.wait_dma2 semaphore(%arg11 : memref<!tpu.dma_semaphore, #tpu.memory_space<semaphore_mem>>) src(%dma_wait3A_127 : memref<800xi32, #tpu.memory_space<hbm>>) dst(%dma_wait3A_126 : memref<800xi32, #tpu.memory_space<vmem>>)
    %dma_wait3A_128 = arith.constant 0 : i32
    %dma_wait3A_129 = arith.constant 0 : i32
    %dma_wait3A_130 = arith.constant 0 : i32
    %dma_wait3A_131 = arith.constant 0 : i32
    %dma_wait3A_132 = tpu.memref_slice %arg9[%dma_wait3A_128, %dma_wait3A_130, %dma_wait3A_131] : memref<2x800x16xf32, #tpu.memory_space<vmem>> -> memref<1x800x16xf32, #tpu.memory_space<vmem>>
    %dma_wait3A_133 = tpu.memref_squeeze %dma_wait3A_132 : memref<1x800x16xf32, #tpu.memory_space<vmem>> -> memref<800x16xf32, #tpu.memory_space<vmem>>
    %dma_wait3A_134 = arith.constant 0 : i32
    %dma_wait3A_135 = tpu.memref_slice %arg8[%dma_wait3A_129, %dma_wait3A_134] : memref<2x800xi32, #tpu.memory_space<vmem>> -> memref<1x800xi32, #tpu.memory_space<vmem>>
    %dma_wait3A_136 = tpu.memref_squeeze %dma_wait3A_135 : memref<1x800xi32, #tpu.memory_space<vmem>> -> memref<800xi32, #tpu.memory_space<vmem>>
    %dma_wait3A_137 = arith.constant 0 : i32
    %dma_wait3A_138 = arith.constant 0 : i32
    %dma_wait3A_139 = tpu.memref_slice %arg10[%dma_wait3A_137, %dma_wait3A_138] : memref<100352x16xf32, #tpu.memory_space<vmem_shared>> -> memref<100352x16xf32, #tpu.memory_space<vmem_shared>>
    tpu.wait_indirect_dma semaphore(%arg13 : memref<!tpu.dma_semaphore, #tpu.memory_space<semaphore_mem>>) src(%dma_wait3A_133 : memref<800x16xf32, #tpu.memory_space<vmem>>) dst(%dma_wait3A_139 : memref<100352x16xf32, #tpu.memory_space<vmem_shared>>)
    %barrier3A_140 = arith.constant 0 : index
    tpu.barrier barrier_id(%barrier3A_140)
    %mul3A_141 = arith.constant 16 : i32
    %mul3A_142 = arith.muli %mul3A_141, %add3A_74 : i32
    "tpu.region"() ({
      %run_scoped3A = tpu.sem_alloc : memref<!tpu.dma_semaphore, #tpu.memory_space<semaphore_mem>>
      %dma_start3A_144 = tpu.memref_slice %arg6[%multiple_of3A, %mul3A_142] : memref<100352x64xf32, #tpu.memory_space<hbm>> -> memref<6272x16xf32, #tpu.memory_space<hbm>>
      %dma_start3A_145 = arith.constant 0 : i32
      %dma_start3A_146 = tpu.memref_slice %arg10[%multiple_of3A, %dma_start3A_145] : memref<100352x16xf32, #tpu.memory_space<vmem_shared>> -> memref<6272x16xf32, #tpu.memory_space<vmem_shared>>
      tpu.enqueue_dma source(%dma_start3A_146 : memref<6272x16xf32, #tpu.memory_space<vmem_shared>>) target(%dma_start3A_144 : memref<6272x16xf32, #tpu.memory_space<hbm>>) target_semaphore(%run_scoped3A : memref<!tpu.dma_semaphore, #tpu.memory_space<semaphore_mem>>)
      %dma_wait3A_147 = tpu.memref_slice %arg6[%multiple_of3A, %mul3A_142] : memref<100352x64xf32, #tpu.memory_space<hbm>> -> memref<6272x16xf32, #tpu.memory_space<hbm>>
      %dma_wait3A_148 = arith.constant 0 : i32
      %dma_wait3A_149 = tpu.memref_slice %arg10[%multiple_of3A, %dma_wait3A_148] : memref<100352x16xf32, #tpu.memory_space<vmem_shared>> -> memref<6272x16xf32, #tpu.memory_space<vmem_shared>>
      tpu.wait_dma2 semaphore(%run_scoped3A : memref<!tpu.dma_semaphore, #tpu.memory_space<semaphore_mem>>) src(%dma_wait3A_149 : memref<6272x16xf32, #tpu.memory_space<vmem_shared>>) dst(%dma_wait3A_147 : memref<6272x16xf32, #tpu.memory_space<hbm>>)
      tpu.yield
    }) : () -> ()
    %barrier3A_143 = arith.constant 0 : index
    tpu.barrier barrier_id(%barrier3A_143)
    return
  }
}

#map = affine_map<(d0, d1) -> (0, 0)>
#map1 = affine_map<(d0, d1) -> (0)>
module attributes {stable_mosaic.version = 14 : i64} {
  func.func @agg_k(%arg0: i32, %arg1: i32, %arg2: memref<401408x16xf32, #tpu.memory_space<hbm>>, %arg3: memref<4x1638400xi32, #tpu.memory_space<hbm>>, %arg4: memref<1600000xi32, #tpu.memory_space<hbm>>, %arg5: memref<6272x16xf32, #tpu.memory_space<hbm>>, %arg6: memref<100352x64xf32, #tpu.memory_space<hbm>>, %arg7: memref<2x800xi32, #tpu.memory_space<vmem>>, %arg8: memref<2x800xi32, #tpu.memory_space<vmem>>, %arg9: memref<2x800x16xf32, #tpu.memory_space<vmem>>, %arg10: memref<100352x16xf32, #tpu.memory_space<vmem_shared>>, %arg11: memref<!tpu.dma_semaphore, #tpu.memory_space<semaphore_mem>>, %arg12: memref<!tpu.dma_semaphore, #tpu.memory_space<semaphore_mem>>, %arg13: memref<!tpu.dma_semaphore, #tpu.memory_space<semaphore_mem>>) attributes {dimension_semantics = [#tpu.dimension_semantics<core_parallel>, #tpu.dimension_semantics<subcore_parallel>], iteration_bounds = array<i64: 2, 16>, scalar_prefetch = 0 : i64, scratch_operands = 7 : i64, tpu.core_type = #tpu.core_type<sc_vector_subcore>, window_params = [{transform_indices = #map}, {transform_indices = #map}, {transform_indices = #map1}, {transform_indices = #map}, {transform_indices = #map}]} {
    %mul3A = arith.constant 6272 : i32
    %mul3A_0 = arith.muli %arg1, %mul3A : i32
    %multiple_of3A = tpu.assume_multiple %mul3A_0, 128 : i32
    %mul3A_1 = arith.constant 100000 : i32
    %mul3A_2 = arith.muli %arg1, %mul3A_1 : i32
    %mul3A_3 = arith.constant 2 : i32
    %mul3A_4 = arith.muli %arg0, %mul3A_3 : i32
    %add3A = arith.constant 0 : i32
    %add3A_5 = arith.addi %mul3A_4, %add3A : i32
    "tpu.region"() ({
      %run_scoped3A = tpu.sem_alloc : memref<!tpu.dma_semaphore, #tpu.memory_space<semaphore_mem>>
      %dma_start3A_144 = arith.constant 0 : i32
      %dma_start3A_145 = tpu.memref_slice %arg10[%multiple_of3A, %dma_start3A_144] : memref<100352x16xf32, #tpu.memory_space<vmem_shared>> -> memref<6272x16xf32, #tpu.memory_space<vmem_shared>>
      tpu.enqueue_dma source(%arg5 : memref<6272x16xf32, #tpu.memory_space<hbm>>) target(%dma_start3A_145 : memref<6272x16xf32, #tpu.memory_space<vmem_shared>>) target_semaphore(%run_scoped3A : memref<!tpu.dma_semaphore, #tpu.memory_space<semaphore_mem>>)
      %dma_wait3A_146 = arith.constant 0 : i32
      %dma_wait3A_147 = tpu.memref_slice %arg10[%multiple_of3A, %dma_wait3A_146] : memref<100352x16xf32, #tpu.memory_space<vmem_shared>> -> memref<6272x16xf32, #tpu.memory_space<vmem_shared>>
      tpu.wait_dma2 semaphore(%run_scoped3A : memref<!tpu.dma_semaphore, #tpu.memory_space<semaphore_mem>>) src(%arg5 : memref<6272x16xf32, #tpu.memory_space<hbm>>) dst(%dma_wait3A_147 : memref<6272x16xf32, #tpu.memory_space<vmem_shared>>)
      tpu.yield
    }) : () -> ()
    %barrier3A = arith.constant 0 : index
    tpu.barrier barrier_id(%barrier3A)
    %add3A_6 = arith.constant 0 : i32
    %add3A_7 = arith.addi %mul3A_2, %add3A_6 : i32
    %multiple_of3A_8 = tpu.assume_multiple %add3A_7, 8 : i32
    %dma_start3A = arith.constant 0 : i32
    %dma_start3A_9 = arith.constant 0 : i32
    %dma_start3A_10 = tpu.memref_slice %arg7[%dma_start3A, %dma_start3A_9] : memref<2x800xi32, #tpu.memory_space<vmem>> -> memref<1x800xi32, #tpu.memory_space<vmem>>
    %dma_start3A_11 = tpu.memref_squeeze %dma_start3A_10 : memref<1x800xi32, #tpu.memory_space<vmem>> -> memref<800xi32, #tpu.memory_space<vmem>>
    %dma_start3A_12 = tpu.memref_slice %arg3[%add3A_5, %multiple_of3A_8] : memref<4x1638400xi32, #tpu.memory_space<hbm>> -> memref<1x800xi32, #tpu.memory_space<hbm>>
    %dma_start3A_13 = tpu.memref_squeeze %dma_start3A_12 : memref<1x800xi32, #tpu.memory_space<hbm>> -> memref<800xi32, #tpu.memory_space<hbm>>
    %dma_start3A_14 = arith.constant 0 : i32
    %dma_start3A_15 = tpu.memref_slice %arg7[%dma_start3A, %dma_start3A_14] : memref<2x800xi32, #tpu.memory_space<vmem>> -> memref<1x800xi32, #tpu.memory_space<vmem>>
    %dma_start3A_16 = tpu.memref_squeeze %dma_start3A_15 : memref<1x800xi32, #tpu.memory_space<vmem>> -> memref<800xi32, #tpu.memory_space<vmem>>
    %dma_start3A_17 = tpu.memref_slice %arg3[%add3A_5, %multiple_of3A_8] : memref<4x1638400xi32, #tpu.memory_space<hbm>> -> memref<1x800xi32, #tpu.memory_space<hbm>>
    %dma_start3A_18 = tpu.memref_squeeze %dma_start3A_17 : memref<1x800xi32, #tpu.memory_space<hbm>> -> memref<800xi32, #tpu.memory_space<hbm>>
    tpu.enqueue_dma source(%dma_start3A_18 : memref<800xi32, #tpu.memory_space<hbm>>) target(%dma_start3A_16 : memref<800xi32, #tpu.memory_space<vmem>>) target_semaphore(%arg11 : memref<!tpu.dma_semaphore, #tpu.memory_space<semaphore_mem>>)
    %dma_start3A_19 = arith.constant 0 : i32
    %dma_start3A_20 = arith.constant 0 : i32
    %dma_start3A_21 = tpu.memref_slice %arg8[%dma_start3A_19, %dma_start3A_20] : memref<2x800xi32, #tpu.memory_space<vmem>> -> memref<1x800xi32, #tpu.memory_space<vmem>>
    %dma_start3A_22 = tpu.memref_squeeze %dma_start3A_21 : memref<1x800xi32, #tpu.memory_space<vmem>> -> memref<800xi32, #tpu.memory_space<vmem>>
    %dma_start3A_23 = tpu.memref_slice %arg4[%multiple_of3A_8] : memref<1600000xi32, #tpu.memory_space<hbm>> -> memref<800xi32, #tpu.memory_space<hbm>>
    %dma_start3A_24 = arith.constant 0 : i32
    %dma_start3A_25 = tpu.memref_slice %arg8[%dma_start3A_19, %dma_start3A_24] : memref<2x800xi32, #tpu.memory_space<vmem>> -> memref<1x800xi32, #tpu.memory_space<vmem>>
    %dma_start3A_26 = tpu.memref_squeeze %dma_start3A_25 : memref<1x800xi32, #tpu.memory_space<vmem>> -> memref<800xi32, #tpu.memory_space<vmem>>
    %dma_start3A_27 = tpu.memref_slice %arg4[%multiple_of3A_8] : memref<1600000xi32, #tpu.memory_space<hbm>> -> memref<800xi32, #tpu.memory_space<hbm>>
    tpu.enqueue_dma source(%dma_start3A_27 : memref<800xi32, #tpu.memory_space<hbm>>) target(%dma_start3A_26 : memref<800xi32, #tpu.memory_space<vmem>>) target_semaphore(%arg11 : memref<!tpu.dma_semaphore, #tpu.memory_space<semaphore_mem>>)
    %scan3A = arith.constant 0 : i32
    %scan3A_28 = arith.constant 0 : i32
    %scan3A_29 = arith.constant 125 : i32
    %scan3A_30 = arith.addi %scan3A_28, %scan3A_29 : i32
    %scan3A_31 = arith.constant 1 : i32
    scf.for %scan3A_144 = %scan3A_28 to %scan3A_30 step %scan3A_31  : i32 {
      %rem3A = arith.constant 2 : i32
      %rem3A_145 = arith.remsi %scan3A_144, %rem3A : i32
      %sub3A = arith.constant 1 : i32
      %sub3A_146 = arith.subi %sub3A, %rem3A_145 : i32
      %mul3A_147 = arith.constant 800 : i32
      %mul3A_148 = arith.muli %scan3A_144, %mul3A_147 : i32
      %add3A_149 = arith.addi %mul3A_2, %mul3A_148 : i32
      %multiple_of3A_150 = tpu.assume_multiple %add3A_149, 8 : i32
      %dma_wait3A_151 = arith.constant 0 : i32
      %dma_wait3A_152 = tpu.memref_slice %arg7[%rem3A_145, %dma_wait3A_151] : memref<2x800xi32, #tpu.memory_space<vmem>> -> memref<1x800xi32, #tpu.memory_space<vmem>>
      %dma_wait3A_153 = tpu.memref_squeeze %dma_wait3A_152 : memref<1x800xi32, #tpu.memory_space<vmem>> -> memref<800xi32, #tpu.memory_space<vmem>>
      %dma_wait3A_154 = tpu.memref_slice %arg3[%add3A_5, %multiple_of3A_150] : memref<4x1638400xi32, #tpu.memory_space<hbm>> -> memref<1x800xi32, #tpu.memory_space<hbm>>
      %dma_wait3A_155 = tpu.memref_squeeze %dma_wait3A_154 : memref<1x800xi32, #tpu.memory_space<hbm>> -> memref<800xi32, #tpu.memory_space<hbm>>
      %dma_wait3A_156 = arith.constant 0 : i32
      %dma_wait3A_157 = tpu.memref_slice %arg7[%rem3A_145, %dma_wait3A_156] : memref<2x800xi32, #tpu.memory_space<vmem>> -> memref<1x800xi32, #tpu.memory_space<vmem>>
      %dma_wait3A_158 = tpu.memref_squeeze %dma_wait3A_157 : memref<1x800xi32, #tpu.memory_space<vmem>> -> memref<800xi32, #tpu.memory_space<vmem>>
      %dma_wait3A_159 = tpu.memref_slice %arg3[%add3A_5, %multiple_of3A_150] : memref<4x1638400xi32, #tpu.memory_space<hbm>> -> memref<1x800xi32, #tpu.memory_space<hbm>>
      %dma_wait3A_160 = tpu.memref_squeeze %dma_wait3A_159 : memref<1x800xi32, #tpu.memory_space<hbm>> -> memref<800xi32, #tpu.memory_space<hbm>>
      tpu.wait_dma2 semaphore(%arg11 : memref<!tpu.dma_semaphore, #tpu.memory_space<semaphore_mem>>) src(%dma_wait3A_160 : memref<800xi32, #tpu.memory_space<hbm>>) dst(%dma_wait3A_158 : memref<800xi32, #tpu.memory_space<vmem>>)
      %dma_wait3A_161 = arith.constant 0 : i32
      %dma_wait3A_162 = tpu.memref_slice %arg8[%rem3A_145, %dma_wait3A_161] : memref<2x800xi32, #tpu.memory_space<vmem>> -> memref<1x800xi32, #tpu.memory_space<vmem>>
      %dma_wait3A_163 = tpu.memref_squeeze %dma_wait3A_162 : memref<1x800xi32, #tpu.memory_space<vmem>> -> memref<800xi32, #tpu.memory_space<vmem>>
      %dma_wait3A_164 = tpu.memref_slice %arg4[%multiple_of3A_150] : memref<1600000xi32, #tpu.memory_space<hbm>> -> memref<800xi32, #tpu.memory_space<hbm>>
      %dma_wait3A_165 = arith.constant 0 : i32
      %dma_wait3A_166 = tpu.memref_slice %arg8[%rem3A_145, %dma_wait3A_165] : memref<2x800xi32, #tpu.memory_space<vmem>> -> memref<1x800xi32, #tpu.memory_space<vmem>>
      %dma_wait3A_167 = tpu.memref_squeeze %dma_wait3A_166 : memref<1x800xi32, #tpu.memory_space<vmem>> -> memref<800xi32, #tpu.memory_space<vmem>>
      %dma_wait3A_168 = tpu.memref_slice %arg4[%multiple_of3A_150] : memref<1600000xi32, #tpu.memory_space<hbm>> -> memref<800xi32, #tpu.memory_space<hbm>>
      tpu.wait_dma2 semaphore(%arg11 : memref<!tpu.dma_semaphore, #tpu.memory_space<semaphore_mem>>) src(%dma_wait3A_168 : memref<800xi32, #tpu.memory_space<hbm>>) dst(%dma_wait3A_167 : memref<800xi32, #tpu.memory_space<vmem>>)
      %dma_start3A_169 = arith.constant 0 : i32
      %dma_start3A_170 = arith.constant 0 : i32
      %dma_start3A_171 = tpu.memref_slice %arg9[%rem3A_145, %dma_start3A_169, %dma_start3A_170] : memref<2x800x16xf32, #tpu.memory_space<vmem>> -> memref<1x800x16xf32, #tpu.memory_space<vmem>>
      %dma_start3A_172 = tpu.memref_squeeze %dma_start3A_171 : memref<1x800x16xf32, #tpu.memory_space<vmem>> -> memref<800x16xf32, #tpu.memory_space<vmem>>
      %dma_start3A_173 = arith.constant 0 : i32
      %dma_start3A_174 = tpu.memref_slice %arg7[%rem3A_145, %dma_start3A_173] : memref<2x800xi32, #tpu.memory_space<vmem>> -> memref<1x800xi32, #tpu.memory_space<vmem>>
      %dma_start3A_175 = tpu.memref_squeeze %dma_start3A_174 : memref<1x800xi32, #tpu.memory_space<vmem>> -> memref<800xi32, #tpu.memory_space<vmem>>
      %dma_start3A_176 = arith.constant 0 : i32
      %dma_start3A_177 = arith.constant 0 : i32
      %dma_start3A_178 = tpu.memref_slice %arg2[%dma_start3A_176, %dma_start3A_177] : memref<401408x16xf32, #tpu.memory_space<hbm>> -> memref<401408x16xf32, #tpu.memory_space<hbm>>
      tpu.enqueue_indirect_dma source(%dma_start3A_178 : memref<401408x16xf32, #tpu.memory_space<hbm>>) target(%dma_start3A_172 : memref<800x16xf32, #tpu.memory_space<vmem>>) offsets(%dma_start3A_175 : memref<800xi32, #tpu.memory_space<vmem>>) semaphore(%arg12 : memref<!tpu.dma_semaphore, #tpu.memory_space<semaphore_mem>>)
      %gt3A = arith.constant 0 : i32
      %gt3A_179 = arith.cmpi sgt, %scan3A_144, %gt3A : i32
      %convert_element_type3A = arith.extui %gt3A_179 : i1 to i32
      %cond3A = arith.constant 0 : i32
      %cond3A_180 = arith.cmpi ne, %convert_element_type3A, %cond3A : i32
      scf.if %cond3A_180 {
        %dma_wait3A_226 = arith.constant 0 : i32
        %dma_wait3A_227 = arith.constant 0 : i32
        %dma_wait3A_228 = tpu.memref_slice %arg9[%sub3A_146, %dma_wait3A_226, %dma_wait3A_227] : memref<2x800x16xf32, #tpu.memory_space<vmem>> -> memref<1x800x16xf32, #tpu.memory_space<vmem>>
        %dma_wait3A_229 = tpu.memref_squeeze %dma_wait3A_228 : memref<1x800x16xf32, #tpu.memory_space<vmem>> -> memref<800x16xf32, #tpu.memory_space<vmem>>
        %dma_wait3A_230 = arith.constant 0 : i32
        %dma_wait3A_231 = tpu.memref_slice %arg8[%sub3A_146, %dma_wait3A_230] : memref<2x800xi32, #tpu.memory_space<vmem>> -> memref<1x800xi32, #tpu.memory_space<vmem>>
        %dma_wait3A_232 = tpu.memref_squeeze %dma_wait3A_231 : memref<1x800xi32, #tpu.memory_space<vmem>> -> memref<800xi32, #tpu.memory_space<vmem>>
        %dma_wait3A_233 = arith.constant 0 : i32
        %dma_wait3A_234 = arith.constant 0 : i32
        %dma_wait3A_235 = tpu.memref_slice %arg10[%dma_wait3A_233, %dma_wait3A_234] : memref<100352x16xf32, #tpu.memory_space<vmem_shared>> -> memref<100352x16xf32, #tpu.memory_space<vmem_shared>>
        tpu.wait_indirect_dma semaphore(%arg13 : memref<!tpu.dma_semaphore, #tpu.memory_space<semaphore_mem>>) src(%dma_wait3A_229 : memref<800x16xf32, #tpu.memory_space<vmem>>) dst(%dma_wait3A_235 : memref<100352x16xf32, #tpu.memory_space<vmem_shared>>)
      } else {
      }
      %add3A_181 = arith.constant 1 : i32
      %add3A_182 = arith.addi %scan3A_144, %add3A_181 : i32
      %min3A = arith.constant 124 : i32
      %min3A_183 = arith.minsi %add3A_182, %min3A : i32
      %mul3A_184 = arith.constant 800 : i32
      %mul3A_185 = arith.muli %min3A_183, %mul3A_184 : i32
      %add3A_186 = arith.addi %mul3A_2, %mul3A_185 : i32
      %multiple_of3A_187 = tpu.assume_multiple %add3A_186, 8 : i32
      %dma_start3A_188 = arith.constant 0 : i32
      %dma_start3A_189 = tpu.memref_slice %arg7[%sub3A_146, %dma_start3A_188] : memref<2x800xi32, #tpu.memory_space<vmem>> -> memref<1x800xi32, #tpu.memory_space<vmem>>
      %dma_start3A_190 = tpu.memref_squeeze %dma_start3A_189 : memref<1x800xi32, #tpu.memory_space<vmem>> -> memref<800xi32, #tpu.memory_space<vmem>>
      %dma_start3A_191 = tpu.memref_slice %arg3[%add3A_5, %multiple_of3A_187] : memref<4x1638400xi32, #tpu.memory_space<hbm>> -> memref<1x800xi32, #tpu.memory_space<hbm>>
      %dma_start3A_192 = tpu.memref_squeeze %dma_start3A_191 : memref<1x800xi32, #tpu.memory_space<hbm>> -> memref<800xi32, #tpu.memory_space<hbm>>
      %dma_start3A_193 = arith.constant 0 : i32
      %dma_start3A_194 = tpu.memref_slice %arg7[%sub3A_146, %dma_start3A_193] : memref<2x800xi32, #tpu.memory_space<vmem>> -> memref<1x800xi32, #tpu.memory_space<vmem>>
      %dma_start3A_195 = tpu.memref_squeeze %dma_start3A_194 : memref<1x800xi32, #tpu.memory_space<vmem>> -> memref<800xi32, #tpu.memory_space<vmem>>
      %dma_start3A_196 = tpu.memref_slice %arg3[%add3A_5, %multiple_of3A_187] : memref<4x1638400xi32, #tpu.memory_space<hbm>> -> memref<1x800xi32, #tpu.memory_space<hbm>>
      %dma_start3A_197 = tpu.memref_squeeze %dma_start3A_196 : memref<1x800xi32, #tpu.memory_space<hbm>> -> memref<800xi32, #tpu.memory_space<hbm>>
      tpu.enqueue_dma source(%dma_start3A_197 : memref<800xi32, #tpu.memory_space<hbm>>) target(%dma_start3A_195 : memref<800xi32, #tpu.memory_space<vmem>>) target_semaphore(%arg11 : memref<!tpu.dma_semaphore, #tpu.memory_space<semaphore_mem>>)
      %dma_start3A_198 = arith.constant 0 : i32
      %dma_start3A_199 = tpu.memref_slice %arg8[%sub3A_146, %dma_start3A_198] : memref<2x800xi32, #tpu.memory_space<vmem>> -> memref<1x800xi32, #tpu.memory_space<vmem>>
      %dma_start3A_200 = tpu.memref_squeeze %dma_start3A_199 : memref<1x800xi32, #tpu.memory_space<vmem>> -> memref<800xi32, #tpu.memory_space<vmem>>
      %dma_start3A_201 = tpu.memref_slice %arg4[%multiple_of3A_187] : memref<1600000xi32, #tpu.memory_space<hbm>> -> memref<800xi32, #tpu.memory_space<hbm>>
      %dma_start3A_202 = arith.constant 0 : i32
      %dma_start3A_203 = tpu.memref_slice %arg8[%sub3A_146, %dma_start3A_202] : memref<2x800xi32, #tpu.memory_space<vmem>> -> memref<1x800xi32, #tpu.memory_space<vmem>>
      %dma_start3A_204 = tpu.memref_squeeze %dma_start3A_203 : memref<1x800xi32, #tpu.memory_space<vmem>> -> memref<800xi32, #tpu.memory_space<vmem>>
      %dma_start3A_205 = tpu.memref_slice %arg4[%multiple_of3A_187] : memref<1600000xi32, #tpu.memory_space<hbm>> -> memref<800xi32, #tpu.memory_space<hbm>>
      tpu.enqueue_dma source(%dma_start3A_205 : memref<800xi32, #tpu.memory_space<hbm>>) target(%dma_start3A_204 : memref<800xi32, #tpu.memory_space<vmem>>) target_semaphore(%arg11 : memref<!tpu.dma_semaphore, #tpu.memory_space<semaphore_mem>>)
      %dma_wait3A_206 = arith.constant 0 : i32
      %dma_wait3A_207 = arith.constant 0 : i32
      %dma_wait3A_208 = tpu.memref_slice %arg9[%rem3A_145, %dma_wait3A_206, %dma_wait3A_207] : memref<2x800x16xf32, #tpu.memory_space<vmem>> -> memref<1x800x16xf32, #tpu.memory_space<vmem>>
      %dma_wait3A_209 = tpu.memref_squeeze %dma_wait3A_208 : memref<1x800x16xf32, #tpu.memory_space<vmem>> -> memref<800x16xf32, #tpu.memory_space<vmem>>
      %dma_wait3A_210 = arith.constant 0 : i32
      %dma_wait3A_211 = tpu.memref_slice %arg7[%rem3A_145, %dma_wait3A_210] : memref<2x800xi32, #tpu.memory_space<vmem>> -> memref<1x800xi32, #tpu.memory_space<vmem>>
      %dma_wait3A_212 = tpu.memref_squeeze %dma_wait3A_211 : memref<1x800xi32, #tpu.memory_space<vmem>> -> memref<800xi32, #tpu.memory_space<vmem>>
      %dma_wait3A_213 = arith.constant 0 : i32
      %dma_wait3A_214 = arith.constant 0 : i32
      %dma_wait3A_215 = tpu.memref_slice %arg2[%dma_wait3A_213, %dma_wait3A_214] : memref<401408x16xf32, #tpu.memory_space<hbm>> -> memref<401408x16xf32, #tpu.memory_space<hbm>>
      tpu.wait_indirect_dma semaphore(%arg12 : memref<!tpu.dma_semaphore, #tpu.memory_space<semaphore_mem>>) src(%dma_wait3A_215 : memref<401408x16xf32, #tpu.memory_space<hbm>>) dst(%dma_wait3A_209 : memref<800x16xf32, #tpu.memory_space<vmem>>)
      %dma_start3A_216 = arith.constant 0 : i32
      %dma_start3A_217 = arith.constant 0 : i32
      %dma_start3A_218 = tpu.memref_slice %arg9[%rem3A_145, %dma_start3A_216, %dma_start3A_217] : memref<2x800x16xf32, #tpu.memory_space<vmem>> -> memref<1x800x16xf32, #tpu.memory_space<vmem>>
      %dma_start3A_219 = tpu.memref_squeeze %dma_start3A_218 : memref<1x800x16xf32, #tpu.memory_space<vmem>> -> memref<800x16xf32, #tpu.memory_space<vmem>>
      %dma_start3A_220 = arith.constant 0 : i32
      %dma_start3A_221 = tpu.memref_slice %arg8[%rem3A_145, %dma_start3A_220] : memref<2x800xi32, #tpu.memory_space<vmem>> -> memref<1x800xi32, #tpu.memory_space<vmem>>
      %dma_start3A_222 = tpu.memref_squeeze %dma_start3A_221 : memref<1x800xi32, #tpu.memory_space<vmem>> -> memref<800xi32, #tpu.memory_space<vmem>>
      %dma_start3A_223 = arith.constant 0 : i32
      %dma_start3A_224 = arith.constant 0 : i32
      %dma_start3A_225 = tpu.memref_slice %arg10[%dma_start3A_223, %dma_start3A_224] : memref<100352x16xf32, #tpu.memory_space<vmem_shared>> -> memref<100352x16xf32, #tpu.memory_space<vmem_shared>>
      tpu.enqueue_indirect_dma source(%dma_start3A_219 : memref<800x16xf32, #tpu.memory_space<vmem>>) target(%dma_start3A_225 : memref<100352x16xf32, #tpu.memory_space<vmem_shared>>) offsets(%dma_start3A_222 : memref<800xi32, #tpu.memory_space<vmem>>) semaphore(%arg13 : memref<!tpu.dma_semaphore, #tpu.memory_space<semaphore_mem>>) {add = true}
    }
    %scan3A_32 = arith.constant 125 : i32
    %add3A_33 = arith.constant 99200 : i32
    %add3A_34 = arith.addi %mul3A_2, %add3A_33 : i32
    %multiple_of3A_35 = tpu.assume_multiple %add3A_34, 8 : i32
    %dma_wait3A = arith.constant 1 : i32
    %dma_wait3A_36 = arith.constant 0 : i32
    %dma_wait3A_37 = tpu.memref_slice %arg7[%dma_wait3A, %dma_wait3A_36] : memref<2x800xi32, #tpu.memory_space<vmem>> -> memref<1x800xi32, #tpu.memory_space<vmem>>
    %dma_wait3A_38 = tpu.memref_squeeze %dma_wait3A_37 : memref<1x800xi32, #tpu.memory_space<vmem>> -> memref<800xi32, #tpu.memory_space<vmem>>
    %dma_wait3A_39 = tpu.memref_slice %arg3[%add3A_5, %multiple_of3A_35] : memref<4x1638400xi32, #tpu.memory_space<hbm>> -> memref<1x800xi32, #tpu.memory_space<hbm>>
    %dma_wait3A_40 = tpu.memref_squeeze %dma_wait3A_39 : memref<1x800xi32, #tpu.memory_space<hbm>> -> memref<800xi32, #tpu.memory_space<hbm>>
    %dma_wait3A_41 = arith.constant 0 : i32
    %dma_wait3A_42 = tpu.memref_slice %arg7[%dma_wait3A, %dma_wait3A_41] : memref<2x800xi32, #tpu.memory_space<vmem>> -> memref<1x800xi32, #tpu.memory_space<vmem>>
    %dma_wait3A_43 = tpu.memref_squeeze %dma_wait3A_42 : memref<1x800xi32, #tpu.memory_space<vmem>> -> memref<800xi32, #tpu.memory_space<vmem>>
    %dma_wait3A_44 = tpu.memref_slice %arg3[%add3A_5, %multiple_of3A_35] : memref<4x1638400xi32, #tpu.memory_space<hbm>> -> memref<1x800xi32, #tpu.memory_space<hbm>>
    %dma_wait3A_45 = tpu.memref_squeeze %dma_wait3A_44 : memref<1x800xi32, #tpu.memory_space<hbm>> -> memref<800xi32, #tpu.memory_space<hbm>>
    tpu.wait_dma2 semaphore(%arg11 : memref<!tpu.dma_semaphore, #tpu.memory_space<semaphore_mem>>) src(%dma_wait3A_45 : memref<800xi32, #tpu.memory_space<hbm>>) dst(%dma_wait3A_43 : memref<800xi32, #tpu.memory_space<vmem>>)
    %dma_wait3A_46 = arith.constant 1 : i32
    %dma_wait3A_47 = arith.constant 0 : i32
    %dma_wait3A_48 = tpu.memref_slice %arg8[%dma_wait3A_46, %dma_wait3A_47] : memref<2x800xi32, #tpu.memory_space<vmem>> -> memref<1x800xi32, #tpu.memory_space<vmem>>
    %dma_wait3A_49 = tpu.memref_squeeze %dma_wait3A_48 : memref<1x800xi32, #tpu.memory_space<vmem>> -> memref<800xi32, #tpu.memory_space<vmem>>
    %dma_wait3A_50 = tpu.memref_slice %arg4[%multiple_of3A_35] : memref<1600000xi32, #tpu.memory_space<hbm>> -> memref<800xi32, #tpu.memory_space<hbm>>
    %dma_wait3A_51 = arith.constant 0 : i32
    %dma_wait3A_52 = tpu.memref_slice %arg8[%dma_wait3A_46, %dma_wait3A_51] : memref<2x800xi32, #tpu.memory_space<vmem>> -> memref<1x800xi32, #tpu.memory_space<vmem>>
    %dma_wait3A_53 = tpu.memref_squeeze %dma_wait3A_52 : memref<1x800xi32, #tpu.memory_space<vmem>> -> memref<800xi32, #tpu.memory_space<vmem>>
    %dma_wait3A_54 = tpu.memref_slice %arg4[%multiple_of3A_35] : memref<1600000xi32, #tpu.memory_space<hbm>> -> memref<800xi32, #tpu.memory_space<hbm>>
    tpu.wait_dma2 semaphore(%arg11 : memref<!tpu.dma_semaphore, #tpu.memory_space<semaphore_mem>>) src(%dma_wait3A_54 : memref<800xi32, #tpu.memory_space<hbm>>) dst(%dma_wait3A_53 : memref<800xi32, #tpu.memory_space<vmem>>)
    %dma_wait3A_55 = arith.constant 0 : i32
    %dma_wait3A_56 = arith.constant 0 : i32
    %dma_wait3A_57 = arith.constant 0 : i32
    %dma_wait3A_58 = arith.constant 0 : i32
    %dma_wait3A_59 = tpu.memref_slice %arg9[%dma_wait3A_55, %dma_wait3A_57, %dma_wait3A_58] : memref<2x800x16xf32, #tpu.memory_space<vmem>> -> memref<1x800x16xf32, #tpu.memory_space<vmem>>
    %dma_wait3A_60 = tpu.memref_squeeze %dma_wait3A_59 : memref<1x800x16xf32, #tpu.memory_space<vmem>> -> memref<800x16xf32, #tpu.memory_space<vmem>>
    %dma_wait3A_61 = arith.constant 0 : i32
    %dma_wait3A_62 = tpu.memref_slice %arg8[%dma_wait3A_56, %dma_wait3A_61] : memref<2x800xi32, #tpu.memory_space<vmem>> -> memref<1x800xi32, #tpu.memory_space<vmem>>
    %dma_wait3A_63 = tpu.memref_squeeze %dma_wait3A_62 : memref<1x800xi32, #tpu.memory_space<vmem>> -> memref<800xi32, #tpu.memory_space<vmem>>
    %dma_wait3A_64 = arith.constant 0 : i32
    %dma_wait3A_65 = arith.constant 0 : i32
    %dma_wait3A_66 = tpu.memref_slice %arg10[%dma_wait3A_64, %dma_wait3A_65] : memref<100352x16xf32, #tpu.memory_space<vmem_shared>> -> memref<100352x16xf32, #tpu.memory_space<vmem_shared>>
    tpu.wait_indirect_dma semaphore(%arg13 : memref<!tpu.dma_semaphore, #tpu.memory_space<semaphore_mem>>) src(%dma_wait3A_60 : memref<800x16xf32, #tpu.memory_space<vmem>>) dst(%dma_wait3A_66 : memref<100352x16xf32, #tpu.memory_space<vmem_shared>>)
    %barrier3A_67 = arith.constant 0 : index
    tpu.barrier barrier_id(%barrier3A_67)
    %mul3A_68 = arith.constant 16 : i32
    %mul3A_69 = arith.muli %mul3A_68, %add3A_5 : i32
    "tpu.region"() ({
      %run_scoped3A = tpu.sem_alloc : memref<!tpu.dma_semaphore, #tpu.memory_space<semaphore_mem>>
      %dma_start3A_144 = tpu.memref_slice %arg6[%multiple_of3A, %mul3A_69] : memref<100352x64xf32, #tpu.memory_space<hbm>> -> memref<6272x16xf32, #tpu.memory_space<hbm>>
      %dma_start3A_145 = arith.constant 0 : i32
      %dma_start3A_146 = tpu.memref_slice %arg10[%multiple_of3A, %dma_start3A_145] : memref<100352x16xf32, #tpu.memory_space<vmem_shared>> -> memref<6272x16xf32, #tpu.memory_space<vmem_shared>>
      tpu.enqueue_dma source(%dma_start3A_146 : memref<6272x16xf32, #tpu.memory_space<vmem_shared>>) target(%dma_start3A_144 : memref<6272x16xf32, #tpu.memory_space<hbm>>) target_semaphore(%run_scoped3A : memref<!tpu.dma_semaphore, #tpu.memory_space<semaphore_mem>>)
      %dma_wait3A_147 = tpu.memref_slice %arg6[%multiple_of3A, %mul3A_69] : memref<100352x64xf32, #tpu.memory_space<hbm>> -> memref<6272x16xf32, #tpu.memory_space<hbm>>
      %dma_wait3A_148 = arith.constant 0 : i32
      %dma_wait3A_149 = tpu.memref_slice %arg10[%multiple_of3A, %dma_wait3A_148] : memref<100352x16xf32, #tpu.memory_space<vmem_shared>> -> memref<6272x16xf32, #tpu.memory_space<vmem_shared>>
      tpu.wait_dma2 semaphore(%run_scoped3A : memref<!tpu.dma_semaphore, #tpu.memory_space<semaphore_mem>>) src(%dma_wait3A_149 : memref<6272x16xf32, #tpu.memory_space<vmem_shared>>) dst(%dma_wait3A_147 : memref<6272x16xf32, #tpu.memory_space<hbm>>)
      tpu.yield
    }) : () -> ()
    %barrier3A_70 = arith.constant 0 : index
    tpu.barrier barrier_id(%barrier3A_70)
    %mul3A_71 = arith.constant 2 : i32
    %mul3A_72 = arith.muli %arg0, %mul3A_71 : i32
    %add3A_73 = arith.constant 1 : i32
    %add3A_74 = arith.addi %mul3A_72, %add3A_73 : i32
    "tpu.region"() ({
      %run_scoped3A = tpu.sem_alloc : memref<!tpu.dma_semaphore, #tpu.memory_space<semaphore_mem>>
      %dma_start3A_144 = arith.constant 0 : i32
      %dma_start3A_145 = tpu.memref_slice %arg10[%multiple_of3A, %dma_start3A_144] : memref<100352x16xf32, #tpu.memory_space<vmem_shared>> -> memref<6272x16xf32, #tpu.memory_space<vmem_shared>>
      tpu.enqueue_dma source(%arg5 : memref<6272x16xf32, #tpu.memory_space<hbm>>) target(%dma_start3A_145 : memref<6272x16xf32, #tpu.memory_space<vmem_shared>>) target_semaphore(%run_scoped3A : memref<!tpu.dma_semaphore, #tpu.memory_space<semaphore_mem>>)
      %dma_wait3A_146 = arith.constant 0 : i32
      %dma_wait3A_147 = tpu.memref_slice %arg10[%multiple_of3A, %dma_wait3A_146] : memref<100352x16xf32, #tpu.memory_space<vmem_shared>> -> memref<6272x16xf32, #tpu.memory_space<vmem_shared>>
      tpu.wait_dma2 semaphore(%run_scoped3A : memref<!tpu.dma_semaphore, #tpu.memory_space<semaphore_mem>>) src(%arg5 : memref<6272x16xf32, #tpu.memory_space<hbm>>) dst(%dma_wait3A_147 : memref<6272x16xf32, #tpu.memory_space<vmem_shared>>)
      tpu.yield
    }) : () -> ()
    %barrier3A_75 = arith.constant 0 : index
    tpu.barrier barrier_id(%barrier3A_75)
    %add3A_76 = arith.constant 0 : i32
    %add3A_77 = arith.addi %mul3A_2, %add3A_76 : i32
    %multiple_of3A_78 = tpu.assume_multiple %add3A_77, 8 : i32
    %dma_start3A_79 = arith.constant 0 : i32
    %dma_start3A_80 = arith.constant 0 : i32
    %dma_start3A_81 = tpu.memref_slice %arg7[%dma_start3A_79, %dma_start3A_80] : memref<2x800xi32, #tpu.memory_space<vmem>> -> memref<1x800xi32, #tpu.memory_space<vmem>>
    %dma_start3A_82 = tpu.memref_squeeze %dma_start3A_81 : memref<1x800xi32, #tpu.memory_space<vmem>> -> memref<800xi32, #tpu.memory_space<vmem>>
    %dma_start3A_83 = tpu.memref_slice %arg3[%add3A_74, %multiple_of3A_78] : memref<4x1638400xi32, #tpu.memory_space<hbm>> -> memref<1x800xi32, #tpu.memory_space<hbm>>
    %dma_start3A_84 = tpu.memref_squeeze %dma_start3A_83 : memref<1x800xi32, #tpu.memory_space<hbm>> -> memref<800xi32, #tpu.memory_space<hbm>>
    %dma_start3A_85 = arith.constant 0 : i32
    %dma_start3A_86 = tpu.memref_slice %arg7[%dma_start3A_79, %dma_start3A_85] : memref<2x800xi32, #tpu.memory_space<vmem>> -> memref<1x800xi32, #tpu.memory_space<vmem>>
    %dma_start3A_87 = tpu.memref_squeeze %dma_start3A_86 : memref<1x800xi32, #tpu.memory_space<vmem>> -> memref<800xi32, #tpu.memory_space<vmem>>
    %dma_start3A_88 = tpu.memref_slice %arg3[%add3A_74, %multiple_of3A_78] : memref<4x1638400xi32, #tpu.memory_space<hbm>> -> memref<1x800xi32, #tpu.memory_space<hbm>>
    %dma_start3A_89 = tpu.memref_squeeze %dma_start3A_88 : memref<1x800xi32, #tpu.memory_space<hbm>> -> memref<800xi32, #tpu.memory_space<hbm>>
    tpu.enqueue_dma source(%dma_start3A_89 : memref<800xi32, #tpu.memory_space<hbm>>) target(%dma_start3A_87 : memref<800xi32, #tpu.memory_space<vmem>>) target_semaphore(%arg11 : memref<!tpu.dma_semaphore, #tpu.memory_space<semaphore_mem>>)
    %dma_start3A_90 = arith.constant 0 : i32
    %dma_start3A_91 = arith.constant 0 : i32
    %dma_start3A_92 = tpu.memref_slice %arg8[%dma_start3A_90, %dma_start3A_91] : memref<2x800xi32, #tpu.memory_space<vmem>> -> memref<1x800xi32, #tpu.memory_space<vmem>>
    %dma_start3A_93 = tpu.memref_squeeze %dma_start3A_92 : memref<1x800xi32, #tpu.memory_space<vmem>> -> memref<800xi32, #tpu.memory_space<vmem>>
    %dma_start3A_94 = tpu.memref_slice %arg4[%multiple_of3A_78] : memref<1600000xi32, #tpu.memory_space<hbm>> -> memref<800xi32, #tpu.memory_space<hbm>>
    %dma_start3A_95 = arith.constant 0 : i32
    %dma_start3A_96 = tpu.memref_slice %arg8[%dma_start3A_90, %dma_start3A_95] : memref<2x800xi32, #tpu.memory_space<vmem>> -> memref<1x800xi32, #tpu.memory_space<vmem>>
    %dma_start3A_97 = tpu.memref_squeeze %dma_start3A_96 : memref<1x800xi32, #tpu.memory_space<vmem>> -> memref<800xi32, #tpu.memory_space<vmem>>
    %dma_start3A_98 = tpu.memref_slice %arg4[%multiple_of3A_78] : memref<1600000xi32, #tpu.memory_space<hbm>> -> memref<800xi32, #tpu.memory_space<hbm>>
    tpu.enqueue_dma source(%dma_start3A_98 : memref<800xi32, #tpu.memory_space<hbm>>) target(%dma_start3A_97 : memref<800xi32, #tpu.memory_space<vmem>>) target_semaphore(%arg11 : memref<!tpu.dma_semaphore, #tpu.memory_space<semaphore_mem>>)
    %scan3A_99 = arith.constant 0 : i32
    %scan3A_100 = arith.constant 0 : i32
    %scan3A_101 = arith.constant 125 : i32
    %scan3A_102 = arith.addi %scan3A_100, %scan3A_101 : i32
    %scan3A_103 = arith.constant 1 : i32
    scf.for %scan3A_144 = %scan3A_100 to %scan3A_102 step %scan3A_103  : i32 {
      %rem3A = arith.constant 2 : i32
      %rem3A_145 = arith.remsi %scan3A_144, %rem3A : i32
      %sub3A = arith.constant 1 : i32
      %sub3A_146 = arith.subi %sub3A, %rem3A_145 : i32
      %mul3A_147 = arith.constant 800 : i32
      %mul3A_148 = arith.muli %scan3A_144, %mul3A_147 : i32
      %add3A_149 = arith.addi %mul3A_2, %mul3A_148 : i32
      %multiple_of3A_150 = tpu.assume_multiple %add3A_149, 8 : i32
      %dma_wait3A_151 = arith.constant 0 : i32
      %dma_wait3A_152 = tpu.memref_slice %arg7[%rem3A_145, %dma_wait3A_151] : memref<2x800xi32, #tpu.memory_space<vmem>> -> memref<1x800xi32, #tpu.memory_space<vmem>>
      %dma_wait3A_153 = tpu.memref_squeeze %dma_wait3A_152 : memref<1x800xi32, #tpu.memory_space<vmem>> -> memref<800xi32, #tpu.memory_space<vmem>>
      %dma_wait3A_154 = tpu.memref_slice %arg3[%add3A_74, %multiple_of3A_150] : memref<4x1638400xi32, #tpu.memory_space<hbm>> -> memref<1x800xi32, #tpu.memory_space<hbm>>
      %dma_wait3A_155 = tpu.memref_squeeze %dma_wait3A_154 : memref<1x800xi32, #tpu.memory_space<hbm>> -> memref<800xi32, #tpu.memory_space<hbm>>
      %dma_wait3A_156 = arith.constant 0 : i32
      %dma_wait3A_157 = tpu.memref_slice %arg7[%rem3A_145, %dma_wait3A_156] : memref<2x800xi32, #tpu.memory_space<vmem>> -> memref<1x800xi32, #tpu.memory_space<vmem>>
      %dma_wait3A_158 = tpu.memref_squeeze %dma_wait3A_157 : memref<1x800xi32, #tpu.memory_space<vmem>> -> memref<800xi32, #tpu.memory_space<vmem>>
      %dma_wait3A_159 = tpu.memref_slice %arg3[%add3A_74, %multiple_of3A_150] : memref<4x1638400xi32, #tpu.memory_space<hbm>> -> memref<1x800xi32, #tpu.memory_space<hbm>>
      %dma_wait3A_160 = tpu.memref_squeeze %dma_wait3A_159 : memref<1x800xi32, #tpu.memory_space<hbm>> -> memref<800xi32, #tpu.memory_space<hbm>>
      tpu.wait_dma2 semaphore(%arg11 : memref<!tpu.dma_semaphore, #tpu.memory_space<semaphore_mem>>) src(%dma_wait3A_160 : memref<800xi32, #tpu.memory_space<hbm>>) dst(%dma_wait3A_158 : memref<800xi32, #tpu.memory_space<vmem>>)
      %dma_wait3A_161 = arith.constant 0 : i32
      %dma_wait3A_162 = tpu.memref_slice %arg8[%rem3A_145, %dma_wait3A_161] : memref<2x800xi32, #tpu.memory_space<vmem>> -> memref<1x800xi32, #tpu.memory_space<vmem>>
      %dma_wait3A_163 = tpu.memref_squeeze %dma_wait3A_162 : memref<1x800xi32, #tpu.memory_space<vmem>> -> memref<800xi32, #tpu.memory_space<vmem>>
      %dma_wait3A_164 = tpu.memref_slice %arg4[%multiple_of3A_150] : memref<1600000xi32, #tpu.memory_space<hbm>> -> memref<800xi32, #tpu.memory_space<hbm>>
      %dma_wait3A_165 = arith.constant 0 : i32
      %dma_wait3A_166 = tpu.memref_slice %arg8[%rem3A_145, %dma_wait3A_165] : memref<2x800xi32, #tpu.memory_space<vmem>> -> memref<1x800xi32, #tpu.memory_space<vmem>>
      %dma_wait3A_167 = tpu.memref_squeeze %dma_wait3A_166 : memref<1x800xi32, #tpu.memory_space<vmem>> -> memref<800xi32, #tpu.memory_space<vmem>>
      %dma_wait3A_168 = tpu.memref_slice %arg4[%multiple_of3A_150] : memref<1600000xi32, #tpu.memory_space<hbm>> -> memref<800xi32, #tpu.memory_space<hbm>>
      tpu.wait_dma2 semaphore(%arg11 : memref<!tpu.dma_semaphore, #tpu.memory_space<semaphore_mem>>) src(%dma_wait3A_168 : memref<800xi32, #tpu.memory_space<hbm>>) dst(%dma_wait3A_167 : memref<800xi32, #tpu.memory_space<vmem>>)
      %dma_start3A_169 = arith.constant 0 : i32
      %dma_start3A_170 = arith.constant 0 : i32
      %dma_start3A_171 = tpu.memref_slice %arg9[%rem3A_145, %dma_start3A_169, %dma_start3A_170] : memref<2x800x16xf32, #tpu.memory_space<vmem>> -> memref<1x800x16xf32, #tpu.memory_space<vmem>>
      %dma_start3A_172 = tpu.memref_squeeze %dma_start3A_171 : memref<1x800x16xf32, #tpu.memory_space<vmem>> -> memref<800x16xf32, #tpu.memory_space<vmem>>
      %dma_start3A_173 = arith.constant 0 : i32
      %dma_start3A_174 = tpu.memref_slice %arg7[%rem3A_145, %dma_start3A_173] : memref<2x800xi32, #tpu.memory_space<vmem>> -> memref<1x800xi32, #tpu.memory_space<vmem>>
      %dma_start3A_175 = tpu.memref_squeeze %dma_start3A_174 : memref<1x800xi32, #tpu.memory_space<vmem>> -> memref<800xi32, #tpu.memory_space<vmem>>
      %dma_start3A_176 = arith.constant 0 : i32
      %dma_start3A_177 = arith.constant 0 : i32
      %dma_start3A_178 = tpu.memref_slice %arg2[%dma_start3A_176, %dma_start3A_177] : memref<401408x16xf32, #tpu.memory_space<hbm>> -> memref<401408x16xf32, #tpu.memory_space<hbm>>
      tpu.enqueue_indirect_dma source(%dma_start3A_178 : memref<401408x16xf32, #tpu.memory_space<hbm>>) target(%dma_start3A_172 : memref<800x16xf32, #tpu.memory_space<vmem>>) offsets(%dma_start3A_175 : memref<800xi32, #tpu.memory_space<vmem>>) semaphore(%arg12 : memref<!tpu.dma_semaphore, #tpu.memory_space<semaphore_mem>>)
      %gt3A = arith.constant 0 : i32
      %gt3A_179 = arith.cmpi sgt, %scan3A_144, %gt3A : i32
      %convert_element_type3A = arith.extui %gt3A_179 : i1 to i32
      %cond3A = arith.constant 0 : i32
      %cond3A_180 = arith.cmpi ne, %convert_element_type3A, %cond3A : i32
      scf.if %cond3A_180 {
        %dma_wait3A_226 = arith.constant 0 : i32
        %dma_wait3A_227 = arith.constant 0 : i32
        %dma_wait3A_228 = tpu.memref_slice %arg9[%sub3A_146, %dma_wait3A_226, %dma_wait3A_227] : memref<2x800x16xf32, #tpu.memory_space<vmem>> -> memref<1x800x16xf32, #tpu.memory_space<vmem>>
        %dma_wait3A_229 = tpu.memref_squeeze %dma_wait3A_228 : memref<1x800x16xf32, #tpu.memory_space<vmem>> -> memref<800x16xf32, #tpu.memory_space<vmem>>
        %dma_wait3A_230 = arith.constant 0 : i32
        %dma_wait3A_231 = tpu.memref_slice %arg8[%sub3A_146, %dma_wait3A_230] : memref<2x800xi32, #tpu.memory_space<vmem>> -> memref<1x800xi32, #tpu.memory_space<vmem>>
        %dma_wait3A_232 = tpu.memref_squeeze %dma_wait3A_231 : memref<1x800xi32, #tpu.memory_space<vmem>> -> memref<800xi32, #tpu.memory_space<vmem>>
        %dma_wait3A_233 = arith.constant 0 : i32
        %dma_wait3A_234 = arith.constant 0 : i32
        %dma_wait3A_235 = tpu.memref_slice %arg10[%dma_wait3A_233, %dma_wait3A_234] : memref<100352x16xf32, #tpu.memory_space<vmem_shared>> -> memref<100352x16xf32, #tpu.memory_space<vmem_shared>>
        tpu.wait_indirect_dma semaphore(%arg13 : memref<!tpu.dma_semaphore, #tpu.memory_space<semaphore_mem>>) src(%dma_wait3A_229 : memref<800x16xf32, #tpu.memory_space<vmem>>) dst(%dma_wait3A_235 : memref<100352x16xf32, #tpu.memory_space<vmem_shared>>)
      } else {
      }
      %add3A_181 = arith.constant 1 : i32
      %add3A_182 = arith.addi %scan3A_144, %add3A_181 : i32
      %min3A = arith.constant 124 : i32
      %min3A_183 = arith.minsi %add3A_182, %min3A : i32
      %mul3A_184 = arith.constant 800 : i32
      %mul3A_185 = arith.muli %min3A_183, %mul3A_184 : i32
      %add3A_186 = arith.addi %mul3A_2, %mul3A_185 : i32
      %multiple_of3A_187 = tpu.assume_multiple %add3A_186, 8 : i32
      %dma_start3A_188 = arith.constant 0 : i32
      %dma_start3A_189 = tpu.memref_slice %arg7[%sub3A_146, %dma_start3A_188] : memref<2x800xi32, #tpu.memory_space<vmem>> -> memref<1x800xi32, #tpu.memory_space<vmem>>
      %dma_start3A_190 = tpu.memref_squeeze %dma_start3A_189 : memref<1x800xi32, #tpu.memory_space<vmem>> -> memref<800xi32, #tpu.memory_space<vmem>>
      %dma_start3A_191 = tpu.memref_slice %arg3[%add3A_74, %multiple_of3A_187] : memref<4x1638400xi32, #tpu.memory_space<hbm>> -> memref<1x800xi32, #tpu.memory_space<hbm>>
      %dma_start3A_192 = tpu.memref_squeeze %dma_start3A_191 : memref<1x800xi32, #tpu.memory_space<hbm>> -> memref<800xi32, #tpu.memory_space<hbm>>
      %dma_start3A_193 = arith.constant 0 : i32
      %dma_start3A_194 = tpu.memref_slice %arg7[%sub3A_146, %dma_start3A_193] : memref<2x800xi32, #tpu.memory_space<vmem>> -> memref<1x800xi32, #tpu.memory_space<vmem>>
      %dma_start3A_195 = tpu.memref_squeeze %dma_start3A_194 : memref<1x800xi32, #tpu.memory_space<vmem>> -> memref<800xi32, #tpu.memory_space<vmem>>
      %dma_start3A_196 = tpu.memref_slice %arg3[%add3A_74, %multiple_of3A_187] : memref<4x1638400xi32, #tpu.memory_space<hbm>> -> memref<1x800xi32, #tpu.memory_space<hbm>>
      %dma_start3A_197 = tpu.memref_squeeze %dma_start3A_196 : memref<1x800xi32, #tpu.memory_space<hbm>> -> memref<800xi32, #tpu.memory_space<hbm>>
      tpu.enqueue_dma source(%dma_start3A_197 : memref<800xi32, #tpu.memory_space<hbm>>) target(%dma_start3A_195 : memref<800xi32, #tpu.memory_space<vmem>>) target_semaphore(%arg11 : memref<!tpu.dma_semaphore, #tpu.memory_space<semaphore_mem>>)
      %dma_start3A_198 = arith.constant 0 : i32
      %dma_start3A_199 = tpu.memref_slice %arg8[%sub3A_146, %dma_start3A_198] : memref<2x800xi32, #tpu.memory_space<vmem>> -> memref<1x800xi32, #tpu.memory_space<vmem>>
      %dma_start3A_200 = tpu.memref_squeeze %dma_start3A_199 : memref<1x800xi32, #tpu.memory_space<vmem>> -> memref<800xi32, #tpu.memory_space<vmem>>
      %dma_start3A_201 = tpu.memref_slice %arg4[%multiple_of3A_187] : memref<1600000xi32, #tpu.memory_space<hbm>> -> memref<800xi32, #tpu.memory_space<hbm>>
      %dma_start3A_202 = arith.constant 0 : i32
      %dma_start3A_203 = tpu.memref_slice %arg8[%sub3A_146, %dma_start3A_202] : memref<2x800xi32, #tpu.memory_space<vmem>> -> memref<1x800xi32, #tpu.memory_space<vmem>>
      %dma_start3A_204 = tpu.memref_squeeze %dma_start3A_203 : memref<1x800xi32, #tpu.memory_space<vmem>> -> memref<800xi32, #tpu.memory_space<vmem>>
      %dma_start3A_205 = tpu.memref_slice %arg4[%multiple_of3A_187] : memref<1600000xi32, #tpu.memory_space<hbm>> -> memref<800xi32, #tpu.memory_space<hbm>>
      tpu.enqueue_dma source(%dma_start3A_205 : memref<800xi32, #tpu.memory_space<hbm>>) target(%dma_start3A_204 : memref<800xi32, #tpu.memory_space<vmem>>) target_semaphore(%arg11 : memref<!tpu.dma_semaphore, #tpu.memory_space<semaphore_mem>>)
      %dma_wait3A_206 = arith.constant 0 : i32
      %dma_wait3A_207 = arith.constant 0 : i32
      %dma_wait3A_208 = tpu.memref_slice %arg9[%rem3A_145, %dma_wait3A_206, %dma_wait3A_207] : memref<2x800x16xf32, #tpu.memory_space<vmem>> -> memref<1x800x16xf32, #tpu.memory_space<vmem>>
      %dma_wait3A_209 = tpu.memref_squeeze %dma_wait3A_208 : memref<1x800x16xf32, #tpu.memory_space<vmem>> -> memref<800x16xf32, #tpu.memory_space<vmem>>
      %dma_wait3A_210 = arith.constant 0 : i32
      %dma_wait3A_211 = tpu.memref_slice %arg7[%rem3A_145, %dma_wait3A_210] : memref<2x800xi32, #tpu.memory_space<vmem>> -> memref<1x800xi32, #tpu.memory_space<vmem>>
      %dma_wait3A_212 = tpu.memref_squeeze %dma_wait3A_211 : memref<1x800xi32, #tpu.memory_space<vmem>> -> memref<800xi32, #tpu.memory_space<vmem>>
      %dma_wait3A_213 = arith.constant 0 : i32
      %dma_wait3A_214 = arith.constant 0 : i32
      %dma_wait3A_215 = tpu.memref_slice %arg2[%dma_wait3A_213, %dma_wait3A_214] : memref<401408x16xf32, #tpu.memory_space<hbm>> -> memref<401408x16xf32, #tpu.memory_space<hbm>>
      tpu.wait_indirect_dma semaphore(%arg12 : memref<!tpu.dma_semaphore, #tpu.memory_space<semaphore_mem>>) src(%dma_wait3A_215 : memref<401408x16xf32, #tpu.memory_space<hbm>>) dst(%dma_wait3A_209 : memref<800x16xf32, #tpu.memory_space<vmem>>)
      %dma_start3A_216 = arith.constant 0 : i32
      %dma_start3A_217 = arith.constant 0 : i32
      %dma_start3A_218 = tpu.memref_slice %arg9[%rem3A_145, %dma_start3A_216, %dma_start3A_217] : memref<2x800x16xf32, #tpu.memory_space<vmem>> -> memref<1x800x16xf32, #tpu.memory_space<vmem>>
      %dma_start3A_219 = tpu.memref_squeeze %dma_start3A_218 : memref<1x800x16xf32, #tpu.memory_space<vmem>> -> memref<800x16xf32, #tpu.memory_space<vmem>>
      %dma_start3A_220 = arith.constant 0 : i32
      %dma_start3A_221 = tpu.memref_slice %arg8[%rem3A_145, %dma_start3A_220] : memref<2x800xi32, #tpu.memory_space<vmem>> -> memref<1x800xi32, #tpu.memory_space<vmem>>
      %dma_start3A_222 = tpu.memref_squeeze %dma_start3A_221 : memref<1x800xi32, #tpu.memory_space<vmem>> -> memref<800xi32, #tpu.memory_space<vmem>>
      %dma_start3A_223 = arith.constant 0 : i32
      %dma_start3A_224 = arith.constant 0 : i32
      %dma_start3A_225 = tpu.memref_slice %arg10[%dma_start3A_223, %dma_start3A_224] : memref<100352x16xf32, #tpu.memory_space<vmem_shared>> -> memref<100352x16xf32, #tpu.memory_space<vmem_shared>>
      tpu.enqueue_indirect_dma source(%dma_start3A_219 : memref<800x16xf32, #tpu.memory_space<vmem>>) target(%dma_start3A_225 : memref<100352x16xf32, #tpu.memory_space<vmem_shared>>) offsets(%dma_start3A_222 : memref<800xi32, #tpu.memory_space<vmem>>) semaphore(%arg13 : memref<!tpu.dma_semaphore, #tpu.memory_space<semaphore_mem>>) {add = true}
    }
    %scan3A_104 = arith.constant 125 : i32
    %add3A_105 = arith.constant 99200 : i32
    %add3A_106 = arith.addi %mul3A_2, %add3A_105 : i32
    %multiple_of3A_107 = tpu.assume_multiple %add3A_106, 8 : i32
    %dma_wait3A_108 = arith.constant 1 : i32
    %dma_wait3A_109 = arith.constant 0 : i32
    %dma_wait3A_110 = tpu.memref_slice %arg7[%dma_wait3A_108, %dma_wait3A_109] : memref<2x800xi32, #tpu.memory_space<vmem>> -> memref<1x800xi32, #tpu.memory_space<vmem>>
    %dma_wait3A_111 = tpu.memref_squeeze %dma_wait3A_110 : memref<1x800xi32, #tpu.memory_space<vmem>> -> memref<800xi32, #tpu.memory_space<vmem>>
    %dma_wait3A_112 = tpu.memref_slice %arg3[%add3A_74, %multiple_of3A_107] : memref<4x1638400xi32, #tpu.memory_space<hbm>> -> memref<1x800xi32, #tpu.memory_space<hbm>>
    %dma_wait3A_113 = tpu.memref_squeeze %dma_wait3A_112 : memref<1x800xi32, #tpu.memory_space<hbm>> -> memref<800xi32, #tpu.memory_space<hbm>>
    %dma_wait3A_114 = arith.constant 0 : i32
    %dma_wait3A_115 = tpu.memref_slice %arg7[%dma_wait3A_108, %dma_wait3A_114] : memref<2x800xi32, #tpu.memory_space<vmem>> -> memref<1x800xi32, #tpu.memory_space<vmem>>
    %dma_wait3A_116 = tpu.memref_squeeze %dma_wait3A_115 : memref<1x800xi32, #tpu.memory_space<vmem>> -> memref<800xi32, #tpu.memory_space<vmem>>
    %dma_wait3A_117 = tpu.memref_slice %arg3[%add3A_74, %multiple_of3A_107] : memref<4x1638400xi32, #tpu.memory_space<hbm>> -> memref<1x800xi32, #tpu.memory_space<hbm>>
    %dma_wait3A_118 = tpu.memref_squeeze %dma_wait3A_117 : memref<1x800xi32, #tpu.memory_space<hbm>> -> memref<800xi32, #tpu.memory_space<hbm>>
    tpu.wait_dma2 semaphore(%arg11 : memref<!tpu.dma_semaphore, #tpu.memory_space<semaphore_mem>>) src(%dma_wait3A_118 : memref<800xi32, #tpu.memory_space<hbm>>) dst(%dma_wait3A_116 : memref<800xi32, #tpu.memory_space<vmem>>)
    %dma_wait3A_119 = arith.constant 1 : i32
    %dma_wait3A_120 = arith.constant 0 : i32
    %dma_wait3A_121 = tpu.memref_slice %arg8[%dma_wait3A_119, %dma_wait3A_120] : memref<2x800xi32, #tpu.memory_space<vmem>> -> memref<1x800xi32, #tpu.memory_space<vmem>>
    %dma_wait3A_122 = tpu.memref_squeeze %dma_wait3A_121 : memref<1x800xi32, #tpu.memory_space<vmem>> -> memref<800xi32, #tpu.memory_space<vmem>>
    %dma_wait3A_123 = tpu.memref_slice %arg4[%multiple_of3A_107] : memref<1600000xi32, #tpu.memory_space<hbm>> -> memref<800xi32, #tpu.memory_space<hbm>>
    %dma_wait3A_124 = arith.constant 0 : i32
    %dma_wait3A_125 = tpu.memref_slice %arg8[%dma_wait3A_119, %dma_wait3A_124] : memref<2x800xi32, #tpu.memory_space<vmem>> -> memref<1x800xi32, #tpu.memory_space<vmem>>
    %dma_wait3A_126 = tpu.memref_squeeze %dma_wait3A_125 : memref<1x800xi32, #tpu.memory_space<vmem>> -> memref<800xi32, #tpu.memory_space<vmem>>
    %dma_wait3A_127 = tpu.memref_slice %arg4[%multiple_of3A_107] : memref<1600000xi32, #tpu.memory_space<hbm>> -> memref<800xi32, #tpu.memory_space<hbm>>
    tpu.wait_dma2 semaphore(%arg11 : memref<!tpu.dma_semaphore, #tpu.memory_space<semaphore_mem>>) src(%dma_wait3A_127 : memref<800xi32, #tpu.memory_space<hbm>>) dst(%dma_wait3A_126 : memref<800xi32, #tpu.memory_space<vmem>>)
    %dma_wait3A_128 = arith.constant 0 : i32
    %dma_wait3A_129 = arith.constant 0 : i32
    %dma_wait3A_130 = arith.constant 0 : i32
    %dma_wait3A_131 = arith.constant 0 : i32
    %dma_wait3A_132 = tpu.memref_slice %arg9[%dma_wait3A_128, %dma_wait3A_130, %dma_wait3A_131] : memref<2x800x16xf32, #tpu.memory_space<vmem>> -> memref<1x800x16xf32, #tpu.memory_space<vmem>>
    %dma_wait3A_133 = tpu.memref_squeeze %dma_wait3A_132 : memref<1x800x16xf32, #tpu.memory_space<vmem>> -> memref<800x16xf32, #tpu.memory_space<vmem>>
    %dma_wait3A_134 = arith.constant 0 : i32
    %dma_wait3A_135 = tpu.memref_slice %arg8[%dma_wait3A_129, %dma_wait3A_134] : memref<2x800xi32, #tpu.memory_space<vmem>> -> memref<1x800xi32, #tpu.memory_space<vmem>>
    %dma_wait3A_136 = tpu.memref_squeeze %dma_wait3A_135 : memref<1x800xi32, #tpu.memory_space<vmem>> -> memref<800xi32, #tpu.memory_space<vmem>>
    %dma_wait3A_137 = arith.constant 0 : i32
    %dma_wait3A_138 = arith.constant 0 : i32
    %dma_wait3A_139 = tpu.memref_slice %arg10[%dma_wait3A_137, %dma_wait3A_138] : memref<100352x16xf32, #tpu.memory_space<vmem_shared>> -> memref<100352x16xf32, #tpu.memory_space<vmem_shared>>
    tpu.wait_indirect_dma semaphore(%arg13 : memref<!tpu.dma_semaphore, #tpu.memory_space<semaphore_mem>>) src(%dma_wait3A_133 : memref<800x16xf32, #tpu.memory_space<vmem>>) dst(%dma_wait3A_139 : memref<100352x16xf32, #tpu.memory_space<vmem_shared>>)
    %barrier3A_140 = arith.constant 0 : index
    tpu.barrier barrier_id(%barrier3A_140)
    %mul3A_141 = arith.constant 16 : i32
    %mul3A_142 = arith.muli %mul3A_141, %add3A_74 : i32
    "tpu.region"() ({
      %run_scoped3A = tpu.sem_alloc : memref<!tpu.dma_semaphore, #tpu.memory_space<semaphore_mem>>
      %dma_start3A_144 = tpu.memref_slice %arg6[%multiple_of3A, %mul3A_142] : memref<100352x64xf32, #tpu.memory_space<hbm>> -> memref<6272x16xf32, #tpu.memory_space<hbm>>
      %dma_start3A_145 = arith.constant 0 : i32
      %dma_start3A_146 = tpu.memref_slice %arg10[%multiple_of3A, %dma_start3A_145] : memref<100352x16xf32, #tpu.memory_space<vmem_shared>> -> memref<6272x16xf32, #tpu.memory_space<vmem_shared>>
      tpu.enqueue_dma source(%dma_start3A_146 : memref<6272x16xf32, #tpu.memory_space<vmem_shared>>) target(%dma_start3A_144 : memref<6272x16xf32, #tpu.memory_space<hbm>>) target_semaphore(%run_scoped3A : memref<!tpu.dma_semaphore, #tpu.memory_space<semaphore_mem>>)
      %dma_wait3A_147 = tpu.memref_slice %arg6[%multiple_of3A, %mul3A_142] : memref<100352x64xf32, #tpu.memory_space<hbm>> -> memref<6272x16xf32, #tpu.memory_space<hbm>>
      %dma_wait3A_148 = arith.constant 0 : i32
      %dma_wait3A_149 = tpu.memref_slice %arg10[%multiple_of3A, %dma_wait3A_148] : memref<100352x16xf32, #tpu.memory_space<vmem_shared>> -> memref<6272x16xf32, #tpu.memory_space<vmem_shared>>
      tpu.wait_dma2 semaphore(%run_scoped3A : memref<!tpu.dma_semaphore, #tpu.memory_space<semaphore_mem>>) src(%dma_wait3A_149 : memref<6272x16xf32, #tpu.memory_space<vmem_shared>>) dst(%dma_wait3A_147 : memref<6272x16xf32, #tpu.memory_space<hbm>>)
      tpu.yield
    }) : () -> ()
    %barrier3A_143 = arith.constant 0 : index
    tpu.barrier barrier_id(%barrier3A_143)
    return
  }
}

#map = affine_map<(d0, d1) -> (0)>
module attributes {stable_mosaic.version = 14 : i64} {
  func.func @deg_k(%arg0: i32, %arg1: i32, %arg2: memref<1600000xi32, #tpu.memory_space<hbm>>, %arg3: memref<1000xf32, #tpu.memory_space<hbm>>, %arg4: memref<6272xf32, #tpu.memory_space<hbm>>, %arg5: memref<200704xf32, #tpu.memory_space<hbm>>, %arg6: memref<1000xi32, #tpu.memory_space<vmem>>, %arg7: memref<1000xf32, #tpu.memory_space<vmem>>, %arg8: memref<100352xf32, #tpu.memory_space<vmem_shared>>) attributes {dimension_semantics = [#tpu.dimension_semantics<core_parallel>, #tpu.dimension_semantics<subcore_parallel>], iteration_bounds = array<i64: 2, 16>, scalar_prefetch = 0 : i64, scratch_operands = 3 : i64, tpu.core_type = #tpu.core_type<sc_vector_subcore>, window_params = [{transform_indices = #map}, {transform_indices = #map}, {transform_indices = #map}, {transform_indices = #map}]} {
    %mul3A = arith.constant 6272 : i32
    %mul3A_0 = arith.muli %arg1, %mul3A : i32
    %multiple_of3A = tpu.assume_multiple %mul3A_0, 128 : i32
    "tpu.region"() ({
      %run_scoped3A = tpu.sem_alloc : memref<!tpu.dma_semaphore, #tpu.memory_space<semaphore_mem>>
      %dma_start3A = tpu.memref_slice %arg8[%multiple_of3A] : memref<100352xf32, #tpu.memory_space<vmem_shared>> -> memref<6272xf32, #tpu.memory_space<vmem_shared>>
      tpu.enqueue_dma source(%arg4 : memref<6272xf32, #tpu.memory_space<hbm>>) target(%dma_start3A : memref<6272xf32, #tpu.memory_space<vmem_shared>>) target_semaphore(%run_scoped3A : memref<!tpu.dma_semaphore, #tpu.memory_space<semaphore_mem>>)
      %dma_wait3A = tpu.memref_slice %arg8[%multiple_of3A] : memref<100352xf32, #tpu.memory_space<vmem_shared>> -> memref<6272xf32, #tpu.memory_space<vmem_shared>>
      tpu.wait_dma2 semaphore(%run_scoped3A : memref<!tpu.dma_semaphore, #tpu.memory_space<semaphore_mem>>) src(%arg4 : memref<6272xf32, #tpu.memory_space<hbm>>) dst(%dma_wait3A : memref<6272xf32, #tpu.memory_space<vmem_shared>>)
      tpu.yield
    }) : () -> ()
    "tpu.region"() ({
      %run_scoped3A = tpu.sem_alloc : memref<!tpu.dma_semaphore, #tpu.memory_space<semaphore_mem>>
      tpu.enqueue_dma source(%arg3 : memref<1000xf32, #tpu.memory_space<hbm>>) target(%arg7 : memref<1000xf32, #tpu.memory_space<vmem>>) target_semaphore(%run_scoped3A : memref<!tpu.dma_semaphore, #tpu.memory_space<semaphore_mem>>)
      tpu.wait_dma2 semaphore(%run_scoped3A : memref<!tpu.dma_semaphore, #tpu.memory_space<semaphore_mem>>) src(%arg3 : memref<1000xf32, #tpu.memory_space<hbm>>) dst(%arg7 : memref<1000xf32, #tpu.memory_space<vmem>>)
      tpu.yield
    }) : () -> ()
    %barrier3A = arith.constant 0 : index
    tpu.barrier barrier_id(%barrier3A)
    %mul3A_1 = arith.constant 800000 : i32
    %mul3A_2 = arith.muli %arg0, %mul3A_1 : i32
    %mul3A_3 = arith.constant 50000 : i32
    %mul3A_4 = arith.muli %arg1, %mul3A_3 : i32
    %add3A = arith.addi %mul3A_2, %mul3A_4 : i32
    %scan3A = arith.constant 0 : i32
    %scan3A_5 = arith.constant 0 : i32
    %scan3A_6 = arith.constant 50 : i32
    %scan3A_7 = arith.addi %scan3A_5, %scan3A_6 : i32
    %scan3A_8 = arith.constant 1 : i32
    scf.for %scan3A_15 = %scan3A_5 to %scan3A_7 step %scan3A_8  : i32 {
      %mul3A_16 = arith.constant 1000 : i32
      %mul3A_17 = arith.muli %scan3A_15, %mul3A_16 : i32
      %add3A_18 = arith.addi %add3A, %mul3A_17 : i32
      %multiple_of3A_19 = tpu.assume_multiple %add3A_18, 8 : i32
      "tpu.region"() ({
        %run_scoped3A = tpu.sem_alloc : memref<!tpu.dma_semaphore, #tpu.memory_space<semaphore_mem>>
        %dma_start3A = tpu.memref_slice %arg2[%multiple_of3A_19] : memref<1600000xi32, #tpu.memory_space<hbm>> -> memref<1000xi32, #tpu.memory_space<hbm>>
        %dma_start3A_20 = tpu.memref_slice %arg2[%multiple_of3A_19] : memref<1600000xi32, #tpu.memory_space<hbm>> -> memref<1000xi32, #tpu.memory_space<hbm>>
        tpu.enqueue_dma source(%dma_start3A_20 : memref<1000xi32, #tpu.memory_space<hbm>>) target(%arg6 : memref<1000xi32, #tpu.memory_space<vmem>>) target_semaphore(%run_scoped3A : memref<!tpu.dma_semaphore, #tpu.memory_space<semaphore_mem>>)
        %dma_wait3A = tpu.memref_slice %arg2[%multiple_of3A_19] : memref<1600000xi32, #tpu.memory_space<hbm>> -> memref<1000xi32, #tpu.memory_space<hbm>>
        %dma_wait3A_21 = tpu.memref_slice %arg2[%multiple_of3A_19] : memref<1600000xi32, #tpu.memory_space<hbm>> -> memref<1000xi32, #tpu.memory_space<hbm>>
        tpu.wait_dma2 semaphore(%run_scoped3A : memref<!tpu.dma_semaphore, #tpu.memory_space<semaphore_mem>>) src(%dma_wait3A_21 : memref<1000xi32, #tpu.memory_space<hbm>>) dst(%arg6 : memref<1000xi32, #tpu.memory_space<vmem>>)
        tpu.yield
      }) : () -> ()
      "tpu.region"() ({
        %run_scoped3A = tpu.sem_alloc : memref<!tpu.dma_semaphore, #tpu.memory_space<semaphore_mem>>
        %dma_start3A = arith.constant 0 : i32
        %dma_start3A_20 = tpu.memref_slice %arg8[%dma_start3A] : memref<100352xf32, #tpu.memory_space<vmem_shared>> -> memref<100352xf32, #tpu.memory_space<vmem_shared>>
        tpu.enqueue_indirect_dma source(%arg7 : memref<1000xf32, #tpu.memory_space<vmem>>) target(%dma_start3A_20 : memref<100352xf32, #tpu.memory_space<vmem_shared>>) offsets(%arg6 : memref<1000xi32, #tpu.memory_space<vmem>>) semaphore(%run_scoped3A : memref<!tpu.dma_semaphore, #tpu.memory_space<semaphore_mem>>) {add = true}
        %dma_wait3A = arith.constant 0 : i32
        %dma_wait3A_21 = tpu.memref_slice %arg8[%dma_wait3A] : memref<100352xf32, #tpu.memory_space<vmem_shared>> -> memref<100352xf32, #tpu.memory_space<vmem_shared>>
        tpu.wait_indirect_dma semaphore(%run_scoped3A : memref<!tpu.dma_semaphore, #tpu.memory_space<semaphore_mem>>) src(%arg7 : memref<1000xf32, #tpu.memory_space<vmem>>) dst(%dma_wait3A_21 : memref<100352xf32, #tpu.memory_space<vmem_shared>>)
        tpu.yield
      }) : () -> ()
    }
    %scan3A_9 = arith.constant 50 : i32
    %barrier3A_10 = arith.constant 0 : index
    tpu.barrier barrier_id(%barrier3A_10)
    %mul3A_11 = arith.constant 100352 : i32
    %mul3A_12 = arith.muli %arg0, %mul3A_11 : i32
    %add3A_13 = arith.addi %mul3A_12, %multiple_of3A : i32
    %multiple_of3A_14 = tpu.assume_multiple %add3A_13, 128 : i32
    "tpu.region"() ({
      %run_scoped3A = tpu.sem_alloc : memref<!tpu.dma_semaphore, #tpu.memory_space<semaphore_mem>>
      %dma_start3A = tpu.memref_slice %arg5[%multiple_of3A_14] : memref<200704xf32, #tpu.memory_space<hbm>> -> memref<6272xf32, #tpu.memory_space<hbm>>
      %dma_start3A_15 = tpu.memref_slice %arg8[%multiple_of3A] : memref<100352xf32, #tpu.memory_space<vmem_shared>> -> memref<6272xf32, #tpu.memory_space<vmem_shared>>
      tpu.enqueue_dma source(%dma_start3A_15 : memref<6272xf32, #tpu.memory_space<vmem_shared>>) target(%dma_start3A : memref<6272xf32, #tpu.memory_space<hbm>>) target_semaphore(%run_scoped3A : memref<!tpu.dma_semaphore, #tpu.memory_space<semaphore_mem>>)
      %dma_wait3A = tpu.memref_slice %arg5[%multiple_of3A_14] : memref<200704xf32, #tpu.memory_space<hbm>> -> memref<6272xf32, #tpu.memory_space<hbm>>
      %dma_wait3A_16 = tpu.memref_slice %arg8[%multiple_of3A] : memref<100352xf32, #tpu.memory_space<vmem_shared>> -> memref<6272xf32, #tpu.memory_space<vmem_shared>>
      tpu.wait_dma2 semaphore(%run_scoped3A : memref<!tpu.dma_semaphore, #tpu.memory_space<semaphore_mem>>) src(%dma_wait3A_16 : memref<6272xf32, #tpu.memory_space<vmem_shared>>) dst(%dma_wait3A : memref<6272xf32, #tpu.memory_space<hbm>>)
      tpu.yield
    }) : () -> ()
    return
  }
}

#map = affine_map<(d0, d1) -> (0, 0)>
#map1 = affine_map<(d0, d1) -> (0)>
module attributes {stable_mosaic.version = 14 : i64} {
  func.func @agg_k(%arg0: i32, %arg1: i32, %arg2: memref<401408x16xf32, #tpu.memory_space<hbm>>, %arg3: memref<4x1638400xi32, #tpu.memory_space<hbm>>, %arg4: memref<1600000xi32, #tpu.memory_space<hbm>>, %arg5: memref<6272x16xf32, #tpu.memory_space<hbm>>, %arg6: memref<100352x64xf32, #tpu.memory_space<hbm>>, %arg7: memref<2x800xi32, #tpu.memory_space<vmem>>, %arg8: memref<2x800xi32, #tpu.memory_space<vmem>>, %arg9: memref<2x800x16xf32, #tpu.memory_space<vmem>>, %arg10: memref<100352x16xf32, #tpu.memory_space<vmem_shared>>, %arg11: memref<!tpu.dma_semaphore, #tpu.memory_space<semaphore_mem>>, %arg12: memref<!tpu.dma_semaphore, #tpu.memory_space<semaphore_mem>>, %arg13: memref<!tpu.dma_semaphore, #tpu.memory_space<semaphore_mem>>) attributes {dimension_semantics = [#tpu.dimension_semantics<core_parallel>, #tpu.dimension_semantics<subcore_parallel>], iteration_bounds = array<i64: 2, 16>, scalar_prefetch = 0 : i64, scratch_operands = 7 : i64, tpu.core_type = #tpu.core_type<sc_vector_subcore>, window_params = [{transform_indices = #map}, {transform_indices = #map}, {transform_indices = #map1}, {transform_indices = #map}, {transform_indices = #map}]} {
    %mul3A = arith.constant 6272 : i32
    %mul3A_0 = arith.muli %arg1, %mul3A : i32
    %multiple_of3A = tpu.assume_multiple %mul3A_0, 128 : i32
    %mul3A_1 = arith.constant 100000 : i32
    %mul3A_2 = arith.muli %arg1, %mul3A_1 : i32
    %mul3A_3 = arith.constant 2 : i32
    %mul3A_4 = arith.muli %arg0, %mul3A_3 : i32
    %add3A = arith.constant 0 : i32
    %add3A_5 = arith.addi %mul3A_4, %add3A : i32
    "tpu.region"() ({
      %run_scoped3A = tpu.sem_alloc : memref<!tpu.dma_semaphore, #tpu.memory_space<semaphore_mem>>
      %dma_start3A_144 = arith.constant 0 : i32
      %dma_start3A_145 = tpu.memref_slice %arg10[%multiple_of3A, %dma_start3A_144] : memref<100352x16xf32, #tpu.memory_space<vmem_shared>> -> memref<6272x16xf32, #tpu.memory_space<vmem_shared>>
      tpu.enqueue_dma source(%arg5 : memref<6272x16xf32, #tpu.memory_space<hbm>>) target(%dma_start3A_145 : memref<6272x16xf32, #tpu.memory_space<vmem_shared>>) target_semaphore(%run_scoped3A : memref<!tpu.dma_semaphore, #tpu.memory_space<semaphore_mem>>)
      %dma_wait3A_146 = arith.constant 0 : i32
      %dma_wait3A_147 = tpu.memref_slice %arg10[%multiple_of3A, %dma_wait3A_146] : memref<100352x16xf32, #tpu.memory_space<vmem_shared>> -> memref<6272x16xf32, #tpu.memory_space<vmem_shared>>
      tpu.wait_dma2 semaphore(%run_scoped3A : memref<!tpu.dma_semaphore, #tpu.memory_space<semaphore_mem>>) src(%arg5 : memref<6272x16xf32, #tpu.memory_space<hbm>>) dst(%dma_wait3A_147 : memref<6272x16xf32, #tpu.memory_space<vmem_shared>>)
      tpu.yield
    }) : () -> ()
    %barrier3A = arith.constant 0 : index
    tpu.barrier barrier_id(%barrier3A)
    %add3A_6 = arith.constant 0 : i32
    %add3A_7 = arith.addi %mul3A_2, %add3A_6 : i32
    %multiple_of3A_8 = tpu.assume_multiple %add3A_7, 8 : i32
    %dma_start3A = arith.constant 0 : i32
    %dma_start3A_9 = arith.constant 0 : i32
    %dma_start3A_10 = tpu.memref_slice %arg7[%dma_start3A, %dma_start3A_9] : memref<2x800xi32, #tpu.memory_space<vmem>> -> memref<1x800xi32, #tpu.memory_space<vmem>>
    %dma_start3A_11 = tpu.memref_squeeze %dma_start3A_10 : memref<1x800xi32, #tpu.memory_space<vmem>> -> memref<800xi32, #tpu.memory_space<vmem>>
    %dma_start3A_12 = tpu.memref_slice %arg3[%add3A_5, %multiple_of3A_8] : memref<4x1638400xi32, #tpu.memory_space<hbm>> -> memref<1x800xi32, #tpu.memory_space<hbm>>
    %dma_start3A_13 = tpu.memref_squeeze %dma_start3A_12 : memref<1x800xi32, #tpu.memory_space<hbm>> -> memref<800xi32, #tpu.memory_space<hbm>>
    %dma_start3A_14 = arith.constant 0 : i32
    %dma_start3A_15 = tpu.memref_slice %arg7[%dma_start3A, %dma_start3A_14] : memref<2x800xi32, #tpu.memory_space<vmem>> -> memref<1x800xi32, #tpu.memory_space<vmem>>
    %dma_start3A_16 = tpu.memref_squeeze %dma_start3A_15 : memref<1x800xi32, #tpu.memory_space<vmem>> -> memref<800xi32, #tpu.memory_space<vmem>>
    %dma_start3A_17 = tpu.memref_slice %arg3[%add3A_5, %multiple_of3A_8] : memref<4x1638400xi32, #tpu.memory_space<hbm>> -> memref<1x800xi32, #tpu.memory_space<hbm>>
    %dma_start3A_18 = tpu.memref_squeeze %dma_start3A_17 : memref<1x800xi32, #tpu.memory_space<hbm>> -> memref<800xi32, #tpu.memory_space<hbm>>
    tpu.enqueue_dma source(%dma_start3A_18 : memref<800xi32, #tpu.memory_space<hbm>>) target(%dma_start3A_16 : memref<800xi32, #tpu.memory_space<vmem>>) target_semaphore(%arg11 : memref<!tpu.dma_semaphore, #tpu.memory_space<semaphore_mem>>)
    %dma_start3A_19 = arith.constant 0 : i32
    %dma_start3A_20 = arith.constant 0 : i32
    %dma_start3A_21 = tpu.memref_slice %arg8[%dma_start3A_19, %dma_start3A_20] : memref<2x800xi32, #tpu.memory_space<vmem>> -> memref<1x800xi32, #tpu.memory_space<vmem>>
    %dma_start3A_22 = tpu.memref_squeeze %dma_start3A_21 : memref<1x800xi32, #tpu.memory_space<vmem>> -> memref<800xi32, #tpu.memory_space<vmem>>
    %dma_start3A_23 = tpu.memref_slice %arg4[%multiple_of3A_8] : memref<1600000xi32, #tpu.memory_space<hbm>> -> memref<800xi32, #tpu.memory_space<hbm>>
    %dma_start3A_24 = arith.constant 0 : i32
    %dma_start3A_25 = tpu.memref_slice %arg8[%dma_start3A_19, %dma_start3A_24] : memref<2x800xi32, #tpu.memory_space<vmem>> -> memref<1x800xi32, #tpu.memory_space<vmem>>
    %dma_start3A_26 = tpu.memref_squeeze %dma_start3A_25 : memref<1x800xi32, #tpu.memory_space<vmem>> -> memref<800xi32, #tpu.memory_space<vmem>>
    %dma_start3A_27 = tpu.memref_slice %arg4[%multiple_of3A_8] : memref<1600000xi32, #tpu.memory_space<hbm>> -> memref<800xi32, #tpu.memory_space<hbm>>
    tpu.enqueue_dma source(%dma_start3A_27 : memref<800xi32, #tpu.memory_space<hbm>>) target(%dma_start3A_26 : memref<800xi32, #tpu.memory_space<vmem>>) target_semaphore(%arg11 : memref<!tpu.dma_semaphore, #tpu.memory_space<semaphore_mem>>)
    %scan3A = arith.constant 0 : i32
    %scan3A_28 = arith.constant 0 : i32
    %scan3A_29 = arith.constant 125 : i32
    %scan3A_30 = arith.addi %scan3A_28, %scan3A_29 : i32
    %scan3A_31 = arith.constant 1 : i32
    scf.for %scan3A_144 = %scan3A_28 to %scan3A_30 step %scan3A_31  : i32 {
      %rem3A = arith.constant 2 : i32
      %rem3A_145 = arith.remsi %scan3A_144, %rem3A : i32
      %sub3A = arith.constant 1 : i32
      %sub3A_146 = arith.subi %sub3A, %rem3A_145 : i32
      %mul3A_147 = arith.constant 800 : i32
      %mul3A_148 = arith.muli %scan3A_144, %mul3A_147 : i32
      %add3A_149 = arith.addi %mul3A_2, %mul3A_148 : i32
      %multiple_of3A_150 = tpu.assume_multiple %add3A_149, 8 : i32
      %dma_wait3A_151 = arith.constant 0 : i32
      %dma_wait3A_152 = tpu.memref_slice %arg7[%rem3A_145, %dma_wait3A_151] : memref<2x800xi32, #tpu.memory_space<vmem>> -> memref<1x800xi32, #tpu.memory_space<vmem>>
      %dma_wait3A_153 = tpu.memref_squeeze %dma_wait3A_152 : memref<1x800xi32, #tpu.memory_space<vmem>> -> memref<800xi32, #tpu.memory_space<vmem>>
      %dma_wait3A_154 = tpu.memref_slice %arg3[%add3A_5, %multiple_of3A_150] : memref<4x1638400xi32, #tpu.memory_space<hbm>> -> memref<1x800xi32, #tpu.memory_space<hbm>>
      %dma_wait3A_155 = tpu.memref_squeeze %dma_wait3A_154 : memref<1x800xi32, #tpu.memory_space<hbm>> -> memref<800xi32, #tpu.memory_space<hbm>>
      %dma_wait3A_156 = arith.constant 0 : i32
      %dma_wait3A_157 = tpu.memref_slice %arg7[%rem3A_145, %dma_wait3A_156] : memref<2x800xi32, #tpu.memory_space<vmem>> -> memref<1x800xi32, #tpu.memory_space<vmem>>
      %dma_wait3A_158 = tpu.memref_squeeze %dma_wait3A_157 : memref<1x800xi32, #tpu.memory_space<vmem>> -> memref<800xi32, #tpu.memory_space<vmem>>
      %dma_wait3A_159 = tpu.memref_slice %arg3[%add3A_5, %multiple_of3A_150] : memref<4x1638400xi32, #tpu.memory_space<hbm>> -> memref<1x800xi32, #tpu.memory_space<hbm>>
      %dma_wait3A_160 = tpu.memref_squeeze %dma_wait3A_159 : memref<1x800xi32, #tpu.memory_space<hbm>> -> memref<800xi32, #tpu.memory_space<hbm>>
      tpu.wait_dma2 semaphore(%arg11 : memref<!tpu.dma_semaphore, #tpu.memory_space<semaphore_mem>>) src(%dma_wait3A_160 : memref<800xi32, #tpu.memory_space<hbm>>) dst(%dma_wait3A_158 : memref<800xi32, #tpu.memory_space<vmem>>)
      %dma_wait3A_161 = arith.constant 0 : i32
      %dma_wait3A_162 = tpu.memref_slice %arg8[%rem3A_145, %dma_wait3A_161] : memref<2x800xi32, #tpu.memory_space<vmem>> -> memref<1x800xi32, #tpu.memory_space<vmem>>
      %dma_wait3A_163 = tpu.memref_squeeze %dma_wait3A_162 : memref<1x800xi32, #tpu.memory_space<vmem>> -> memref<800xi32, #tpu.memory_space<vmem>>
      %dma_wait3A_164 = tpu.memref_slice %arg4[%multiple_of3A_150] : memref<1600000xi32, #tpu.memory_space<hbm>> -> memref<800xi32, #tpu.memory_space<hbm>>
      %dma_wait3A_165 = arith.constant 0 : i32
      %dma_wait3A_166 = tpu.memref_slice %arg8[%rem3A_145, %dma_wait3A_165] : memref<2x800xi32, #tpu.memory_space<vmem>> -> memref<1x800xi32, #tpu.memory_space<vmem>>
      %dma_wait3A_167 = tpu.memref_squeeze %dma_wait3A_166 : memref<1x800xi32, #tpu.memory_space<vmem>> -> memref<800xi32, #tpu.memory_space<vmem>>
      %dma_wait3A_168 = tpu.memref_slice %arg4[%multiple_of3A_150] : memref<1600000xi32, #tpu.memory_space<hbm>> -> memref<800xi32, #tpu.memory_space<hbm>>
      tpu.wait_dma2 semaphore(%arg11 : memref<!tpu.dma_semaphore, #tpu.memory_space<semaphore_mem>>) src(%dma_wait3A_168 : memref<800xi32, #tpu.memory_space<hbm>>) dst(%dma_wait3A_167 : memref<800xi32, #tpu.memory_space<vmem>>)
      %dma_start3A_169 = arith.constant 0 : i32
      %dma_start3A_170 = arith.constant 0 : i32
      %dma_start3A_171 = tpu.memref_slice %arg9[%rem3A_145, %dma_start3A_169, %dma_start3A_170] : memref<2x800x16xf32, #tpu.memory_space<vmem>> -> memref<1x800x16xf32, #tpu.memory_space<vmem>>
      %dma_start3A_172 = tpu.memref_squeeze %dma_start3A_171 : memref<1x800x16xf32, #tpu.memory_space<vmem>> -> memref<800x16xf32, #tpu.memory_space<vmem>>
      %dma_start3A_173 = arith.constant 0 : i32
      %dma_start3A_174 = tpu.memref_slice %arg7[%rem3A_145, %dma_start3A_173] : memref<2x800xi32, #tpu.memory_space<vmem>> -> memref<1x800xi32, #tpu.memory_space<vmem>>
      %dma_start3A_175 = tpu.memref_squeeze %dma_start3A_174 : memref<1x800xi32, #tpu.memory_space<vmem>> -> memref<800xi32, #tpu.memory_space<vmem>>
      %dma_start3A_176 = arith.constant 0 : i32
      %dma_start3A_177 = arith.constant 0 : i32
      %dma_start3A_178 = tpu.memref_slice %arg2[%dma_start3A_176, %dma_start3A_177] : memref<401408x16xf32, #tpu.memory_space<hbm>> -> memref<401408x16xf32, #tpu.memory_space<hbm>>
      tpu.enqueue_indirect_dma source(%dma_start3A_178 : memref<401408x16xf32, #tpu.memory_space<hbm>>) target(%dma_start3A_172 : memref<800x16xf32, #tpu.memory_space<vmem>>) offsets(%dma_start3A_175 : memref<800xi32, #tpu.memory_space<vmem>>) semaphore(%arg12 : memref<!tpu.dma_semaphore, #tpu.memory_space<semaphore_mem>>)
      %gt3A = arith.constant 0 : i32
      %gt3A_179 = arith.cmpi sgt, %scan3A_144, %gt3A : i32
      %convert_element_type3A = arith.extui %gt3A_179 : i1 to i32
      %cond3A = arith.constant 0 : i32
      %cond3A_180 = arith.cmpi ne, %convert_element_type3A, %cond3A : i32
      scf.if %cond3A_180 {
        %dma_wait3A_226 = arith.constant 0 : i32
        %dma_wait3A_227 = arith.constant 0 : i32
        %dma_wait3A_228 = tpu.memref_slice %arg9[%sub3A_146, %dma_wait3A_226, %dma_wait3A_227] : memref<2x800x16xf32, #tpu.memory_space<vmem>> -> memref<1x800x16xf32, #tpu.memory_space<vmem>>
        %dma_wait3A_229 = tpu.memref_squeeze %dma_wait3A_228 : memref<1x800x16xf32, #tpu.memory_space<vmem>> -> memref<800x16xf32, #tpu.memory_space<vmem>>
        %dma_wait3A_230 = arith.constant 0 : i32
        %dma_wait3A_231 = tpu.memref_slice %arg8[%sub3A_146, %dma_wait3A_230] : memref<2x800xi32, #tpu.memory_space<vmem>> -> memref<1x800xi32, #tpu.memory_space<vmem>>
        %dma_wait3A_232 = tpu.memref_squeeze %dma_wait3A_231 : memref<1x800xi32, #tpu.memory_space<vmem>> -> memref<800xi32, #tpu.memory_space<vmem>>
        %dma_wait3A_233 = arith.constant 0 : i32
        %dma_wait3A_234 = arith.constant 0 : i32
        %dma_wait3A_235 = tpu.memref_slice %arg10[%dma_wait3A_233, %dma_wait3A_234] : memref<100352x16xf32, #tpu.memory_space<vmem_shared>> -> memref<100352x16xf32, #tpu.memory_space<vmem_shared>>
        tpu.wait_indirect_dma semaphore(%arg13 : memref<!tpu.dma_semaphore, #tpu.memory_space<semaphore_mem>>) src(%dma_wait3A_229 : memref<800x16xf32, #tpu.memory_space<vmem>>) dst(%dma_wait3A_235 : memref<100352x16xf32, #tpu.memory_space<vmem_shared>>)
      } else {
      }
      %add3A_181 = arith.constant 1 : i32
      %add3A_182 = arith.addi %scan3A_144, %add3A_181 : i32
      %min3A = arith.constant 124 : i32
      %min3A_183 = arith.minsi %add3A_182, %min3A : i32
      %mul3A_184 = arith.constant 800 : i32
      %mul3A_185 = arith.muli %min3A_183, %mul3A_184 : i32
      %add3A_186 = arith.addi %mul3A_2, %mul3A_185 : i32
      %multiple_of3A_187 = tpu.assume_multiple %add3A_186, 8 : i32
      %dma_start3A_188 = arith.constant 0 : i32
      %dma_start3A_189 = tpu.memref_slice %arg7[%sub3A_146, %dma_start3A_188] : memref<2x800xi32, #tpu.memory_space<vmem>> -> memref<1x800xi32, #tpu.memory_space<vmem>>
      %dma_start3A_190 = tpu.memref_squeeze %dma_start3A_189 : memref<1x800xi32, #tpu.memory_space<vmem>> -> memref<800xi32, #tpu.memory_space<vmem>>
      %dma_start3A_191 = tpu.memref_slice %arg3[%add3A_5, %multiple_of3A_187] : memref<4x1638400xi32, #tpu.memory_space<hbm>> -> memref<1x800xi32, #tpu.memory_space<hbm>>
      %dma_start3A_192 = tpu.memref_squeeze %dma_start3A_191 : memref<1x800xi32, #tpu.memory_space<hbm>> -> memref<800xi32, #tpu.memory_space<hbm>>
      %dma_start3A_193 = arith.constant 0 : i32
      %dma_start3A_194 = tpu.memref_slice %arg7[%sub3A_146, %dma_start3A_193] : memref<2x800xi32, #tpu.memory_space<vmem>> -> memref<1x800xi32, #tpu.memory_space<vmem>>
      %dma_start3A_195 = tpu.memref_squeeze %dma_start3A_194 : memref<1x800xi32, #tpu.memory_space<vmem>> -> memref<800xi32, #tpu.memory_space<vmem>>
      %dma_start3A_196 = tpu.memref_slice %arg3[%add3A_5, %multiple_of3A_187] : memref<4x1638400xi32, #tpu.memory_space<hbm>> -> memref<1x800xi32, #tpu.memory_space<hbm>>
      %dma_start3A_197 = tpu.memref_squeeze %dma_start3A_196 : memref<1x800xi32, #tpu.memory_space<hbm>> -> memref<800xi32, #tpu.memory_space<hbm>>
      tpu.enqueue_dma source(%dma_start3A_197 : memref<800xi32, #tpu.memory_space<hbm>>) target(%dma_start3A_195 : memref<800xi32, #tpu.memory_space<vmem>>) target_semaphore(%arg11 : memref<!tpu.dma_semaphore, #tpu.memory_space<semaphore_mem>>)
      %dma_start3A_198 = arith.constant 0 : i32
      %dma_start3A_199 = tpu.memref_slice %arg8[%sub3A_146, %dma_start3A_198] : memref<2x800xi32, #tpu.memory_space<vmem>> -> memref<1x800xi32, #tpu.memory_space<vmem>>
      %dma_start3A_200 = tpu.memref_squeeze %dma_start3A_199 : memref<1x800xi32, #tpu.memory_space<vmem>> -> memref<800xi32, #tpu.memory_space<vmem>>
      %dma_start3A_201 = tpu.memref_slice %arg4[%multiple_of3A_187] : memref<1600000xi32, #tpu.memory_space<hbm>> -> memref<800xi32, #tpu.memory_space<hbm>>
      %dma_start3A_202 = arith.constant 0 : i32
      %dma_start3A_203 = tpu.memref_slice %arg8[%sub3A_146, %dma_start3A_202] : memref<2x800xi32, #tpu.memory_space<vmem>> -> memref<1x800xi32, #tpu.memory_space<vmem>>
      %dma_start3A_204 = tpu.memref_squeeze %dma_start3A_203 : memref<1x800xi32, #tpu.memory_space<vmem>> -> memref<800xi32, #tpu.memory_space<vmem>>
      %dma_start3A_205 = tpu.memref_slice %arg4[%multiple_of3A_187] : memref<1600000xi32, #tpu.memory_space<hbm>> -> memref<800xi32, #tpu.memory_space<hbm>>
      tpu.enqueue_dma source(%dma_start3A_205 : memref<800xi32, #tpu.memory_space<hbm>>) target(%dma_start3A_204 : memref<800xi32, #tpu.memory_space<vmem>>) target_semaphore(%arg11 : memref<!tpu.dma_semaphore, #tpu.memory_space<semaphore_mem>>)
      %dma_wait3A_206 = arith.constant 0 : i32
      %dma_wait3A_207 = arith.constant 0 : i32
      %dma_wait3A_208 = tpu.memref_slice %arg9[%rem3A_145, %dma_wait3A_206, %dma_wait3A_207] : memref<2x800x16xf32, #tpu.memory_space<vmem>> -> memref<1x800x16xf32, #tpu.memory_space<vmem>>
      %dma_wait3A_209 = tpu.memref_squeeze %dma_wait3A_208 : memref<1x800x16xf32, #tpu.memory_space<vmem>> -> memref<800x16xf32, #tpu.memory_space<vmem>>
      %dma_wait3A_210 = arith.constant 0 : i32
      %dma_wait3A_211 = tpu.memref_slice %arg7[%rem3A_145, %dma_wait3A_210] : memref<2x800xi32, #tpu.memory_space<vmem>> -> memref<1x800xi32, #tpu.memory_space<vmem>>
      %dma_wait3A_212 = tpu.memref_squeeze %dma_wait3A_211 : memref<1x800xi32, #tpu.memory_space<vmem>> -> memref<800xi32, #tpu.memory_space<vmem>>
      %dma_wait3A_213 = arith.constant 0 : i32
      %dma_wait3A_214 = arith.constant 0 : i32
      %dma_wait3A_215 = tpu.memref_slice %arg2[%dma_wait3A_213, %dma_wait3A_214] : memref<401408x16xf32, #tpu.memory_space<hbm>> -> memref<401408x16xf32, #tpu.memory_space<hbm>>
      tpu.wait_indirect_dma semaphore(%arg12 : memref<!tpu.dma_semaphore, #tpu.memory_space<semaphore_mem>>) src(%dma_wait3A_215 : memref<401408x16xf32, #tpu.memory_space<hbm>>) dst(%dma_wait3A_209 : memref<800x16xf32, #tpu.memory_space<vmem>>)
      %dma_start3A_216 = arith.constant 0 : i32
      %dma_start3A_217 = arith.constant 0 : i32
      %dma_start3A_218 = tpu.memref_slice %arg9[%rem3A_145, %dma_start3A_216, %dma_start3A_217] : memref<2x800x16xf32, #tpu.memory_space<vmem>> -> memref<1x800x16xf32, #tpu.memory_space<vmem>>
      %dma_start3A_219 = tpu.memref_squeeze %dma_start3A_218 : memref<1x800x16xf32, #tpu.memory_space<vmem>> -> memref<800x16xf32, #tpu.memory_space<vmem>>
      %dma_start3A_220 = arith.constant 0 : i32
      %dma_start3A_221 = tpu.memref_slice %arg8[%rem3A_145, %dma_start3A_220] : memref<2x800xi32, #tpu.memory_space<vmem>> -> memref<1x800xi32, #tpu.memory_space<vmem>>
      %dma_start3A_222 = tpu.memref_squeeze %dma_start3A_221 : memref<1x800xi32, #tpu.memory_space<vmem>> -> memref<800xi32, #tpu.memory_space<vmem>>
      %dma_start3A_223 = arith.constant 0 : i32
      %dma_start3A_224 = arith.constant 0 : i32
      %dma_start3A_225 = tpu.memref_slice %arg10[%dma_start3A_223, %dma_start3A_224] : memref<100352x16xf32, #tpu.memory_space<vmem_shared>> -> memref<100352x16xf32, #tpu.memory_space<vmem_shared>>
      tpu.enqueue_indirect_dma source(%dma_start3A_219 : memref<800x16xf32, #tpu.memory_space<vmem>>) target(%dma_start3A_225 : memref<100352x16xf32, #tpu.memory_space<vmem_shared>>) offsets(%dma_start3A_222 : memref<800xi32, #tpu.memory_space<vmem>>) semaphore(%arg13 : memref<!tpu.dma_semaphore, #tpu.memory_space<semaphore_mem>>) {add = true}
    }
    %scan3A_32 = arith.constant 125 : i32
    %add3A_33 = arith.constant 99200 : i32
    %add3A_34 = arith.addi %mul3A_2, %add3A_33 : i32
    %multiple_of3A_35 = tpu.assume_multiple %add3A_34, 8 : i32
    %dma_wait3A = arith.constant 1 : i32
    %dma_wait3A_36 = arith.constant 0 : i32
    %dma_wait3A_37 = tpu.memref_slice %arg7[%dma_wait3A, %dma_wait3A_36] : memref<2x800xi32, #tpu.memory_space<vmem>> -> memref<1x800xi32, #tpu.memory_space<vmem>>
    %dma_wait3A_38 = tpu.memref_squeeze %dma_wait3A_37 : memref<1x800xi32, #tpu.memory_space<vmem>> -> memref<800xi32, #tpu.memory_space<vmem>>
    %dma_wait3A_39 = tpu.memref_slice %arg3[%add3A_5, %multiple_of3A_35] : memref<4x1638400xi32, #tpu.memory_space<hbm>> -> memref<1x800xi32, #tpu.memory_space<hbm>>
    %dma_wait3A_40 = tpu.memref_squeeze %dma_wait3A_39 : memref<1x800xi32, #tpu.memory_space<hbm>> -> memref<800xi32, #tpu.memory_space<hbm>>
    %dma_wait3A_41 = arith.constant 0 : i32
    %dma_wait3A_42 = tpu.memref_slice %arg7[%dma_wait3A, %dma_wait3A_41] : memref<2x800xi32, #tpu.memory_space<vmem>> -> memref<1x800xi32, #tpu.memory_space<vmem>>
    %dma_wait3A_43 = tpu.memref_squeeze %dma_wait3A_42 : memref<1x800xi32, #tpu.memory_space<vmem>> -> memref<800xi32, #tpu.memory_space<vmem>>
    %dma_wait3A_44 = tpu.memref_slice %arg3[%add3A_5, %multiple_of3A_35] : memref<4x1638400xi32, #tpu.memory_space<hbm>> -> memref<1x800xi32, #tpu.memory_space<hbm>>
    %dma_wait3A_45 = tpu.memref_squeeze %dma_wait3A_44 : memref<1x800xi32, #tpu.memory_space<hbm>> -> memref<800xi32, #tpu.memory_space<hbm>>
    tpu.wait_dma2 semaphore(%arg11 : memref<!tpu.dma_semaphore, #tpu.memory_space<semaphore_mem>>) src(%dma_wait3A_45 : memref<800xi32, #tpu.memory_space<hbm>>) dst(%dma_wait3A_43 : memref<800xi32, #tpu.memory_space<vmem>>)
    %dma_wait3A_46 = arith.constant 1 : i32
    %dma_wait3A_47 = arith.constant 0 : i32
    %dma_wait3A_48 = tpu.memref_slice %arg8[%dma_wait3A_46, %dma_wait3A_47] : memref<2x800xi32, #tpu.memory_space<vmem>> -> memref<1x800xi32, #tpu.memory_space<vmem>>
    %dma_wait3A_49 = tpu.memref_squeeze %dma_wait3A_48 : memref<1x800xi32, #tpu.memory_space<vmem>> -> memref<800xi32, #tpu.memory_space<vmem>>
    %dma_wait3A_50 = tpu.memref_slice %arg4[%multiple_of3A_35] : memref<1600000xi32, #tpu.memory_space<hbm>> -> memref<800xi32, #tpu.memory_space<hbm>>
    %dma_wait3A_51 = arith.constant 0 : i32
    %dma_wait3A_52 = tpu.memref_slice %arg8[%dma_wait3A_46, %dma_wait3A_51] : memref<2x800xi32, #tpu.memory_space<vmem>> -> memref<1x800xi32, #tpu.memory_space<vmem>>
    %dma_wait3A_53 = tpu.memref_squeeze %dma_wait3A_52 : memref<1x800xi32, #tpu.memory_space<vmem>> -> memref<800xi32, #tpu.memory_space<vmem>>
    %dma_wait3A_54 = tpu.memref_slice %arg4[%multiple_of3A_35] : memref<1600000xi32, #tpu.memory_space<hbm>> -> memref<800xi32, #tpu.memory_space<hbm>>
    tpu.wait_dma2 semaphore(%arg11 : memref<!tpu.dma_semaphore, #tpu.memory_space<semaphore_mem>>) src(%dma_wait3A_54 : memref<800xi32, #tpu.memory_space<hbm>>) dst(%dma_wait3A_53 : memref<800xi32, #tpu.memory_space<vmem>>)
    %dma_wait3A_55 = arith.constant 0 : i32
    %dma_wait3A_56 = arith.constant 0 : i32
    %dma_wait3A_57 = arith.constant 0 : i32
    %dma_wait3A_58 = arith.constant 0 : i32
    %dma_wait3A_59 = tpu.memref_slice %arg9[%dma_wait3A_55, %dma_wait3A_57, %dma_wait3A_58] : memref<2x800x16xf32, #tpu.memory_space<vmem>> -> memref<1x800x16xf32, #tpu.memory_space<vmem>>
    %dma_wait3A_60 = tpu.memref_squeeze %dma_wait3A_59 : memref<1x800x16xf32, #tpu.memory_space<vmem>> -> memref<800x16xf32, #tpu.memory_space<vmem>>
    %dma_wait3A_61 = arith.constant 0 : i32
    %dma_wait3A_62 = tpu.memref_slice %arg8[%dma_wait3A_56, %dma_wait3A_61] : memref<2x800xi32, #tpu.memory_space<vmem>> -> memref<1x800xi32, #tpu.memory_space<vmem>>
    %dma_wait3A_63 = tpu.memref_squeeze %dma_wait3A_62 : memref<1x800xi32, #tpu.memory_space<vmem>> -> memref<800xi32, #tpu.memory_space<vmem>>
    %dma_wait3A_64 = arith.constant 0 : i32
    %dma_wait3A_65 = arith.constant 0 : i32
    %dma_wait3A_66 = tpu.memref_slice %arg10[%dma_wait3A_64, %dma_wait3A_65] : memref<100352x16xf32, #tpu.memory_space<vmem_shared>> -> memref<100352x16xf32, #tpu.memory_space<vmem_shared>>
    tpu.wait_indirect_dma semaphore(%arg13 : memref<!tpu.dma_semaphore, #tpu.memory_space<semaphore_mem>>) src(%dma_wait3A_60 : memref<800x16xf32, #tpu.memory_space<vmem>>) dst(%dma_wait3A_66 : memref<100352x16xf32, #tpu.memory_space<vmem_shared>>)
    %barrier3A_67 = arith.constant 0 : index
    tpu.barrier barrier_id(%barrier3A_67)
    %mul3A_68 = arith.constant 16 : i32
    %mul3A_69 = arith.muli %mul3A_68, %add3A_5 : i32
    "tpu.region"() ({
      %run_scoped3A = tpu.sem_alloc : memref<!tpu.dma_semaphore, #tpu.memory_space<semaphore_mem>>
      %dma_start3A_144 = tpu.memref_slice %arg6[%multiple_of3A, %mul3A_69] : memref<100352x64xf32, #tpu.memory_space<hbm>> -> memref<6272x16xf32, #tpu.memory_space<hbm>>
      %dma_start3A_145 = arith.constant 0 : i32
      %dma_start3A_146 = tpu.memref_slice %arg10[%multiple_of3A, %dma_start3A_145] : memref<100352x16xf32, #tpu.memory_space<vmem_shared>> -> memref<6272x16xf32, #tpu.memory_space<vmem_shared>>
      tpu.enqueue_dma source(%dma_start3A_146 : memref<6272x16xf32, #tpu.memory_space<vmem_shared>>) target(%dma_start3A_144 : memref<6272x16xf32, #tpu.memory_space<hbm>>) target_semaphore(%run_scoped3A : memref<!tpu.dma_semaphore, #tpu.memory_space<semaphore_mem>>)
      %dma_wait3A_147 = tpu.memref_slice %arg6[%multiple_of3A, %mul3A_69] : memref<100352x64xf32, #tpu.memory_space<hbm>> -> memref<6272x16xf32, #tpu.memory_space<hbm>>
      %dma_wait3A_148 = arith.constant 0 : i32
      %dma_wait3A_149 = tpu.memref_slice %arg10[%multiple_of3A, %dma_wait3A_148] : memref<100352x16xf32, #tpu.memory_space<vmem_shared>> -> memref<6272x16xf32, #tpu.memory_space<vmem_shared>>
      tpu.wait_dma2 semaphore(%run_scoped3A : memref<!tpu.dma_semaphore, #tpu.memory_space<semaphore_mem>>) src(%dma_wait3A_149 : memref<6272x16xf32, #tpu.memory_space<vmem_shared>>) dst(%dma_wait3A_147 : memref<6272x16xf32, #tpu.memory_space<hbm>>)
      tpu.yield
    }) : () -> ()
    %barrier3A_70 = arith.constant 0 : index
    tpu.barrier barrier_id(%barrier3A_70)
    %mul3A_71 = arith.constant 2 : i32
    %mul3A_72 = arith.muli %arg0, %mul3A_71 : i32
    %add3A_73 = arith.constant 1 : i32
    %add3A_74 = arith.addi %mul3A_72, %add3A_73 : i32
    "tpu.region"() ({
      %run_scoped3A = tpu.sem_alloc : memref<!tpu.dma_semaphore, #tpu.memory_space<semaphore_mem>>
      %dma_start3A_144 = arith.constant 0 : i32
      %dma_start3A_145 = tpu.memref_slice %arg10[%multiple_of3A, %dma_start3A_144] : memref<100352x16xf32, #tpu.memory_space<vmem_shared>> -> memref<6272x16xf32, #tpu.memory_space<vmem_shared>>
      tpu.enqueue_dma source(%arg5 : memref<6272x16xf32, #tpu.memory_space<hbm>>) target(%dma_start3A_145 : memref<6272x16xf32, #tpu.memory_space<vmem_shared>>) target_semaphore(%run_scoped3A : memref<!tpu.dma_semaphore, #tpu.memory_space<semaphore_mem>>)
      %dma_wait3A_146 = arith.constant 0 : i32
      %dma_wait3A_147 = tpu.memref_slice %arg10[%multiple_of3A, %dma_wait3A_146] : memref<100352x16xf32, #tpu.memory_space<vmem_shared>> -> memref<6272x16xf32, #tpu.memory_space<vmem_shared>>
      tpu.wait_dma2 semaphore(%run_scoped3A : memref<!tpu.dma_semaphore, #tpu.memory_space<semaphore_mem>>) src(%arg5 : memref<6272x16xf32, #tpu.memory_space<hbm>>) dst(%dma_wait3A_147 : memref<6272x16xf32, #tpu.memory_space<vmem_shared>>)
      tpu.yield
    }) : () -> ()
    %barrier3A_75 = arith.constant 0 : index
    tpu.barrier barrier_id(%barrier3A_75)
    %add3A_76 = arith.constant 0 : i32
    %add3A_77 = arith.addi %mul3A_2, %add3A_76 : i32
    %multiple_of3A_78 = tpu.assume_multiple %add3A_77, 8 : i32
    %dma_start3A_79 = arith.constant 0 : i32
    %dma_start3A_80 = arith.constant 0 : i32
    %dma_start3A_81 = tpu.memref_slice %arg7[%dma_start3A_79, %dma_start3A_80] : memref<2x800xi32, #tpu.memory_space<vmem>> -> memref<1x800xi32, #tpu.memory_space<vmem>>
    %dma_start3A_82 = tpu.memref_squeeze %dma_start3A_81 : memref<1x800xi32, #tpu.memory_space<vmem>> -> memref<800xi32, #tpu.memory_space<vmem>>
    %dma_start3A_83 = tpu.memref_slice %arg3[%add3A_74, %multiple_of3A_78] : memref<4x1638400xi32, #tpu.memory_space<hbm>> -> memref<1x800xi32, #tpu.memory_space<hbm>>
    %dma_start3A_84 = tpu.memref_squeeze %dma_start3A_83 : memref<1x800xi32, #tpu.memory_space<hbm>> -> memref<800xi32, #tpu.memory_space<hbm>>
    %dma_start3A_85 = arith.constant 0 : i32
    %dma_start3A_86 = tpu.memref_slice %arg7[%dma_start3A_79, %dma_start3A_85] : memref<2x800xi32, #tpu.memory_space<vmem>> -> memref<1x800xi32, #tpu.memory_space<vmem>>
    %dma_start3A_87 = tpu.memref_squeeze %dma_start3A_86 : memref<1x800xi32, #tpu.memory_space<vmem>> -> memref<800xi32, #tpu.memory_space<vmem>>
    %dma_start3A_88 = tpu.memref_slice %arg3[%add3A_74, %multiple_of3A_78] : memref<4x1638400xi32, #tpu.memory_space<hbm>> -> memref<1x800xi32, #tpu.memory_space<hbm>>
    %dma_start3A_89 = tpu.memref_squeeze %dma_start3A_88 : memref<1x800xi32, #tpu.memory_space<hbm>> -> memref<800xi32, #tpu.memory_space<hbm>>
    tpu.enqueue_dma source(%dma_start3A_89 : memref<800xi32, #tpu.memory_space<hbm>>) target(%dma_start3A_87 : memref<800xi32, #tpu.memory_space<vmem>>) target_semaphore(%arg11 : memref<!tpu.dma_semaphore, #tpu.memory_space<semaphore_mem>>)
    %dma_start3A_90 = arith.constant 0 : i32
    %dma_start3A_91 = arith.constant 0 : i32
    %dma_start3A_92 = tpu.memref_slice %arg8[%dma_start3A_90, %dma_start3A_91] : memref<2x800xi32, #tpu.memory_space<vmem>> -> memref<1x800xi32, #tpu.memory_space<vmem>>
    %dma_start3A_93 = tpu.memref_squeeze %dma_start3A_92 : memref<1x800xi32, #tpu.memory_space<vmem>> -> memref<800xi32, #tpu.memory_space<vmem>>
    %dma_start3A_94 = tpu.memref_slice %arg4[%multiple_of3A_78] : memref<1600000xi32, #tpu.memory_space<hbm>> -> memref<800xi32, #tpu.memory_space<hbm>>
    %dma_start3A_95 = arith.constant 0 : i32
    %dma_start3A_96 = tpu.memref_slice %arg8[%dma_start3A_90, %dma_start3A_95] : memref<2x800xi32, #tpu.memory_space<vmem>> -> memref<1x800xi32, #tpu.memory_space<vmem>>
    %dma_start3A_97 = tpu.memref_squeeze %dma_start3A_96 : memref<1x800xi32, #tpu.memory_space<vmem>> -> memref<800xi32, #tpu.memory_space<vmem>>
    %dma_start3A_98 = tpu.memref_slice %arg4[%multiple_of3A_78] : memref<1600000xi32, #tpu.memory_space<hbm>> -> memref<800xi32, #tpu.memory_space<hbm>>
    tpu.enqueue_dma source(%dma_start3A_98 : memref<800xi32, #tpu.memory_space<hbm>>) target(%dma_start3A_97 : memref<800xi32, #tpu.memory_space<vmem>>) target_semaphore(%arg11 : memref<!tpu.dma_semaphore, #tpu.memory_space<semaphore_mem>>)
    %scan3A_99 = arith.constant 0 : i32
    %scan3A_100 = arith.constant 0 : i32
    %scan3A_101 = arith.constant 125 : i32
    %scan3A_102 = arith.addi %scan3A_100, %scan3A_101 : i32
    %scan3A_103 = arith.constant 1 : i32
    scf.for %scan3A_144 = %scan3A_100 to %scan3A_102 step %scan3A_103  : i32 {
      %rem3A = arith.constant 2 : i32
      %rem3A_145 = arith.remsi %scan3A_144, %rem3A : i32
      %sub3A = arith.constant 1 : i32
      %sub3A_146 = arith.subi %sub3A, %rem3A_145 : i32
      %mul3A_147 = arith.constant 800 : i32
      %mul3A_148 = arith.muli %scan3A_144, %mul3A_147 : i32
      %add3A_149 = arith.addi %mul3A_2, %mul3A_148 : i32
      %multiple_of3A_150 = tpu.assume_multiple %add3A_149, 8 : i32
      %dma_wait3A_151 = arith.constant 0 : i32
      %dma_wait3A_152 = tpu.memref_slice %arg7[%rem3A_145, %dma_wait3A_151] : memref<2x800xi32, #tpu.memory_space<vmem>> -> memref<1x800xi32, #tpu.memory_space<vmem>>
      %dma_wait3A_153 = tpu.memref_squeeze %dma_wait3A_152 : memref<1x800xi32, #tpu.memory_space<vmem>> -> memref<800xi32, #tpu.memory_space<vmem>>
      %dma_wait3A_154 = tpu.memref_slice %arg3[%add3A_74, %multiple_of3A_150] : memref<4x1638400xi32, #tpu.memory_space<hbm>> -> memref<1x800xi32, #tpu.memory_space<hbm>>
      %dma_wait3A_155 = tpu.memref_squeeze %dma_wait3A_154 : memref<1x800xi32, #tpu.memory_space<hbm>> -> memref<800xi32, #tpu.memory_space<hbm>>
      %dma_wait3A_156 = arith.constant 0 : i32
      %dma_wait3A_157 = tpu.memref_slice %arg7[%rem3A_145, %dma_wait3A_156] : memref<2x800xi32, #tpu.memory_space<vmem>> -> memref<1x800xi32, #tpu.memory_space<vmem>>
      %dma_wait3A_158 = tpu.memref_squeeze %dma_wait3A_157 : memref<1x800xi32, #tpu.memory_space<vmem>> -> memref<800xi32, #tpu.memory_space<vmem>>
      %dma_wait3A_159 = tpu.memref_slice %arg3[%add3A_74, %multiple_of3A_150] : memref<4x1638400xi32, #tpu.memory_space<hbm>> -> memref<1x800xi32, #tpu.memory_space<hbm>>
      %dma_wait3A_160 = tpu.memref_squeeze %dma_wait3A_159 : memref<1x800xi32, #tpu.memory_space<hbm>> -> memref<800xi32, #tpu.memory_space<hbm>>
      tpu.wait_dma2 semaphore(%arg11 : memref<!tpu.dma_semaphore, #tpu.memory_space<semaphore_mem>>) src(%dma_wait3A_160 : memref<800xi32, #tpu.memory_space<hbm>>) dst(%dma_wait3A_158 : memref<800xi32, #tpu.memory_space<vmem>>)
      %dma_wait3A_161 = arith.constant 0 : i32
      %dma_wait3A_162 = tpu.memref_slice %arg8[%rem3A_145, %dma_wait3A_161] : memref<2x800xi32, #tpu.memory_space<vmem>> -> memref<1x800xi32, #tpu.memory_space<vmem>>
      %dma_wait3A_163 = tpu.memref_squeeze %dma_wait3A_162 : memref<1x800xi32, #tpu.memory_space<vmem>> -> memref<800xi32, #tpu.memory_space<vmem>>
      %dma_wait3A_164 = tpu.memref_slice %arg4[%multiple_of3A_150] : memref<1600000xi32, #tpu.memory_space<hbm>> -> memref<800xi32, #tpu.memory_space<hbm>>
      %dma_wait3A_165 = arith.constant 0 : i32
      %dma_wait3A_166 = tpu.memref_slice %arg8[%rem3A_145, %dma_wait3A_165] : memref<2x800xi32, #tpu.memory_space<vmem>> -> memref<1x800xi32, #tpu.memory_space<vmem>>
      %dma_wait3A_167 = tpu.memref_squeeze %dma_wait3A_166 : memref<1x800xi32, #tpu.memory_space<vmem>> -> memref<800xi32, #tpu.memory_space<vmem>>
      %dma_wait3A_168 = tpu.memref_slice %arg4[%multiple_of3A_150] : memref<1600000xi32, #tpu.memory_space<hbm>> -> memref<800xi32, #tpu.memory_space<hbm>>
      tpu.wait_dma2 semaphore(%arg11 : memref<!tpu.dma_semaphore, #tpu.memory_space<semaphore_mem>>) src(%dma_wait3A_168 : memref<800xi32, #tpu.memory_space<hbm>>) dst(%dma_wait3A_167 : memref<800xi32, #tpu.memory_space<vmem>>)
      %dma_start3A_169 = arith.constant 0 : i32
      %dma_start3A_170 = arith.constant 0 : i32
      %dma_start3A_171 = tpu.memref_slice %arg9[%rem3A_145, %dma_start3A_169, %dma_start3A_170] : memref<2x800x16xf32, #tpu.memory_space<vmem>> -> memref<1x800x16xf32, #tpu.memory_space<vmem>>
      %dma_start3A_172 = tpu.memref_squeeze %dma_start3A_171 : memref<1x800x16xf32, #tpu.memory_space<vmem>> -> memref<800x16xf32, #tpu.memory_space<vmem>>
      %dma_start3A_173 = arith.constant 0 : i32
      %dma_start3A_174 = tpu.memref_slice %arg7[%rem3A_145, %dma_start3A_173] : memref<2x800xi32, #tpu.memory_space<vmem>> -> memref<1x800xi32, #tpu.memory_space<vmem>>
      %dma_start3A_175 = tpu.memref_squeeze %dma_start3A_174 : memref<1x800xi32, #tpu.memory_space<vmem>> -> memref<800xi32, #tpu.memory_space<vmem>>
      %dma_start3A_176 = arith.constant 0 : i32
      %dma_start3A_177 = arith.constant 0 : i32
      %dma_start3A_178 = tpu.memref_slice %arg2[%dma_start3A_176, %dma_start3A_177] : memref<401408x16xf32, #tpu.memory_space<hbm>> -> memref<401408x16xf32, #tpu.memory_space<hbm>>
      tpu.enqueue_indirect_dma source(%dma_start3A_178 : memref<401408x16xf32, #tpu.memory_space<hbm>>) target(%dma_start3A_172 : memref<800x16xf32, #tpu.memory_space<vmem>>) offsets(%dma_start3A_175 : memref<800xi32, #tpu.memory_space<vmem>>) semaphore(%arg12 : memref<!tpu.dma_semaphore, #tpu.memory_space<semaphore_mem>>)
      %gt3A = arith.constant 0 : i32
      %gt3A_179 = arith.cmpi sgt, %scan3A_144, %gt3A : i32
      %convert_element_type3A = arith.extui %gt3A_179 : i1 to i32
      %cond3A = arith.constant 0 : i32
      %cond3A_180 = arith.cmpi ne, %convert_element_type3A, %cond3A : i32
      scf.if %cond3A_180 {
        %dma_wait3A_226 = arith.constant 0 : i32
        %dma_wait3A_227 = arith.constant 0 : i32
        %dma_wait3A_228 = tpu.memref_slice %arg9[%sub3A_146, %dma_wait3A_226, %dma_wait3A_227] : memref<2x800x16xf32, #tpu.memory_space<vmem>> -> memref<1x800x16xf32, #tpu.memory_space<vmem>>
        %dma_wait3A_229 = tpu.memref_squeeze %dma_wait3A_228 : memref<1x800x16xf32, #tpu.memory_space<vmem>> -> memref<800x16xf32, #tpu.memory_space<vmem>>
        %dma_wait3A_230 = arith.constant 0 : i32
        %dma_wait3A_231 = tpu.memref_slice %arg8[%sub3A_146, %dma_wait3A_230] : memref<2x800xi32, #tpu.memory_space<vmem>> -> memref<1x800xi32, #tpu.memory_space<vmem>>
        %dma_wait3A_232 = tpu.memref_squeeze %dma_wait3A_231 : memref<1x800xi32, #tpu.memory_space<vmem>> -> memref<800xi32, #tpu.memory_space<vmem>>
        %dma_wait3A_233 = arith.constant 0 : i32
        %dma_wait3A_234 = arith.constant 0 : i32
        %dma_wait3A_235 = tpu.memref_slice %arg10[%dma_wait3A_233, %dma_wait3A_234] : memref<100352x16xf32, #tpu.memory_space<vmem_shared>> -> memref<100352x16xf32, #tpu.memory_space<vmem_shared>>
        tpu.wait_indirect_dma semaphore(%arg13 : memref<!tpu.dma_semaphore, #tpu.memory_space<semaphore_mem>>) src(%dma_wait3A_229 : memref<800x16xf32, #tpu.memory_space<vmem>>) dst(%dma_wait3A_235 : memref<100352x16xf32, #tpu.memory_space<vmem_shared>>)
      } else {
      }
      %add3A_181 = arith.constant 1 : i32
      %add3A_182 = arith.addi %scan3A_144, %add3A_181 : i32
      %min3A = arith.constant 124 : i32
      %min3A_183 = arith.minsi %add3A_182, %min3A : i32
      %mul3A_184 = arith.constant 800 : i32
      %mul3A_185 = arith.muli %min3A_183, %mul3A_184 : i32
      %add3A_186 = arith.addi %mul3A_2, %mul3A_185 : i32
      %multiple_of3A_187 = tpu.assume_multiple %add3A_186, 8 : i32
      %dma_start3A_188 = arith.constant 0 : i32
      %dma_start3A_189 = tpu.memref_slice %arg7[%sub3A_146, %dma_start3A_188] : memref<2x800xi32, #tpu.memory_space<vmem>> -> memref<1x800xi32, #tpu.memory_space<vmem>>
      %dma_start3A_190 = tpu.memref_squeeze %dma_start3A_189 : memref<1x800xi32, #tpu.memory_space<vmem>> -> memref<800xi32, #tpu.memory_space<vmem>>
      %dma_start3A_191 = tpu.memref_slice %arg3[%add3A_74, %multiple_of3A_187] : memref<4x1638400xi32, #tpu.memory_space<hbm>> -> memref<1x800xi32, #tpu.memory_space<hbm>>
      %dma_start3A_192 = tpu.memref_squeeze %dma_start3A_191 : memref<1x800xi32, #tpu.memory_space<hbm>> -> memref<800xi32, #tpu.memory_space<hbm>>
      %dma_start3A_193 = arith.constant 0 : i32
      %dma_start3A_194 = tpu.memref_slice %arg7[%sub3A_146, %dma_start3A_193] : memref<2x800xi32, #tpu.memory_space<vmem>> -> memref<1x800xi32, #tpu.memory_space<vmem>>
      %dma_start3A_195 = tpu.memref_squeeze %dma_start3A_194 : memref<1x800xi32, #tpu.memory_space<vmem>> -> memref<800xi32, #tpu.memory_space<vmem>>
      %dma_start3A_196 = tpu.memref_slice %arg3[%add3A_74, %multiple_of3A_187] : memref<4x1638400xi32, #tpu.memory_space<hbm>> -> memref<1x800xi32, #tpu.memory_space<hbm>>
      %dma_start3A_197 = tpu.memref_squeeze %dma_start3A_196 : memref<1x800xi32, #tpu.memory_space<hbm>> -> memref<800xi32, #tpu.memory_space<hbm>>
      tpu.enqueue_dma source(%dma_start3A_197 : memref<800xi32, #tpu.memory_space<hbm>>) target(%dma_start3A_195 : memref<800xi32, #tpu.memory_space<vmem>>) target_semaphore(%arg11 : memref<!tpu.dma_semaphore, #tpu.memory_space<semaphore_mem>>)
      %dma_start3A_198 = arith.constant 0 : i32
      %dma_start3A_199 = tpu.memref_slice %arg8[%sub3A_146, %dma_start3A_198] : memref<2x800xi32, #tpu.memory_space<vmem>> -> memref<1x800xi32, #tpu.memory_space<vmem>>
      %dma_start3A_200 = tpu.memref_squeeze %dma_start3A_199 : memref<1x800xi32, #tpu.memory_space<vmem>> -> memref<800xi32, #tpu.memory_space<vmem>>
      %dma_start3A_201 = tpu.memref_slice %arg4[%multiple_of3A_187] : memref<1600000xi32, #tpu.memory_space<hbm>> -> memref<800xi32, #tpu.memory_space<hbm>>
      %dma_start3A_202 = arith.constant 0 : i32
      %dma_start3A_203 = tpu.memref_slice %arg8[%sub3A_146, %dma_start3A_202] : memref<2x800xi32, #tpu.memory_space<vmem>> -> memref<1x800xi32, #tpu.memory_space<vmem>>
      %dma_start3A_204 = tpu.memref_squeeze %dma_start3A_203 : memref<1x800xi32, #tpu.memory_space<vmem>> -> memref<800xi32, #tpu.memory_space<vmem>>
      %dma_start3A_205 = tpu.memref_slice %arg4[%multiple_of3A_187] : memref<1600000xi32, #tpu.memory_space<hbm>> -> memref<800xi32, #tpu.memory_space<hbm>>
      tpu.enqueue_dma source(%dma_start3A_205 : memref<800xi32, #tpu.memory_space<hbm>>) target(%dma_start3A_204 : memref<800xi32, #tpu.memory_space<vmem>>) target_semaphore(%arg11 : memref<!tpu.dma_semaphore, #tpu.memory_space<semaphore_mem>>)
      %dma_wait3A_206 = arith.constant 0 : i32
      %dma_wait3A_207 = arith.constant 0 : i32
      %dma_wait3A_208 = tpu.memref_slice %arg9[%rem3A_145, %dma_wait3A_206, %dma_wait3A_207] : memref<2x800x16xf32, #tpu.memory_space<vmem>> -> memref<1x800x16xf32, #tpu.memory_space<vmem>>
      %dma_wait3A_209 = tpu.memref_squeeze %dma_wait3A_208 : memref<1x800x16xf32, #tpu.memory_space<vmem>> -> memref<800x16xf32, #tpu.memory_space<vmem>>
      %dma_wait3A_210 = arith.constant 0 : i32
      %dma_wait3A_211 = tpu.memref_slice %arg7[%rem3A_145, %dma_wait3A_210] : memref<2x800xi32, #tpu.memory_space<vmem>> -> memref<1x800xi32, #tpu.memory_space<vmem>>
      %dma_wait3A_212 = tpu.memref_squeeze %dma_wait3A_211 : memref<1x800xi32, #tpu.memory_space<vmem>> -> memref<800xi32, #tpu.memory_space<vmem>>
      %dma_wait3A_213 = arith.constant 0 : i32
      %dma_wait3A_214 = arith.constant 0 : i32
      %dma_wait3A_215 = tpu.memref_slice %arg2[%dma_wait3A_213, %dma_wait3A_214] : memref<401408x16xf32, #tpu.memory_space<hbm>> -> memref<401408x16xf32, #tpu.memory_space<hbm>>
      tpu.wait_indirect_dma semaphore(%arg12 : memref<!tpu.dma_semaphore, #tpu.memory_space<semaphore_mem>>) src(%dma_wait3A_215 : memref<401408x16xf32, #tpu.memory_space<hbm>>) dst(%dma_wait3A_209 : memref<800x16xf32, #tpu.memory_space<vmem>>)
      %dma_start3A_216 = arith.constant 0 : i32
      %dma_start3A_217 = arith.constant 0 : i32
      %dma_start3A_218 = tpu.memref_slice %arg9[%rem3A_145, %dma_start3A_216, %dma_start3A_217] : memref<2x800x16xf32, #tpu.memory_space<vmem>> -> memref<1x800x16xf32, #tpu.memory_space<vmem>>
      %dma_start3A_219 = tpu.memref_squeeze %dma_start3A_218 : memref<1x800x16xf32, #tpu.memory_space<vmem>> -> memref<800x16xf32, #tpu.memory_space<vmem>>
      %dma_start3A_220 = arith.constant 0 : i32
      %dma_start3A_221 = tpu.memref_slice %arg8[%rem3A_145, %dma_start3A_220] : memref<2x800xi32, #tpu.memory_space<vmem>> -> memref<1x800xi32, #tpu.memory_space<vmem>>
      %dma_start3A_222 = tpu.memref_squeeze %dma_start3A_221 : memref<1x800xi32, #tpu.memory_space<vmem>> -> memref<800xi32, #tpu.memory_space<vmem>>
      %dma_start3A_223 = arith.constant 0 : i32
      %dma_start3A_224 = arith.constant 0 : i32
      %dma_start3A_225 = tpu.memref_slice %arg10[%dma_start3A_223, %dma_start3A_224] : memref<100352x16xf32, #tpu.memory_space<vmem_shared>> -> memref<100352x16xf32, #tpu.memory_space<vmem_shared>>
      tpu.enqueue_indirect_dma source(%dma_start3A_219 : memref<800x16xf32, #tpu.memory_space<vmem>>) target(%dma_start3A_225 : memref<100352x16xf32, #tpu.memory_space<vmem_shared>>) offsets(%dma_start3A_222 : memref<800xi32, #tpu.memory_space<vmem>>) semaphore(%arg13 : memref<!tpu.dma_semaphore, #tpu.memory_space<semaphore_mem>>) {add = true}
    }
    %scan3A_104 = arith.constant 125 : i32
    %add3A_105 = arith.constant 99200 : i32
    %add3A_106 = arith.addi %mul3A_2, %add3A_105 : i32
    %multiple_of3A_107 = tpu.assume_multiple %add3A_106, 8 : i32
    %dma_wait3A_108 = arith.constant 1 : i32
    %dma_wait3A_109 = arith.constant 0 : i32
    %dma_wait3A_110 = tpu.memref_slice %arg7[%dma_wait3A_108, %dma_wait3A_109] : memref<2x800xi32, #tpu.memory_space<vmem>> -> memref<1x800xi32, #tpu.memory_space<vmem>>
    %dma_wait3A_111 = tpu.memref_squeeze %dma_wait3A_110 : memref<1x800xi32, #tpu.memory_space<vmem>> -> memref<800xi32, #tpu.memory_space<vmem>>
    %dma_wait3A_112 = tpu.memref_slice %arg3[%add3A_74, %multiple_of3A_107] : memref<4x1638400xi32, #tpu.memory_space<hbm>> -> memref<1x800xi32, #tpu.memory_space<hbm>>
    %dma_wait3A_113 = tpu.memref_squeeze %dma_wait3A_112 : memref<1x800xi32, #tpu.memory_space<hbm>> -> memref<800xi32, #tpu.memory_space<hbm>>
    %dma_wait3A_114 = arith.constant 0 : i32
    %dma_wait3A_115 = tpu.memref_slice %arg7[%dma_wait3A_108, %dma_wait3A_114] : memref<2x800xi32, #tpu.memory_space<vmem>> -> memref<1x800xi32, #tpu.memory_space<vmem>>
    %dma_wait3A_116 = tpu.memref_squeeze %dma_wait3A_115 : memref<1x800xi32, #tpu.memory_space<vmem>> -> memref<800xi32, #tpu.memory_space<vmem>>
    %dma_wait3A_117 = tpu.memref_slice %arg3[%add3A_74, %multiple_of3A_107] : memref<4x1638400xi32, #tpu.memory_space<hbm>> -> memref<1x800xi32, #tpu.memory_space<hbm>>
    %dma_wait3A_118 = tpu.memref_squeeze %dma_wait3A_117 : memref<1x800xi32, #tpu.memory_space<hbm>> -> memref<800xi32, #tpu.memory_space<hbm>>
    tpu.wait_dma2 semaphore(%arg11 : memref<!tpu.dma_semaphore, #tpu.memory_space<semaphore_mem>>) src(%dma_wait3A_118 : memref<800xi32, #tpu.memory_space<hbm>>) dst(%dma_wait3A_116 : memref<800xi32, #tpu.memory_space<vmem>>)
    %dma_wait3A_119 = arith.constant 1 : i32
    %dma_wait3A_120 = arith.constant 0 : i32
    %dma_wait3A_121 = tpu.memref_slice %arg8[%dma_wait3A_119, %dma_wait3A_120] : memref<2x800xi32, #tpu.memory_space<vmem>> -> memref<1x800xi32, #tpu.memory_space<vmem>>
    %dma_wait3A_122 = tpu.memref_squeeze %dma_wait3A_121 : memref<1x800xi32, #tpu.memory_space<vmem>> -> memref<800xi32, #tpu.memory_space<vmem>>
    %dma_wait3A_123 = tpu.memref_slice %arg4[%multiple_of3A_107] : memref<1600000xi32, #tpu.memory_space<hbm>> -> memref<800xi32, #tpu.memory_space<hbm>>
    %dma_wait3A_124 = arith.constant 0 : i32
    %dma_wait3A_125 = tpu.memref_slice %arg8[%dma_wait3A_119, %dma_wait3A_124] : memref<2x800xi32, #tpu.memory_space<vmem>> -> memref<1x800xi32, #tpu.memory_space<vmem>>
    %dma_wait3A_126 = tpu.memref_squeeze %dma_wait3A_125 : memref<1x800xi32, #tpu.memory_space<vmem>> -> memref<800xi32, #tpu.memory_space<vmem>>
    %dma_wait3A_127 = tpu.memref_slice %arg4[%multiple_of3A_107] : memref<1600000xi32, #tpu.memory_space<hbm>> -> memref<800xi32, #tpu.memory_space<hbm>>
    tpu.wait_dma2 semaphore(%arg11 : memref<!tpu.dma_semaphore, #tpu.memory_space<semaphore_mem>>) src(%dma_wait3A_127 : memref<800xi32, #tpu.memory_space<hbm>>) dst(%dma_wait3A_126 : memref<800xi32, #tpu.memory_space<vmem>>)
    %dma_wait3A_128 = arith.constant 0 : i32
    %dma_wait3A_129 = arith.constant 0 : i32
    %dma_wait3A_130 = arith.constant 0 : i32
    %dma_wait3A_131 = arith.constant 0 : i32
    %dma_wait3A_132 = tpu.memref_slice %arg9[%dma_wait3A_128, %dma_wait3A_130, %dma_wait3A_131] : memref<2x800x16xf32, #tpu.memory_space<vmem>> -> memref<1x800x16xf32, #tpu.memory_space<vmem>>
    %dma_wait3A_133 = tpu.memref_squeeze %dma_wait3A_132 : memref<1x800x16xf32, #tpu.memory_space<vmem>> -> memref<800x16xf32, #tpu.memory_space<vmem>>
    %dma_wait3A_134 = arith.constant 0 : i32
    %dma_wait3A_135 = tpu.memref_slice %arg8[%dma_wait3A_129, %dma_wait3A_134] : memref<2x800xi32, #tpu.memory_space<vmem>> -> memref<1x800xi32, #tpu.memory_space<vmem>>
    %dma_wait3A_136 = tpu.memref_squeeze %dma_wait3A_135 : memref<1x800xi32, #tpu.memory_space<vmem>> -> memref<800xi32, #tpu.memory_space<vmem>>
    %dma_wait3A_137 = arith.constant 0 : i32
    %dma_wait3A_138 = arith.constant 0 : i32
    %dma_wait3A_139 = tpu.memref_slice %arg10[%dma_wait3A_137, %dma_wait3A_138] : memref<100352x16xf32, #tpu.memory_space<vmem_shared>> -> memref<100352x16xf32, #tpu.memory_space<vmem_shared>>
    tpu.wait_indirect_dma semaphore(%arg13 : memref<!tpu.dma_semaphore, #tpu.memory_space<semaphore_mem>>) src(%dma_wait3A_133 : memref<800x16xf32, #tpu.memory_space<vmem>>) dst(%dma_wait3A_139 : memref<100352x16xf32, #tpu.memory_space<vmem_shared>>)
    %barrier3A_140 = arith.constant 0 : index
    tpu.barrier barrier_id(%barrier3A_140)
    %mul3A_141 = arith.constant 16 : i32
    %mul3A_142 = arith.muli %mul3A_141, %add3A_74 : i32
    "tpu.region"() ({
      %run_scoped3A = tpu.sem_alloc : memref<!tpu.dma_semaphore, #tpu.memory_space<semaphore_mem>>
      %dma_start3A_144 = tpu.memref_slice %arg6[%multiple_of3A, %mul3A_142] : memref<100352x64xf32, #tpu.memory_space<hbm>> -> memref<6272x16xf32, #tpu.memory_space<hbm>>
      %dma_start3A_145 = arith.constant 0 : i32
      %dma_start3A_146 = tpu.memref_slice %arg10[%multiple_of3A, %dma_start3A_145] : memref<100352x16xf32, #tpu.memory_space<vmem_shared>> -> memref<6272x16xf32, #tpu.memory_space<vmem_shared>>
      tpu.enqueue_dma source(%dma_start3A_146 : memref<6272x16xf32, #tpu.memory_space<vmem_shared>>) target(%dma_start3A_144 : memref<6272x16xf32, #tpu.memory_space<hbm>>) target_semaphore(%run_scoped3A : memref<!tpu.dma_semaphore, #tpu.memory_space<semaphore_mem>>)
      %dma_wait3A_147 = tpu.memref_slice %arg6[%multiple_of3A, %mul3A_142] : memref<100352x64xf32, #tpu.memory_space<hbm>> -> memref<6272x16xf32, #tpu.memory_space<hbm>>
      %dma_wait3A_148 = arith.constant 0 : i32
      %dma_wait3A_149 = tpu.memref_slice %arg10[%multiple_of3A, %dma_wait3A_148] : memref<100352x16xf32, #tpu.memory_space<vmem_shared>> -> memref<6272x16xf32, #tpu.memory_space<vmem_shared>>
      tpu.wait_dma2 semaphore(%run_scoped3A : memref<!tpu.dma_semaphore, #tpu.memory_space<semaphore_mem>>) src(%dma_wait3A_149 : memref<6272x16xf32, #tpu.memory_space<vmem_shared>>) dst(%dma_wait3A_147 : memref<6272x16xf32, #tpu.memory_space<hbm>>)
      tpu.yield
    }) : () -> ()
    %barrier3A_143 = arith.constant 0 : index
    tpu.barrier barrier_id(%barrier3A_143)
    return
  }
}

module attributes {stable_mosaic.version = 14 : i64} {
  func.func @body(%arg0: i32, %arg1: memref<16384xi32, #tpu.memory_space<vmem>>, %arg2: memref<4x16384xi32, #tpu.memory_space<vmem>>) attributes {dimension_semantics = [#tpu.dimension_semantics<arbitrary>], iteration_bounds = array<i64: 100>, scalar_prefetch = 0 : i64, scratch_operands = 0 : i64, tpu.core_type = #tpu.core_type<tc>, window_params = [{transform_indices = @transform_0, window_bounds = array<i64: 16384>}, {transform_indices = @transform_1, window_bounds = array<i64: 4, 16384>}]} {
    %get3A = arith.constant 0 : index
    %get3A_0 = vector.load %arg1[%get3A] : memref<16384xi32, #tpu.memory_space<vmem>>, vector<16384xi32>
    %broadcast_in_dim3A = vector.shape_cast %get3A_0 : vector<16384xi32> to vector<1x16384xi32>
    %mul3A = arith.constant 4 : i32
    %mul3A_1 = vector.broadcast %mul3A : i32 to vector<1x16384xi32>
    %mul3A_2 = arith.muli %mul3A_1, %broadcast_in_dim3A : vector<1x16384xi32>
    %iota3A = tpu.iota {dimensions = array<i32: 0>} : vector<4x16384xi32>
    %add3A = vector.broadcast %mul3A_2 : vector<1x16384xi32> to vector<4x16384xi32>
    %add3A_3 = arith.addi %add3A, %iota3A : vector<4x16384xi32>
    %swap3A = arith.constant 0 : index
    %swap3A_4 = arith.constant 0 : index
    %swap3A_5 = vector.load %arg2[%swap3A, %swap3A_4] : memref<4x16384xi32, #tpu.memory_space<vmem>>, vector<4x16384xi32>
    tpu.vector_store %arg2[%swap3A, %swap3A_4], %add3A_3 {strides = array<i32>} : memref<4x16384xi32, #tpu.memory_space<vmem>>, vector<4x16384xi32>,
    return
  }
  func.func @transform_0(%arg0: i32) -> i32 {
    %c0_i32 = arith.constant 0 : i32
    return %arg0 : i32
  }
  func.func @transform_1(%arg0: i32) -> (i32, i32) {
    %c0_i32 = arith.constant 0 : i32
    %c0_i32_0 = arith.constant 0 : i32
    return %c0_i32, %arg0 : i32, i32
  }
}

module attributes {stable_mosaic.version = 14 : i64} {
  func.func @body(%arg0: i32, %arg1: memref<2x6272xf32, #tpu.memory_space<vmem>>, %arg2: memref<32x6272xf32, #tpu.memory_space<vmem>>, %arg3: memref<32x64xf32, #tpu.memory_space<vmem>>, %arg4: memref<6272x64xf32, #tpu.memory_space<vmem>>) attributes {dimension_semantics = [#tpu.dimension_semantics<arbitrary>], iteration_bounds = array<i64: 16>, scalar_prefetch = 0 : i64, scratch_operands = 0 : i64, tpu.core_type = #tpu.core_type<tc>, window_params = [{transform_indices = @transform_0, window_bounds = array<i64: 2, 6272>}, {transform_indices = @transform_1, window_bounds = array<i64: 32, 6272>}, {pipeline_mode = #tpu.pipeline_mode<synchronous>, transform_indices = @transform_2, window_bounds = array<i64: 32, 64>}, {transform_indices = @transform_3, window_bounds = array<i64: 6272, 64>}]} {
    %get3A = arith.constant 0 : index
    %get3A_0 = arith.constant 0 : index
    %get3A_1 = vector.load %arg1[%get3A, %get3A_0] : memref<2x6272xf32, #tpu.memory_space<vmem>>, vector<1x6272xf32>
    %get3A_2 = vector.shape_cast %get3A_1 : vector<1x6272xf32> to vector<6272xf32>
    %get3A_3 = arith.constant 1 : index
    %get3A_4 = arith.constant 0 : index
    %get3A_5 = vector.load %arg1[%get3A_3, %get3A_4] : memref<2x6272xf32, #tpu.memory_space<vmem>>, vector<1x6272xf32>
    %get3A_6 = vector.shape_cast %get3A_5 : vector<1x6272xf32> to vector<6272xf32>
    %add3A = arith.addf %get3A_2, %get3A_6 : vector<6272xf32>
    %add3A_7 = arith.constant 1.000000e+00 : f32
    %add3A_8 = vector.broadcast %add3A_7 : f32 to vector<6272xf32>
    %add3A_9 = arith.addf %add3A, %add3A_8 : vector<6272xf32>
    %max3A = arith.constant 1.000000e+00 : f32
    %max3A_10 = vector.broadcast %max3A : f32 to vector<6272xf32>
    %max3A_11 = arith.maximumf %add3A_9, %max3A_10 : vector<6272xf32>
    %rsqrt3A = math.rsqrt %max3A_11 : vector<6272xf32>
    %get3A_12 = arith.constant 0 : index
    %get3A_13 = arith.constant 0 : index
    %get3A_14 = vector.load %arg2[%get3A_12, %get3A_13] : memref<32x6272xf32, #tpu.memory_space<vmem>>, vector<32x6272xf32>
    %get3A_15 = arith.constant 0 : index
    %get3A_16 = arith.constant 0 : index
    %get3A_17 = vector.load %arg3[%get3A_15, %get3A_16] : memref<32x64xf32, #tpu.memory_space<vmem>>, vector<32x64xf32>
    %dot_general3A = arith.constant dense<0.000000e+00> : vector<6272x64xf32>
    %dot_general3A_18 = tpu.matmul %get3A_14, %get3A_17, %dot_general3A {dimension_numbers = #tpu.dot_dimension_numbers<[0], [0], [1], [1], [0, 1, 1, 1], [], []>, transpose_lhs_hint = false} : vector<32x6272xf32>, vector<32x64xf32>, vector<6272x64xf32> -> vector<6272x64xf32>
    %broadcast_in_dim3A = vector.shape_cast %rsqrt3A : vector<6272xf32> to vector<6272x1xf32>
    %mul3A = vector.broadcast %broadcast_in_dim3A : vector<6272x1xf32> to vector<6272x64xf32>
    %mul3A_19 = arith.mulf %dot_general3A_18, %mul3A : vector<6272x64xf32>
    %swap3A = arith.constant 0 : index
    %swap3A_20 = arith.constant 0 : index
    %swap3A_21 = vector.load %arg4[%swap3A, %swap3A_20] : memref<6272x64xf32, #tpu.memory_space<vmem>>, vector<6272x64xf32>
    tpu.vector_store %arg4[%swap3A, %swap3A_20], %mul3A_19 {strides = array<i32>} : memref<6272x64xf32, #tpu.memory_space<vmem>>, vector<6272x64xf32>,
    return
  }
  func.func @transform_0(%arg0: i32) -> (i32, i32) {
    %c0_i32 = arith.constant 0 : i32
    %c0_i32_0 = arith.constant 0 : i32
    return %c0_i32, %arg0 : i32, i32
  }
  func.func @transform_1(%arg0: i32) -> (i32, i32) {
    %c0_i32 = arith.constant 0 : i32
    %c0_i32_0 = arith.constant 0 : i32
    return %c0_i32, %arg0 : i32, i32
  }
  func.func @transform_2(%arg0: i32) -> (i32, i32) {
    %c0_i32 = arith.constant 0 : i32
    %c0_i32_0 = arith.constant 0 : i32
    %c0_i32_1 = arith.constant 0 : i32
    return %c0_i32, %c0_i32_0 : i32, i32
  }
  func.func @transform_3(%arg0: i32) -> (i32, i32) {
    %c0_i32 = arith.constant 0 : i32
    %c0_i32_0 = arith.constant 0 : i32
    return %arg0, %c0_i32 : i32, i32
  }
}

module attributes {stable_mosaic.version = 14 : i64} {
  func.func @body(%arg0: i32, %arg1: memref<2x6272xf32, #tpu.memory_space<vmem>>, %arg2: memref<6272x64xf32, #tpu.memory_space<vmem>>, %arg3: memref<6272x64xf32, #tpu.memory_space<vmem>>, %arg4: memref<1x64xf32, #tpu.memory_space<vmem>>, %arg5: memref<64x64xf32, #tpu.memory_space<vmem>>, %arg6: memref<6272x64xf32, #tpu.memory_space<vmem>>, %arg7: memref<6272x64xf32, #tpu.memory_space<vmem>>) attributes {dimension_semantics = [#tpu.dimension_semantics<arbitrary>], iteration_bounds = array<i64: 16>, scalar_prefetch = 0 : i64, scratch_operands = 0 : i64, tpu.core_type = #tpu.core_type<tc>, window_params = [{transform_indices = @transform_0, window_bounds = array<i64: 2, 6272>}, {transform_indices = @transform_1, window_bounds = array<i64: 6272, 64>}, {transform_indices = @transform_2, window_bounds = array<i64: 6272, 64>}, {pipeline_mode = #tpu.pipeline_mode<synchronous>, transform_indices = @transform_3, window_bounds = array<i64: 1, 64>}, {pipeline_mode = #tpu.pipeline_mode<synchronous>, transform_indices = @transform_4, window_bounds = array<i64: 64, 64>}, {transform_indices = @transform_5, window_bounds = array<i64: 6272, 64>}, {transform_indices = @transform_6, window_bounds = array<i64: 6272, 64>}]} {
    %get3A = arith.constant 0 : index
    %get3A_0 = arith.constant 0 : index
    %get3A_1 = vector.load %arg1[%get3A, %get3A_0] : memref<2x6272xf32, #tpu.memory_space<vmem>>, vector<1x6272xf32>
    %get3A_2 = vector.shape_cast %get3A_1 : vector<1x6272xf32> to vector<6272xf32>
    %get3A_3 = arith.constant 1 : index
    %get3A_4 = arith.constant 0 : index
    %get3A_5 = vector.load %arg1[%get3A_3, %get3A_4] : memref<2x6272xf32, #tpu.memory_space<vmem>>, vector<1x6272xf32>
    %get3A_6 = vector.shape_cast %get3A_5 : vector<1x6272xf32> to vector<6272xf32>
    %add3A = arith.addf %get3A_2, %get3A_6 : vector<6272xf32>
    %add3A_7 = arith.constant 1.000000e+00 : f32
    %add3A_8 = vector.broadcast %add3A_7 : f32 to vector<6272xf32>
    %add3A_9 = arith.addf %add3A, %add3A_8 : vector<6272xf32>
    %max3A = arith.constant 1.000000e+00 : f32
    %max3A_10 = vector.broadcast %max3A : f32 to vector<6272xf32>
    %max3A_11 = arith.maximumf %add3A_9, %max3A_10 : vector<6272xf32>
    %rsqrt3A = math.rsqrt %max3A_11 : vector<6272xf32>
    %get3A_12 = arith.constant 0 : index
    %get3A_13 = arith.constant 0 : index
    %get3A_14 = vector.load %arg2[%get3A_12, %get3A_13] : memref<6272x64xf32, #tpu.memory_space<vmem>>, vector<6272x64xf32>
    %get3A_15 = arith.constant 0 : index
    %get3A_16 = arith.constant 0 : index
    %get3A_17 = vector.load %arg3[%get3A_15, %get3A_16] : memref<6272x64xf32, #tpu.memory_space<vmem>>, vector<6272x64xf32>
    %add3A_18 = arith.addf %get3A_14, %get3A_17 : vector<6272x64xf32>
    %broadcast_in_dim3A = vector.shape_cast %rsqrt3A : vector<6272xf32> to vector<6272x1xf32>
    %mul3A = vector.broadcast %broadcast_in_dim3A : vector<6272x1xf32> to vector<6272x64xf32>
    %mul3A_19 = arith.mulf %add3A_18, %mul3A : vector<6272x64xf32>
    %get3A_20 = arith.constant 0 : index
    %get3A_21 = arith.constant 0 : index
    %get3A_22 = vector.load %arg4[%get3A_20, %get3A_21] : memref<1x64xf32, #tpu.memory_space<vmem>>, vector<1x64xf32>
    %add3A_23 = vector.broadcast %get3A_22 : vector<1x64xf32> to vector<6272x64xf32>
    %add3A_24 = arith.addf %mul3A_19, %add3A_23 : vector<6272x64xf32>
    %max3A_25 = arith.constant 0.000000e+00 : f32
    %max3A_26 = vector.broadcast %max3A_25 : f32 to vector<6272x64xf32>
    %max3A_27 = arith.maximumf %add3A_24, %max3A_26 : vector<6272x64xf32>
    %swap3A = arith.constant 0 : index
    %swap3A_28 = arith.constant 0 : index
    %swap3A_29 = vector.load %arg6[%swap3A, %swap3A_28] : memref<6272x64xf32, #tpu.memory_space<vmem>>, vector<6272x64xf32>
    tpu.vector_store %arg6[%swap3A, %swap3A_28], %max3A_27 {strides = array<i32>} : memref<6272x64xf32, #tpu.memory_space<vmem>>, vector<6272x64xf32>,
    %get3A_30 = arith.constant 0 : index
    %get3A_31 = arith.constant 0 : index
    %get3A_32 = vector.load %arg5[%get3A_30, %get3A_31] : memref<64x64xf32, #tpu.memory_space<vmem>>, vector<64x64xf32>
    %dot_general3A = arith.constant dense<0.000000e+00> : vector<6272x64xf32>
    %dot_general3A_33 = tpu.matmul %max3A_27, %get3A_32, %dot_general3A {dimension_numbers = #tpu.dot_dimension_numbers<[1], [0], [0], [1], [0, 0, 1, 1], [], []>, transpose_lhs_hint = false} : vector<6272x64xf32>, vector<64x64xf32>, vector<6272x64xf32> -> vector<6272x64xf32>
    %broadcast_in_dim3A_34 = vector.shape_cast %rsqrt3A : vector<6272xf32> to vector<6272x1xf32>
    %mul3A_35 = vector.broadcast %broadcast_in_dim3A_34 : vector<6272x1xf32> to vector<6272x64xf32>
    %mul3A_36 = arith.mulf %dot_general3A_33, %mul3A_35 : vector<6272x64xf32>
    %swap3A_37 = arith.constant 0 : index
    %swap3A_38 = arith.constant 0 : index
    %swap3A_39 = vector.load %arg7[%swap3A_37, %swap3A_38] : memref<6272x64xf32, #tpu.memory_space<vmem>>, vector<6272x64xf32>
    tpu.vector_store %arg7[%swap3A_37, %swap3A_38], %mul3A_36 {strides = array<i32>} : memref<6272x64xf32, #tpu.memory_space<vmem>>, vector<6272x64xf32>,
    return
  }
  func.func @transform_0(%arg0: i32) -> (i32, i32) {
    %c0_i32 = arith.constant 0 : i32
    %c0_i32_0 = arith.constant 0 : i32
    return %c0_i32, %arg0 : i32, i32
  }
  func.func @transform_1(%arg0: i32) -> (i32, i32) {
    %c0_i32 = arith.constant 0 : i32
    %c0_i32_0 = arith.constant 0 : i32
    return %arg0, %c0_i32 : i32, i32
  }
  func.func @transform_2(%arg0: i32) -> (i32, i32) {
    %c0_i32 = arith.constant 0 : i32
    %c0_i32_0 = arith.constant 0 : i32
    return %arg0, %c0_i32 : i32, i32
  }
  func.func @transform_3(%arg0: i32) -> (i32, i32) {
    %c0_i32 = arith.constant 0 : i32
    %c0_i32_0 = arith.constant 0 : i32
    %c0_i32_1 = arith.constant 0 : i32
    return %c0_i32, %c0_i32_0 : i32, i32
  }
  func.func @transform_4(%arg0: i32) -> (i32, i32) {
    %c0_i32 = arith.constant 0 : i32
    %c0_i32_0 = arith.constant 0 : i32
    %c0_i32_1 = arith.constant 0 : i32
    return %c0_i32, %c0_i32_0 : i32, i32
  }
  func.func @transform_5(%arg0: i32) -> (i32, i32) {
    %c0_i32 = arith.constant 0 : i32
    %c0_i32_0 = arith.constant 0 : i32
    return %arg0, %c0_i32 : i32, i32
  }
  func.func @transform_6(%arg0: i32) -> (i32, i32) {
    %c0_i32 = arith.constant 0 : i32
    %c0_i32_0 = arith.constant 0 : i32
    return %arg0, %c0_i32 : i32, i32
  }
}

module attributes {stable_mosaic.version = 14 : i64} {
  func.func @body(%arg0: i32, %arg1: memref<2x6272xf32, #tpu.memory_space<vmem>>, %arg2: memref<6272x64xf32, #tpu.memory_space<vmem>>, %arg3: memref<6272x64xf32, #tpu.memory_space<vmem>>, %arg4: memref<6272x64xf32, #tpu.memory_space<vmem>>, %arg5: memref<1x64xf32, #tpu.memory_space<vmem>>, %arg6: memref<64x64xf32, #tpu.memory_space<vmem>>, %arg7: memref<6272x64xf32, #tpu.memory_space<vmem>>, %arg8: memref<6272x64xf32, #tpu.memory_space<vmem>>) attributes {dimension_semantics = [#tpu.dimension_semantics<arbitrary>], iteration_bounds = array<i64: 16>, scalar_prefetch = 0 : i64, scratch_operands = 0 : i64, tpu.core_type = #tpu.core_type<tc>, window_params = [{transform_indices = @transform_0, window_bounds = array<i64: 2, 6272>}, {transform_indices = @transform_1, window_bounds = array<i64: 6272, 64>}, {transform_indices = @transform_2, window_bounds = array<i64: 6272, 64>}, {transform_indices = @transform_3, window_bounds = array<i64: 6272, 64>}, {pipeline_mode = #tpu.pipeline_mode<synchronous>, transform_indices = @transform_4, window_bounds = array<i64: 1, 64>}, {pipeline_mode = #tpu.pipeline_mode<synchronous>, transform_indices = @transform_5, window_bounds = array<i64: 64, 64>}, {transform_indices = @transform_6, window_bounds = array<i64: 6272, 64>}, {transform_indices = @transform_7, window_bounds = array<i64: 6272, 64>}]} {
    %get3A = arith.constant 0 : index
    %get3A_0 = arith.constant 0 : index
    %get3A_1 = vector.load %arg1[%get3A, %get3A_0] : memref<2x6272xf32, #tpu.memory_space<vmem>>, vector<1x6272xf32>
    %get3A_2 = vector.shape_cast %get3A_1 : vector<1x6272xf32> to vector<6272xf32>
    %get3A_3 = arith.constant 1 : index
    %get3A_4 = arith.constant 0 : index
    %get3A_5 = vector.load %arg1[%get3A_3, %get3A_4] : memref<2x6272xf32, #tpu.memory_space<vmem>>, vector<1x6272xf32>
    %get3A_6 = vector.shape_cast %get3A_5 : vector<1x6272xf32> to vector<6272xf32>
    %add3A = arith.addf %get3A_2, %get3A_6 : vector<6272xf32>
    %add3A_7 = arith.constant 1.000000e+00 : f32
    %add3A_8 = vector.broadcast %add3A_7 : f32 to vector<6272xf32>
    %add3A_9 = arith.addf %add3A, %add3A_8 : vector<6272xf32>
    %max3A = arith.constant 1.000000e+00 : f32
    %max3A_10 = vector.broadcast %max3A : f32 to vector<6272xf32>
    %max3A_11 = arith.maximumf %add3A_9, %max3A_10 : vector<6272xf32>
    %rsqrt3A = math.rsqrt %max3A_11 : vector<6272xf32>
    %get3A_12 = arith.constant 0 : index
    %get3A_13 = arith.constant 0 : index
    %get3A_14 = vector.load %arg2[%get3A_12, %get3A_13] : memref<6272x64xf32, #tpu.memory_space<vmem>>, vector<6272x64xf32>
    %get3A_15 = arith.constant 0 : index
    %get3A_16 = arith.constant 0 : index
    %get3A_17 = vector.load %arg3[%get3A_15, %get3A_16] : memref<6272x64xf32, #tpu.memory_space<vmem>>, vector<6272x64xf32>
    %add3A_18 = arith.addf %get3A_14, %get3A_17 : vector<6272x64xf32>
    %broadcast_in_dim3A = vector.shape_cast %rsqrt3A : vector<6272xf32> to vector<6272x1xf32>
    %mul3A = vector.broadcast %broadcast_in_dim3A : vector<6272x1xf32> to vector<6272x64xf32>
    %mul3A_19 = arith.mulf %add3A_18, %mul3A : vector<6272x64xf32>
    %get3A_20 = arith.constant 0 : index
    %get3A_21 = arith.constant 0 : index
    %get3A_22 = vector.load %arg5[%get3A_20, %get3A_21] : memref<1x64xf32, #tpu.memory_space<vmem>>, vector<1x64xf32>
    %add3A_23 = vector.broadcast %get3A_22 : vector<1x64xf32> to vector<6272x64xf32>
    %add3A_24 = arith.addf %mul3A_19, %add3A_23 : vector<6272x64xf32>
    %max3A_25 = arith.constant 0.000000e+00 : f32
    %max3A_26 = vector.broadcast %max3A_25 : f32 to vector<6272x64xf32>
    %max3A_27 = arith.maximumf %add3A_24, %max3A_26 : vector<6272x64xf32>
    %get3A_28 = arith.constant 0 : index
    %get3A_29 = arith.constant 0 : index
    %get3A_30 = vector.load %arg4[%get3A_28, %get3A_29] : memref<6272x64xf32, #tpu.memory_space<vmem>>, vector<6272x64xf32>
    %add3A_31 = arith.addf %get3A_30, %max3A_27 : vector<6272x64xf32>
    %swap3A = arith.constant 0 : index
    %swap3A_32 = arith.constant 0 : index
    %swap3A_33 = vector.load %arg7[%swap3A, %swap3A_32] : memref<6272x64xf32, #tpu.memory_space<vmem>>, vector<6272x64xf32>
    tpu.vector_store %arg7[%swap3A, %swap3A_32], %add3A_31 {strides = array<i32>} : memref<6272x64xf32, #tpu.memory_space<vmem>>, vector<6272x64xf32>,
    %get3A_34 = arith.constant 0 : index
    %get3A_35 = arith.constant 0 : index
    %get3A_36 = vector.load %arg6[%get3A_34, %get3A_35] : memref<64x64xf32, #tpu.memory_space<vmem>>, vector<64x64xf32>
    %dot_general3A = arith.constant dense<0.000000e+00> : vector<6272x64xf32>
    %dot_general3A_37 = tpu.matmul %add3A_31, %get3A_36, %dot_general3A {dimension_numbers = #tpu.dot_dimension_numbers<[1], [0], [0], [1], [0, 0, 1, 1], [], []>, transpose_lhs_hint = false} : vector<6272x64xf32>, vector<64x64xf32>, vector<6272x64xf32> -> vector<6272x64xf32>
    %broadcast_in_dim3A_38 = vector.shape_cast %rsqrt3A : vector<6272xf32> to vector<6272x1xf32>
    %mul3A_39 = vector.broadcast %broadcast_in_dim3A_38 : vector<6272x1xf32> to vector<6272x64xf32>
    %mul3A_40 = arith.mulf %dot_general3A_37, %mul3A_39 : vector<6272x64xf32>
    %swap3A_41 = arith.constant 0 : index
    %swap3A_42 = arith.constant 0 : index
    %swap3A_43 = vector.load %arg8[%swap3A_41, %swap3A_42] : memref<6272x64xf32, #tpu.memory_space<vmem>>, vector<6272x64xf32>
    tpu.vector_store %arg8[%swap3A_41, %swap3A_42], %mul3A_40 {strides = array<i32>} : memref<6272x64xf32, #tpu.memory_space<vmem>>, vector<6272x64xf32>,
    return
  }
  func.func @transform_0(%arg0: i32) -> (i32, i32) {
    %c0_i32 = arith.constant 0 : i32
    %c0_i32_0 = arith.constant 0 : i32
    return %c0_i32, %arg0 : i32, i32
  }
  func.func @transform_1(%arg0: i32) -> (i32, i32) {
    %c0_i32 = arith.constant 0 : i32
    %c0_i32_0 = arith.constant 0 : i32
    return %arg0, %c0_i32 : i32, i32
  }
  func.func @transform_2(%arg0: i32) -> (i32, i32) {
    %c0_i32 = arith.constant 0 : i32
    %c0_i32_0 = arith.constant 0 : i32
    return %arg0, %c0_i32 : i32, i32
  }
  func.func @transform_3(%arg0: i32) -> (i32, i32) {
    %c0_i32 = arith.constant 0 : i32
    %c0_i32_0 = arith.constant 0 : i32
    return %arg0, %c0_i32 : i32, i32
  }
  func.func @transform_4(%arg0: i32) -> (i32, i32) {
    %c0_i32 = arith.constant 0 : i32
    %c0_i32_0 = arith.constant 0 : i32
    %c0_i32_1 = arith.constant 0 : i32
    return %c0_i32, %c0_i32_0 : i32, i32
  }
  func.func @transform_5(%arg0: i32) -> (i32, i32) {
    %c0_i32 = arith.constant 0 : i32
    %c0_i32_0 = arith.constant 0 : i32
    %c0_i32_1 = arith.constant 0 : i32
    return %c0_i32, %c0_i32_0 : i32, i32
  }
  func.func @transform_6(%arg0: i32) -> (i32, i32) {
    %c0_i32 = arith.constant 0 : i32
    %c0_i32_0 = arith.constant 0 : i32
    return %arg0, %c0_i32 : i32, i32
  }
  func.func @transform_7(%arg0: i32) -> (i32, i32) {
    %c0_i32 = arith.constant 0 : i32
    %c0_i32_0 = arith.constant 0 : i32
    return %arg0, %c0_i32 : i32, i32
  }
}

module attributes {stable_mosaic.version = 14 : i64} {
  func.func @body(%arg0: i32, %arg1: memref<2x6272xf32, #tpu.memory_space<vmem>>, %arg2: memref<6272x64xf32, #tpu.memory_space<vmem>>, %arg3: memref<6272x64xf32, #tpu.memory_space<vmem>>, %arg4: memref<6272x64xf32, #tpu.memory_space<vmem>>, %arg5: memref<1x64xf32, #tpu.memory_space<vmem>>, %arg6: memref<64x32xf32, #tpu.memory_space<vmem>>, %arg7: memref<1x32xf32, #tpu.memory_space<vmem>>, %arg8: memref<32x1xf32, #tpu.memory_space<vmem>>, %arg9: memref<1x1xf32, #tpu.memory_space<vmem>>, %arg10: memref<64x32xf32, #tpu.memory_space<vmem>>, %arg11: memref<1x32xf32, #tpu.memory_space<vmem>>, %arg12: memref<32x2xf32, #tpu.memory_space<vmem>>, %arg13: memref<1x2xf32, #tpu.memory_space<vmem>>, %arg14: memref<2x6272xf32, #tpu.memory_space<vmem>>) attributes {dimension_semantics = [#tpu.dimension_semantics<arbitrary>], iteration_bounds = array<i64: 16>, scalar_prefetch = 0 : i64, scratch_operands = 0 : i64, tpu.core_type = #tpu.core_type<tc>, window_params = [{transform_indices = @transform_0, window_bounds = array<i64: 2, 6272>}, {transform_indices = @transform_1, window_bounds = array<i64: 6272, 64>}, {transform_indices = @transform_2, window_bounds = array<i64: 6272, 64>}, {transform_indices = @transform_3, window_bounds = array<i64: 6272, 64>}, {pipeline_mode = #tpu.pipeline_mode<synchronous>, transform_indices = @transform_4, window_bounds = array<i64: 1, 64>}, {pipeline_mode = #tpu.pipeline_mode<synchronous>, transform_indices = @transform_5, window_bounds = array<i64: 64, 32>}, {pipeline_mode = #tpu.pipeline_mode<synchronous>, transform_indices = @transform_6, window_bounds = array<i64: 1, 32>}, {pipeline_mode = #tpu.pipeline_mode<synchronous>, transform_indices = @transform_7, window_bounds = array<i64: 32, 1>}, {pipeline_mode = #tpu.pipeline_mode<synchronous>, transform_indices = @transform_8, window_bounds = array<i64: 1, 1>}, {pipeline_mode = #tpu.pipeline_mode<synchronous>, transform_indices = @transform_9, window_bounds = array<i64: 64, 32>}, {pipeline_mode = #tpu.pipeline_mode<synchronous>, transform_indices = @transform_10, window_bounds = array<i64: 1, 32>}, {pipeline_mode = #tpu.pipeline_mode<synchronous>, transform_indices = @transform_11, window_bounds = array<i64: 32, 2>}, {pipeline_mode = #tpu.pipeline_mode<synchronous>, transform_indices = @transform_12, window_bounds = array<i64: 1, 2>}, {transform_indices = @transform_13, window_bounds = array<i64: 2, 6272>}]} {
    %get3A = arith.constant 0 : index
    %get3A_0 = arith.constant 0 : index
    %get3A_1 = vector.load %arg1[%get3A, %get3A_0] : memref<2x6272xf32, #tpu.memory_space<vmem>>, vector<1x6272xf32>
    %get3A_2 = vector.shape_cast %get3A_1 : vector<1x6272xf32> to vector<6272xf32>
    %get3A_3 = arith.constant 1 : index
    %get3A_4 = arith.constant 0 : index
    %get3A_5 = vector.load %arg1[%get3A_3, %get3A_4] : memref<2x6272xf32, #tpu.memory_space<vmem>>, vector<1x6272xf32>
    %get3A_6 = vector.shape_cast %get3A_5 : vector<1x6272xf32> to vector<6272xf32>
    %add3A = arith.addf %get3A_2, %get3A_6 : vector<6272xf32>
    %add3A_7 = arith.constant 1.000000e+00 : f32
    %add3A_8 = vector.broadcast %add3A_7 : f32 to vector<6272xf32>
    %add3A_9 = arith.addf %add3A, %add3A_8 : vector<6272xf32>
    %max3A = arith.constant 1.000000e+00 : f32
    %max3A_10 = vector.broadcast %max3A : f32 to vector<6272xf32>
    %max3A_11 = arith.maximumf %add3A_9, %max3A_10 : vector<6272xf32>
    %rsqrt3A = math.rsqrt %max3A_11 : vector<6272xf32>
    %get3A_12 = arith.constant 0 : index
    %get3A_13 = arith.constant 0 : index
    %get3A_14 = vector.load %arg4[%get3A_12, %get3A_13] : memref<6272x64xf32, #tpu.memory_space<vmem>>, vector<6272x64xf32>
    %get3A_15 = arith.constant 0 : index
    %get3A_16 = arith.constant 0 : index
    %get3A_17 = vector.load %arg2[%get3A_15, %get3A_16] : memref<6272x64xf32, #tpu.memory_space<vmem>>, vector<6272x64xf32>
    %get3A_18 = arith.constant 0 : index
    %get3A_19 = arith.constant 0 : index
    %get3A_20 = vector.load %arg3[%get3A_18, %get3A_19] : memref<6272x64xf32, #tpu.memory_space<vmem>>, vector<6272x64xf32>
    %add3A_21 = arith.addf %get3A_17, %get3A_20 : vector<6272x64xf32>
    %broadcast_in_dim3A = vector.shape_cast %rsqrt3A : vector<6272xf32> to vector<6272x1xf32>
    %mul3A = vector.broadcast %broadcast_in_dim3A : vector<6272x1xf32> to vector<6272x64xf32>
    %mul3A_22 = arith.mulf %add3A_21, %mul3A : vector<6272x64xf32>
    %get3A_23 = arith.constant 0 : index
    %get3A_24 = arith.constant 0 : index
    %get3A_25 = vector.load %arg5[%get3A_23, %get3A_24] : memref<1x64xf32, #tpu.memory_space<vmem>>, vector<1x64xf32>
    %add3A_26 = vector.broadcast %get3A_25 : vector<1x64xf32> to vector<6272x64xf32>
    %add3A_27 = arith.addf %mul3A_22, %add3A_26 : vector<6272x64xf32>
    %max3A_28 = arith.constant 0.000000e+00 : f32
    %max3A_29 = vector.broadcast %max3A_28 : f32 to vector<6272x64xf32>
    %max3A_30 = arith.maximumf %add3A_27, %max3A_29 : vector<6272x64xf32>
    %add3A_31 = arith.addf %get3A_14, %max3A_30 : vector<6272x64xf32>
    %get3A_32 = arith.constant 0 : index
    %get3A_33 = arith.constant 0 : index
    %get3A_34 = vector.load %arg6[%get3A_32, %get3A_33] : memref<64x32xf32, #tpu.memory_space<vmem>>, vector<64x32xf32>
    %dot_general3A = arith.constant dense<0.000000e+00> : vector<6272x32xf32>
    %dot_general3A_35 = tpu.matmul %add3A_31, %get3A_34, %dot_general3A {dimension_numbers = #tpu.dot_dimension_numbers<[1], [0], [0], [1], [0, 0, 1, 1], [], []>, transpose_lhs_hint = false} : vector<6272x64xf32>, vector<64x32xf32>, vector<6272x32xf32> -> vector<6272x32xf32>
    %get3A_36 = arith.constant 0 : index
    %get3A_37 = arith.constant 0 : index
    %get3A_38 = vector.load %arg7[%get3A_36, %get3A_37] : memref<1x32xf32, #tpu.memory_space<vmem>>, vector<1x32xf32>
    %add3A_39 = vector.broadcast %get3A_38 : vector<1x32xf32> to vector<6272x32xf32>
    %add3A_40 = arith.addf %dot_general3A_35, %add3A_39 : vector<6272x32xf32>
    %max3A_41 = arith.constant 0.000000e+00 : f32
    %max3A_42 = vector.broadcast %max3A_41 : f32 to vector<6272x32xf32>
    %max3A_43 = arith.maximumf %add3A_40, %max3A_42 : vector<6272x32xf32>
    %get3A_44 = arith.constant 0 : index
    %get3A_45 = arith.constant 0 : index
    %get3A_46 = vector.load %arg8[%get3A_44, %get3A_45] : memref<32x1xf32, #tpu.memory_space<vmem>>, vector<32x1xf32>
    %dot_general3A_47 = arith.constant dense<0.000000e+00> : vector<6272x1xf32>
    %dot_general3A_48 = tpu.matmul %max3A_43, %get3A_46, %dot_general3A_47 {dimension_numbers = #tpu.dot_dimension_numbers<[1], [0], [0], [1], [0, 0, 1, 1], [], []>, transpose_lhs_hint = false} : vector<6272x32xf32>, vector<32x1xf32>, vector<6272x1xf32> -> vector<6272x1xf32>
    %get3A_49 = arith.constant 0 : index
    %get3A_50 = arith.constant 0 : index
    %get3A_51 = vector.load %arg9[%get3A_49, %get3A_50] : memref<1x1xf32, #tpu.memory_space<vmem>>, vector<1x1xf32>
    %add3A_52 = vector.broadcast %get3A_51 : vector<1x1xf32> to vector<6272x1xf32>
    %add3A_53 = arith.addf %dot_general3A_48, %add3A_52 : vector<6272x1xf32>
    %neg3A = arith.constant 0.000000e+00 : f32
    %neg3A_54 = vector.broadcast %neg3A : f32 to vector<6272x1xf32>
    %neg3A_55 = arith.subf %neg3A_54, %add3A_53 : vector<6272x1xf32>
    %exp3A = math.exp %neg3A_55 : vector<6272x1xf32>
    %add3A_56 = arith.constant 1.000000e+00 : f32
    %add3A_57 = vector.broadcast %add3A_56 : f32 to vector<6272x1xf32>
    %add3A_58 = arith.addf %add3A_57, %exp3A : vector<6272x1xf32>
    %div3A = arith.constant 1.000000e+00 : f32
    %div3A_59 = vector.broadcast %div3A : f32 to vector<6272x1xf32>
    %div3A_60 = arith.divf %div3A_59, %add3A_58 : vector<6272x1xf32>
    %mul3A_61 = vector.broadcast %div3A_60 : vector<6272x1xf32> to vector<6272x64xf32>
    %mul3A_62 = arith.mulf %add3A_31, %mul3A_61 : vector<6272x64xf32>
    %get3A_63 = arith.constant 0 : index
    %get3A_64 = arith.constant 0 : index
    %get3A_65 = vector.load %arg10[%get3A_63, %get3A_64] : memref<64x32xf32, #tpu.memory_space<vmem>>, vector<64x32xf32>
    %dot_general3A_66 = arith.constant dense<0.000000e+00> : vector<6272x32xf32>
    %dot_general3A_67 = tpu.matmul %mul3A_62, %get3A_65, %dot_general3A_66 {dimension_numbers = #tpu.dot_dimension_numbers<[1], [0], [0], [1], [0, 0, 1, 1], [], []>, transpose_lhs_hint = false} : vector<6272x64xf32>, vector<64x32xf32>, vector<6272x32xf32> -> vector<6272x32xf32>
    %get3A_68 = arith.constant 0 : index
    %get3A_69 = arith.constant 0 : index
    %get3A_70 = vector.load %arg11[%get3A_68, %get3A_69] : memref<1x32xf32, #tpu.memory_space<vmem>>, vector<1x32xf32>
    %add3A_71 = vector.broadcast %get3A_70 : vector<1x32xf32> to vector<6272x32xf32>
    %add3A_72 = arith.addf %dot_general3A_67, %add3A_71 : vector<6272x32xf32>
    %max3A_73 = arith.constant 0.000000e+00 : f32
    %max3A_74 = vector.broadcast %max3A_73 : f32 to vector<6272x32xf32>
    %max3A_75 = arith.maximumf %add3A_72, %max3A_74 : vector<6272x32xf32>
    %get3A_76 = arith.constant 0 : index
    %get3A_77 = arith.constant 0 : index
    %get3A_78 = vector.load %arg12[%get3A_76, %get3A_77] : memref<32x2xf32, #tpu.memory_space<vmem>>, vector<32x2xf32>
    %dot_general3A_79 = arith.constant dense<0.000000e+00> : vector<6272x2xf32>
    %dot_general3A_80 = tpu.matmul %max3A_75, %get3A_78, %dot_general3A_79 {dimension_numbers = #tpu.dot_dimension_numbers<[1], [0], [0], [1], [0, 0, 1, 1], [], []>, transpose_lhs_hint = false} : vector<6272x32xf32>, vector<32x2xf32>, vector<6272x2xf32> -> vector<6272x2xf32>
    %get3A_81 = arith.constant 0 : index
    %get3A_82 = arith.constant 0 : index
    %get3A_83 = vector.load %arg13[%get3A_81, %get3A_82] : memref<1x2xf32, #tpu.memory_space<vmem>>, vector<1x2xf32>
    %add3A_84 = vector.broadcast %get3A_83 : vector<1x2xf32> to vector<6272x2xf32>
    %add3A_85 = arith.addf %dot_general3A_80, %add3A_84 : vector<6272x2xf32>
    %transpose3A = tpu.transpose %add3A_85, [1, 0] : vector<6272x2xf32> -> vector<2x6272xf32>
    %swap3A = arith.constant 0 : index
    %swap3A_86 = arith.constant 0 : index
    %swap3A_87 = vector.load %arg14[%swap3A, %swap3A_86] : memref<2x6272xf32, #tpu.memory_space<vmem>>, vector<2x6272xf32>
    tpu.vector_store %arg14[%swap3A, %swap3A_86], %transpose3A {strides = array<i32>} : memref<2x6272xf32, #tpu.memory_space<vmem>>, vector<2x6272xf32>,
    return
  }
  func.func @transform_0(%arg0: i32) -> (i32, i32) {
    %c0_i32 = arith.constant 0 : i32
    %c0_i32_0 = arith.constant 0 : i32
    return %c0_i32, %arg0 : i32, i32
  }
  func.func @transform_1(%arg0: i32) -> (i32, i32) {
    %c0_i32 = arith.constant 0 : i32
    %c0_i32_0 = arith.constant 0 : i32
    return %arg0, %c0_i32 : i32, i32
  }
  func.func @transform_2(%arg0: i32) -> (i32, i32) {
    %c0_i32 = arith.constant 0 : i32
    %c0_i32_0 = arith.constant 0 : i32
    return %arg0, %c0_i32 : i32, i32
  }
  func.func @transform_3(%arg0: i32) -> (i32, i32) {
    %c0_i32 = arith.constant 0 : i32
    %c0_i32_0 = arith.constant 0 : i32
    return %arg0, %c0_i32 : i32, i32
  }
  func.func @transform_4(%arg0: i32) -> (i32, i32) {
    %c0_i32 = arith.constant 0 : i32
    %c0_i32_0 = arith.constant 0 : i32
    %c0_i32_1 = arith.constant 0 : i32
    return %c0_i32, %c0_i32_0 : i32, i32
  }
  func.func @transform_5(%arg0: i32) -> (i32, i32) {
    %c0_i32 = arith.constant 0 : i32
    %c0_i32_0 = arith.constant 0 : i32
    %c0_i32_1 = arith.constant 0 : i32
    return %c0_i32, %c0_i32_0 : i32, i32
  }
  func.func @transform_6(%arg0: i32) -> (i32, i32) {
    %c0_i32 = arith.constant 0 : i32
    %c0_i32_0 = arith.constant 0 : i32
    %c0_i32_1 = arith.constant 0 : i32
    return %c0_i32, %c0_i32_0 : i32, i32
  }
  func.func @transform_7(%arg0: i32) -> (i32, i32) {
    %c0_i32 = arith.constant 0 : i32
    %c0_i32_0 = arith.constant 0 : i32
    %c0_i32_1 = arith.constant 0 : i32
    return %c0_i32, %c0_i32_0 : i32, i32
  }
  func.func @transform_8(%arg0: i32) -> (i32, i32) {
    %c0_i32 = arith.constant 0 : i32
    %c0_i32_0 = arith.constant 0 : i32
    %c0_i32_1 = arith.constant 0 : i32
    return %c0_i32, %c0_i32_0 : i32, i32
  }
  func.func @transform_9(%arg0: i32) -> (i32, i32) {
    %c0_i32 = arith.constant 0 : i32
    %c0_i32_0 = arith.constant 0 : i32
    %c0_i32_1 = arith.constant 0 : i32
    return %c0_i32, %c0_i32_0 : i32, i32
  }
  func.func @transform_10(%arg0: i32) -> (i32, i32) {
    %c0_i32 = arith.constant 0 : i32
    %c0_i32_0 = arith.constant 0 : i32
    %c0_i32_1 = arith.constant 0 : i32
    return %c0_i32, %c0_i32_0 : i32, i32
  }
  func.func @transform_11(%arg0: i32) -> (i32, i32) {
    %c0_i32 = arith.constant 0 : i32
    %c0_i32_0 = arith.constant 0 : i32
    %c0_i32_1 = arith.constant 0 : i32
    return %c0_i32, %c0_i32_0 : i32, i32
  }
  func.func @transform_12(%arg0: i32) -> (i32, i32) {
    %c0_i32 = arith.constant 0 : i32
    %c0_i32_0 = arith.constant 0 : i32
    %c0_i32_1 = arith.constant 0 : i32
    return %c0_i32, %c0_i32_0 : i32, i32
  }
  func.func @transform_13(%arg0: i32) -> (i32, i32) {
    %c0_i32 = arith.constant 0 : i32
    %c0_i32_0 = arith.constant 0 : i32
    return %c0_i32, %arg0 : i32, i32
  }
}

</mosaic_0001>

<sc_bundles>
// kernel: kernel.11.cloned.1.call-start
scs
__scs_entry_jumppad:
0x0: {  	(pc) =	sbr.rel $0x88, $3  }
0x1: {  	(tag) =	ssettag $0x0;
	lr =	simm.s32 $0x1  }
0x2: {  	[smem:$0x3F91] =	sst lr;
	_ =	strace $0xD0000000  }
0x3: {  	_ = 	snop  }
0x4: {  	_ = 	snop  }
0x5: {  	_ = 	snop  }
0x6: {  	_ = 	snop  }
0x7: {  	_ = 	snop  }
__scs_overlays_trampoline_lowered:
0x8: {  	[smem:$0x3FA0] =	sst s0  }
0x9: {  	[smem:$0x3FA1] =	sst s1  }
0xa: {  	[smem:$0x3FA2] =	sst s2  }
0xb: {  	[smem:$0x3FA3] =	sst s3  }
0xc: {  	[smem:$0x3FA4] =	sst s4  }
0xd: {  	[smem:$0x3FA5] =	sst s5  }
0xe: {  	[smem:$0x3FA6] =	sst s6  }
0xf: {  	[smem:$0x3FA7] =	sst s7  }
0x10: {  	[smem:$0x3FA8] =	sst s8  }
0x11: {  	[smem:$0x3FA9] =	sst s9;
	s0 =	simm.s32 @!p0 $0x0  }
0x12: {  	s1 =	sld [smem:$0x3F8F];
	s0 =	simm.s32 @p0 $0x1  }
0x13: {  	[smem:$0x3FAA] =	sst s0;
	s0 =	simm.s32 @!p1 $0x0  }
0x14: {  	s2 =	sld [smem:$0x3F8E];
	s0 =	simm.s32 @p1 $0x1  }
0x15: {  	[smem:$0x3FAB] =	sst s0;
	s0 =	simm.s32 @!p2 $0x0  }
0x16: {  	s3 =	sld [smem:$0x3FDB];
	s0 =	simm.s32 @p2 $0x1  }
0x17: {  	s4 =	simm.s32 $0x1BF5;
	[smem:$0x3FAD] =	sst s0  }
0x18: {  	s0 =	sld [smem:$0x3F90];
	_ =	swait.ge [sflag:s4], $0x0  }
0x19: {  	s7 =	sld [smem:$0x3F91]  }
0x1a: {  	s8 =	sadd.s32 $0xFFFFE003, lr  }
0x1b: {  	s9 =	sadd.s32 $0xFFFFFEF7, lr;
	s5 =	simm.s32 $0xFFFFFFFF;
	p2 =	slt.u32 s8, $0xFFFFF086  }
0x1c: {  	p1 =	slt.u32 s9, $0xF7A;
	s5 =	simm.s32 @!p2 $0x0  }
0x1d: {  	s5 =	simm.s32 @p1 $0x1;
	p0 =	seq.s32 s7, s2  }
0x1e: {  	s7 =	smul.u32 @!p0 $0xF7A, s2;
	p2 =	seq.s32 @!p0 s5, $0x0  }
0x1f: {  	s9 =	smul.u32 $0xF7A, s1;
	s8 =	simm.s32 @!p0 $0x1BF5;
	p2 =	por !p2, p0  }
0x20: {  	[sflag:s8] =	ssyncset.s32 @!p0 $0xFFFFF086;
	s6 =	sadd.s32 @!p0 s3, s7;
	s7 =	simm.s32 @!p0 $0x108  }
0x21: {  	s3 =	sadd.s32 s3, s9;
	s6 =	sadd.s32 @!p0 $0x88, s6;
	s7 =	simm.s32 @p2 $0x1082  }
0x22: {  	[simem:s7], [sflag:s8] =	dma.local @!p0 [hbm:s6], $0xF7A  }
0x23: {  	s9 =	sor.u32 $0xD0000000, s2;
	s6 =	simm.s32 $0x108;
	_ =	swait.ge @!p0 [sflag:s8], $0x0  }
0x24: {  	s3 =	sadd.s32 $0x88, s3;
	s6 =	simm.s32 @!p1 $0x1082;
	[sflag:s4] =	ssyncset.s32 $0xFFFFF086  }
0x25: {  	[simem:s6], [sflag:s4] =	dma.local [hbm:s3], $0xF7A  }
0x26: {  	[smem:$0x3F91] =	sst s1;
	(tag) =	ssettag s2;
	_ =	strace s9  }
0x27: {  	s1 =	sld [smem:$0x3FA1]  }
0x28: {  	s2 =	sld [smem:$0x3FA2]  }
0x29: {  	s4 =	sld [smem:$0x3FA4]  }
0x2a: {  	p0 =	seq.s32 s5, $0x0;
	s5 =	sld [smem:$0x3FA5]  }
0x2b: {  	s6 =	sld [smem:$0x3FA6]  }
0x2c: {  	s7 =	sld [smem:$0x3FA7]  }
0x2d: {  	s3 =	simm.s32 $0x108;
	s8 =	sld [smem:$0x3FA8]  }
0x2e: {  	s3 =	simm.s32 @!p0 $0x1082;
	s9 =	sld [smem:$0x3FA9]  }
0x2f: {  	lr =	sadd.s32 s0, s3;
	s0 =	sld [smem:$0x3FA0]  }
0x30: {  	s3 =	sld [smem:$0x3FA3]  }
0x31: {  	[smem:$0x3FAC] =	sst s10  }
0x32: {  	s10 =	sld [smem:$0x3FAA];
	_ =	sdelay $0x3  }
0x33: {  	p0 =	seq.s32 s10, $0x1;
	s10 =	sld [smem:$0x3FAC];
	_ =	sdelay $0x3  }
0x34: {  	[smem:$0x3FAC] =	sst s10  }
0x35: {  	s10 =	sld [smem:$0x3FAB];
	_ =	sdelay $0x3  }
0x36: {  	p1 =	seq.s32 s10, $0x1;
	s10 =	sld [smem:$0x3FAC];
	_ =	sdelay $0x3  }
0x37: {  	[smem:$0x3FAC] =	sst s10  }
0x38: {  	s10 =	sld [smem:$0x3FAD]  }
0x39: {  	_ = 	snop;
	(pc) =	sbr.ind lr, $3  }
0x3a: {  	_ = 	snop  }
0x3b: {  	_ = 	snop  }
0x3c: {  	p2 =	seq.s32 s10, $0x1;
	s10 =	sld [smem:$0x3FAC]  }
0x3d: {  	_ =	shalt  }
0x3e: {  	_ =	shalt  }
0x3f: {  	_ =	shalt  }
0x40: {  	_ =	shalt  }
0x41: {  	_ =	shalt  }
0x42: {  	_ =	shalt  }
0x43: {  	_ =	shalt  }
0x44: {  	_ =	shalt  }
0x45: {  	_ =	shalt  }
0x46: {  	_ =	shalt  }
0x47: {  	_ =	shalt  }
0x48: {  	_ =	shalt  }
0x49: {  	_ =	shalt  }
0x4a: {  	_ =	shalt  }
0x4b: {  	_ =	shalt  }
0x4c: {  	_ =	shalt  }
0x4d: {  	_ =	shalt  }
0x4e: {  	_ =	shalt  }
0x4f: {  	_ =	shalt  }
0x50: {  	_ =	shalt  }
0x51: {  	_ =	shalt  }
0x52: {  	_ =	shalt  }
0x53: {  	_ =	shalt  }
0x54: {  	_ =	shalt  }
0x55: {  	_ =	shalt  }
0x56: {  	_ =	shalt  }
0x57: {  	_ =	shalt  }
0x58: {  	_ =	shalt  }
0x59: {  	_ =	shalt  }
0x5a: {  	_ =	shalt  }
0x5b: {  	_ =	shalt  }
0x5c: {  	_ =	shalt  }
0x5d: {  	_ =	shalt  }
0x5e: {  	_ =	shalt  }
0x5f: {  	_ =	shalt  }
0x60: {  	_ =	shalt  }
0x61: {  	_ =	shalt  }
0x62: {  	_ =	shalt  }
0x63: {  	_ =	shalt  }
0x64: {  	_ =	shalt  }
0x65: {  	_ =	shalt  }
0x66: {  	_ =	shalt  }
0x67: {  	_ =	shalt  }
0x68: {  	_ =	shalt  }
0x69: {  	_ =	shalt  }
0x6a: {  	_ =	shalt  }
0x6b: {  	_ =	shalt  }
0x6c: {  	_ =	shalt  }
0x6d: {  	_ =	shalt  }
0x6e: {  	_ =	shalt  }
0x6f: {  	_ =	shalt  }
0x70: {  	_ =	shalt  }
0x71: {  	_ =	shalt  }
0x72: {  	_ =	shalt  }
0x73: {  	_ =	shalt  }
0x74: {  	_ =	shalt  }
0x75: {  	_ =	shalt  }
0x76: {  	_ =	shalt  }
0x77: {  	_ =	shalt  }
0x78: {  	_ =	shalt  }
0x79: {  	_ =	shalt  }
0x7a: {  	_ =	shalt  }
0x7b: {  	_ =	shalt  }
0x7c: {  	_ =	shalt  }
0x7d: {  	_ =	shalt  }
0x7e: {  	_ =	shalt  }
0x7f: {  	_ =	shalt  }
0x80: {  	_ =	shalt  }
0x81: {  	_ =	shalt  }
0x82: {  	_ =	shalt  }
0x83: {  	_ =	shalt  }
0x84: {  	_ =	shalt  }
0x85: {  	_ =	shalt  }
0x86: {  	_ =	shalt  }
0x87: {  	_ =	shalt  }
.Lfunc_end0:
.L_simem_size_0:
called_computation_lowered:
.L_overlay_start_0:
0x88: {  	s2 =	sld [smem:$0x3FD9]  }
0x89: {  	s3 =	sld [smem:$0x3FFE];
	_ =	sdelay $0x1  }
0x8a: {  	s1 =	srdreg.scid  }
0x8b: {  	s0 =	sand.u32 $0x1, s1  }
0x8c: {  	s17 =	sshll.u32 s0, $0xA;
	s2 =	sadd.s32 s3, s2  }
0x8d: {  	s2 =	sadd.s32 s2, s17  }
0x8e: {  	[smem:$0x3FB8] =	sst s2  }
0x8f: {  	_ = 	snop  }
0x90: {  	s2 =	sld [smem:$0x3FD0];
	(tm) =	ssettm $0x1  }
0x91: {  	s18 =	sld [smem:$0x3FFB];
	_ =	sdelay $0x3  }
0x92: {  	_ =	strace s18  }
0x93: {  	s3 =	sld [smem:$0x3FFC];
	_ =	sdelay $0x3  }
0x94: {  	_ =	strace s3  }
0x95: {  	s3 =	sld [smem:$0x3FFD];
	_ =	sdelay $0x3  }
0x96: {  	_ =	strace s3  }
0x97: {  	_ =	strace $0x8FFFFFFF  }
0x98: {  	s19 =	sld [smem:$0x3FDB];
	_ =	sdelay $0x1  }
0x99: {  	s4 =	simm.s32 $_scs_section_size  }
0x9a: {  	s5 =	simm.s32 $_size__tile_overlayer_lowered;
	s6 =	simm.s32 $_tile_overlayer_lowered  }
0x9b: {  	s22 =	simm.s32 $0x1BFF;
	s21 =	sshll.u32 s6, $0x1;
	s3 =	sadd.s32 s4, s19  }
0x9c: {  	s7 =	simm.s32 $0x0;
	s20 =	sshll.u32 s5, $0x1;
	s5 =	sadd.s32 s21, s3  }
0x9d: {  	[timem:s7], [sflag:s22] =	dma.local [hbm:s5], s20  }
0x9e: {  	_ =	swait.ge [sflag:s22], s20  }
0x9f: {  	s4 =	ssub.s32 $0x0, s20;
	[sflag:s22] =	ssyncset.done $0x0  }
0xa0: {  	[sflag:s22] =	ssyncadd.s32 s4;
	_ =	sdelay $0x1  }
0xa1: {  	s23 =	simm.s32 $0x1B8B  }
0xa2: {  	_ =	swait.ge [sflag:s23], $0x1  }
0xa3: {  	[sflag:s23] =	ssyncset.done $0x0  }
0xa4: {  	s25 =	simm.s32 $0x1B8E;
	s24 =	sld [smem:$0x3FFE];
	[sflag:s23] =	ssyncadd.s32 $0xFFFFFFFF  }
0xa5: {  	s26 =	simm.s32 $execute0_lowered;
	[smem:$0x3FD2] =	sst s25  }
0xa6: {  	s5 =	sshll.u32 s26, $0x1;
	_ =	strace $0x80000046;
	[dreg:$0x1] =	wrdreg $0xFFFFFFFF  }
0xa7: {  	s28 =	simm.s32 $_size_execute0_lowered;
	s3 =	sadd.s32 s3, s5;
	[dreg:$0x0] =	wrdreg $0x0  }
0xa8: {  	s5 =	sshll.u32 s28, $0x1;
	[dreg:$0x2] =	wrdreg s3  }
0xa9: {  	[dreg:$0x3] =	wrdreg s5  }
0xaa: {  	[dreg:$0x4] =	wrdreg $0xC0  }
0xab: {  	_ =	task [dreg:s7], $0x5FFFF  }
0xac: {  	[dreg:$0x1] =	wrdreg $0xFFFFFFFF  }
0xad: {  	[dreg:$0x0] =	wrdreg $0x60  }
0xae: {  	[dreg:$0x2] =	wrdreg s24  }
0xaf: {  	[dreg:$0x3] =	wrdreg s2  }
0xb0: {  	[dreg:$0x4] =	wrdreg $0x7D00  }
0xb1: {  	[dreg:$0x5] =	wrdreg $0x9  }
0xb2: {  	_ =	task.clear_ibuf [dreg:s7], $0x6FFFF;
	_ =	strace $0x90000046  }
0xb3: {  	s29 =	simm.s32 $0x9;
	_ =	strace $0x80000048  }
0xb4: {  	_ =	swait.ge [sflag:s29], $0x1  }
0xb5: {  	[sflag:s29] =	ssyncadd.s32 $0xFFFFFFFF  }
0xb6: {  	_ =	strace $0x90000048  }
0xb7: {  	_ =	sfence  }
0xb8: {  	s30 =	sld [smem:$0x0];
	_ =	sdelay $0x2  }
0xb9: {  	s31 =	sshll.u32 s1, $0xD;
	s1 =	sshrl.u32 s1, $0x2  }
0xba: {  	s3 =	sand.u32 $0x4000, s31;
	s1 =	sadd.s32 s1, s30  }
0xbb: {  	s0 =	sor.u32 s3, s0;
	s1 =	sshll.u32 s1, $0x11  }
0xbc: {  	s0 =	sor.u32 s1, s0  }
0xbd: {  	s0 =	sadd.s32 $0x8F2B, s0  }
0xbe: {  	[sflag:s0] =	ssyncadd.remote.s32 $0x1  }
0xbf: {  	_ =	sfence.sel $0xFFFF  }
0xc0: {  	[dreg:$0x0] =	wrdreg $0xFFFFFFFF;
	(pc) =	sbr.abs _section_cstart, $3  }
0xc1: {  	[dreg:$0x1] =	wrdreg $0xFFFFFFFF  }
0xc2: {  	_ =	task.clear_ibuf [dreg:s7], $0x2FFFF;
	_ =	strace $0x9FFFFFFF  }
0xc3: {  	(tm) =	ssettm $0x7FFFFFFF  }
tec
execute0_lowered:
.L_overlay_start_1:
0x0: {  	(tag) =	ssettag $0x1  }
0x1: {  	s6 =	rddreg [dreg:$0x0]  }
0x2: {  	s0 =	srdreg.scid;
	s2 =	rddreg [dreg:$0x1]  }
0x3: {  	s3 =	rddreg [dreg:$0x2];
	s5 =	sand.u32 $0x1, s0  }
0x4: {  	s0 =	stileid.u32;
	s7 =	smul.u32 $0xC3500, s5  }
0x5: {  	s1 =	rddreg [dreg:$0x3];
	s4 =	simm.s32 $0x0;
	s8 =	smul.u32 $0xC350, s0  }
0x6: {  	s12 =	simm.s32 $0x3E8;
	[smem:$0x7FF] =	sst s4;
	s9 =	smul.u32 $0x1880, s0  }
0x7: {  	s13 =	simm.s32 $0x0;
	s26 =	smul.u32 $0x18800, s5;
	_ =	strace $0x80000047  }
0x8: {  	s29 =	ssub.s32 $0x2, s5;
	s5 =	sadd.s32 $0x33400, s6;
	s30 =	sshll.u32 s0, $0x6  }
0x9: {  	s11 =	sshrl.u32 s29, $0x1;
	s7 =	sadd.s32 s8, s7;
	s28 =	sadd.s32 s9, s26  }
0xa: {  	s8 =	ssub.s32 s29, s11;
	s31 =	sadd.s32 s9, s3;
	s7 =	sshrl.u32 s7, $0x3  }
0xb: {  	s11 =	simm.s32 $0x1;
	s10 =	sadd.s32 s7, s6;
	s7 =	sshrl.u32 s28, $0x3  }
0xc: {  	s8 =	smax.u32 s8, $0x1;
	s7 =	sadd.s32 s7, s6;
	s6 =	sor.u32 $0x1C01, s30  }
0xd: {  	s9 =	sadd.s32 $0x2600, s10;
	s10 =	sshrl.u32 s31, $0x3;
	s7 =	sadd.s32 $0x33600, s7  }
.LBB2_1:
0xe: {  	[spmem:s10], [sflag:s6] =	dma.local [hbm:s2], $0x310  }
0xf: {  	_ =	swait.ge [sflag:s11], $0x310  }
0x10: {  	[sflag:s11] =	ssyncset.done $0x0  }
0x11: {  	[sflag:s11] =	ssyncadd.s32 $0xFFFFFCF0  }
0x12: {  	[tilespmem:s12], [sflag:$0x1] =	stream.linear.gather [hbm4b:s5+s4], $0x3E8, $0x38;
	[tilespmem:$0x2050] =	vst v63  }
0x13: {  	_ =	swait.ge [sflag:s11], $0x3E8  }
0x14: {  	[sflag:s11] =	ssyncset.done $0x0  }
0x15: {  	[sflag:s11] =	ssyncadd.s32 $0xFFFFFC18  }
0x16: {  	s14 =	sadd.s32 $0x0, s9;
	[bflag:$0x0] =	sbarrier.arrive $0xFFFF  }
0x17: {  	[tilespmem:s4], [sflag:$0x1] =	stream.linear.gather [hbm4b:s14+s4], $0x3E8, $0x38;
	[tilespmem:$0x2050] =	vst v63  }
0x18: {  	_ =	swait.ge [sflag:s11], $0x3E8  }
0x19: {  	[sflag:s11] =	ssyncset.done $0x0  }
0x1a: {  	[sflag:s11] =	ssyncadd.s32 $0xFFFFFC18  }
0x1b: {  	[spmem:s3] =	stream.indirect.scatter.add.f32 [tilespmem:s12], [sflag:$0x1], $0x1, s4, s12, $0xb8;
	[tilespmem:$0x2050] =	vst v63  }
0x1c: {  	_ =	swait.ge [sflag:s11], $0x3E8  }
0x1d: {  	s15 =	simm.s32 $0xFA;
	s14 =	simm.s32 $0x7D;
	[sflag:s11] =	ssyncset.done $0x0  }
.LBB2_2:
0x1e: {  	s16 =	sadd.s32 s14, s9  }
0x1f: {  	[sflag:s11] =	ssyncadd.s32 $0xFFFFFC18;
	s14 =	smov.u32 s15;
	s17 =	sadd.s32 $0x7D, s15  }
0x20: {  	[tilespmem:s4], [sflag:$0x1] =	stream.linear.gather [hbm4b:s16+s4], $0x3E8, $0x38;
	[tilespmem:$0x2050] =	vst v63  }
0x21: {  	p0 =	sne.s32 s15, $0x17ED;
	_ =	swait.ge [sflag:s11], $0x3E8  }
.Ltmp0:
0x22: {  	[sflag:s11] =	ssyncset.done $0x0;
	(pc) =	sbr.rel @p0 .LBB2_2-.Ltmp0, $4  }
0x23: {  	[sflag:s11] =	ssyncadd.s32 $0xFFFFFC18  }
0x24: {  	[spmem:s3] =	stream.indirect.scatter.add.f32 [tilespmem:s12], [sflag:$0x1], $0x1, s4, s12, $0xb8;
	[tilespmem:$0x2050] =	vst v63  }
0x25: {  	_ =	swait.ge [sflag:s11], $0x3E8  }
0x26: {  	s15 =	smov.u32 s17;
	[sflag:s11] =	ssyncset.done $0x0  }
0x27: {  	s14 =	sadd.s32 s14, s9;
	[sflag:s11] =	ssyncadd.s32 $0xFFFFFC18  }
0x28: {  	[tilespmem:s4], [sflag:$0x1] =	stream.linear.gather [hbm4b:s14+s4], $0x3E8, $0x38;
	[tilespmem:$0x2050] =	vst v63  }
0x29: {  	_ =	swait.ge [sflag:s11], $0x3E8  }
0x2a: {  	[sflag:s11] =	ssyncset.done $0x0  }
0x2b: {  	[sflag:s11] =	ssyncadd.s32 $0xFFFFFC18  }
0x2c: {  	[spmem:s3] =	stream.indirect.scatter.add.f32 [tilespmem:s12], [sflag:$0x1], $0x1, s4, s12, $0xb8;
	[tilespmem:$0x2050] =	vst v63  }
0x2d: {  	_ =	swait.ge [sflag:s11], $0x3E8  }
0x2e: {  	s13 =	sadd.s32 $0x1, s13;
	[sflag:s11] =	ssyncset.done $0x0  }
0x2f: {  	p0 =	sne.s32 s13, s8;
	[sflag:s11] =	ssyncadd.s32 $0xFFFFFC18  }
.Ltmp1:
0x30: {  	[bflag:$0x0] =	sbarrier.arrive $0xFFFF;
	(pc) =	sbr.rel @p0 .LBB2_1-.Ltmp1, $4  }
0x31: {  	[hbm:s7], [sflag:s6] =	dma.local [spmem:s10], $0x310  }
0x32: {  	_ =	swait.ge [sflag:s11], $0x310  }
0x33: {  	[sflag:s11] =	ssyncset.done $0x0  }
0x34: {  	[sflag:s11] =	ssyncadd.s32 $0xFFFFFCF0  }
0x35: {  	_ =	sfence.sel $0x180000  }
0x36: {  	[bflag:$0x0] =	sbarrier.arrive $0xFFFF  }
0x37: {  	p0 =	sne.s32 s0, $0x0;
	_ =	strace $0x90000047  }
0x38: {  	s0 =	sadd.s32 @!p0 $0x100000, s1;
	[bflag:$0x2] =	sbarrier.arrive $0xFFFF  }
0x39: {  	[sflag:s0] =	ssyncadd.tile.s32 @!p0 $0x1;
	_ =	shalt  }
.Lfunc_end2:
_tile_overlayer_lowered:
.L_overlay_start_2:
0x3a: {  	(tag) =	ssettag $0x2  }
0x3b: {  	s0 =	rddreg [dreg:$0x0];
	s2 =	stileid.u32  }
0x3c: {  	s1 =	rddreg [dreg:$0x1];
	p0 =	sne.s32 s2, $0x0  }
0x3d: {  	s3 =	rddreg [dreg:$0x2];
	[bflag:$0x3] =	sbarrier.arrive $0xFFFF;
	s2 =	simm.s32 @!p0 $0x1C01  }
0x3e: {  	[timem:s3], [sflag:s2] =	dma.local @!p0 [hbm:s0], s1  }
0x3f: {  	s0 =	simm.s32 @!p0 $0x1  }
0x40: {  	_ =	swait.ge @!p0 [sflag:s0], s1  }
0x41: {  	s1 =	ssub.s32 @!p0 $0x0, s1;
	[sflag:s0] =	ssyncset.done @!p0 $0x0  }
0x42: {  	[sflag:s0] =	ssyncadd.s32 @!p0 s1  }
0x43: {  	[bflag:$0x3] =	sbarrier.arrive $0xFFFF  }
0x44: {  	_ =	shalt  }

// kernel: kernel.14.cloned.1.call-start
scs
__scs_entry_jumppad:
0x0: {  	(pc) =	sbr.rel $0x88, $3  }
0x1: {  	(tag) =	ssettag $0x0;
	lr =	simm.s32 $0x1  }
0x2: {  	[smem:$0x3F91] =	sst lr;
	_ =	strace $0xD0000000  }
0x3: {  	_ = 	snop  }
0x4: {  	_ = 	snop  }
0x5: {  	_ = 	snop  }
0x6: {  	_ = 	snop  }
0x7: {  	_ = 	snop  }
__scs_overlays_trampoline_lowered:
0x8: {  	[smem:$0x3FA0] =	sst s0  }
0x9: {  	[smem:$0x3FA1] =	sst s1  }
0xa: {  	[smem:$0x3FA2] =	sst s2  }
0xb: {  	[smem:$0x3FA3] =	sst s3  }
0xc: {  	[smem:$0x3FA4] =	sst s4  }
0xd: {  	[smem:$0x3FA5] =	sst s5  }
0xe: {  	[smem:$0x3FA6] =	sst s6  }
0xf: {  	[smem:$0x3FA7] =	sst s7  }
0x10: {  	[smem:$0x3FA8] =	sst s8  }
0x11: {  	[smem:$0x3FA9] =	sst s9;
	s0 =	simm.s32 @!p0 $0x0  }
0x12: {  	s1 =	sld [smem:$0x3F8F];
	s0 =	simm.s32 @p0 $0x1  }
0x13: {  	[smem:$0x3FAA] =	sst s0;
	s0 =	simm.s32 @!p1 $0x0  }
0x14: {  	s2 =	sld [smem:$0x3F8E];
	s0 =	simm.s32 @p1 $0x1  }
0x15: {  	[smem:$0x3FAB] =	sst s0;
	s0 =	simm.s32 @!p2 $0x0  }
0x16: {  	s3 =	sld [smem:$0x3FDB];
	s0 =	simm.s32 @p2 $0x1  }
0x17: {  	s4 =	simm.s32 $0x1BF5;
	[smem:$0x3FAD] =	sst s0  }
0x18: {  	s0 =	sld [smem:$0x3F90];
	_ =	swait.ge [sflag:s4], $0x0  }
0x19: {  	s7 =	sld [smem:$0x3F91]  }
0x1a: {  	s8 =	sadd.s32 $0xFFFFE003, lr  }
0x1b: {  	s9 =	sadd.s32 $0xFFFFFEF7, lr;
	s5 =	simm.s32 $0xFFFFFFFF;
	p2 =	slt.u32 s8, $0xFFFFF086  }
0x1c: {  	p1 =	slt.u32 s9, $0xF7A;
	s5 =	simm.s32 @!p2 $0x0  }
0x1d: {  	s5 =	simm.s32 @p1 $0x1;
	p0 =	seq.s32 s7, s2  }
0x1e: {  	s7 =	smul.u32 @!p0 $0xF7A, s2;
	p2 =	seq.s32 @!p0 s5, $0x0  }
0x1f: {  	s9 =	smul.u32 $0xF7A, s1;
	s8 =	simm.s32 @!p0 $0x1BF5;
	p2 =	por !p2, p0  }
0x20: {  	[sflag:s8] =	ssyncset.s32 @!p0 $0xFFFFF086;
	s6 =	sadd.s32 @!p0 s3, s7;
	s7 =	simm.s32 @!p0 $0x108  }
0x21: {  	s3 =	sadd.s32 s3, s9;
	s6 =	sadd.s32 @!p0 $0x88, s6;
	s7 =	simm.s32 @p2 $0x1082  }
0x22: {  	[simem:s7], [sflag:s8] =	dma.local @!p0 [hbm:s6], $0xF7A  }
0x23: {  	s9 =	sor.u32 $0xD0000000, s2;
	s6 =	simm.s32 $0x108;
	_ =	swait.ge @!p0 [sflag:s8], $0x0  }
0x24: {  	s3 =	sadd.s32 $0x88, s3;
	s6 =	simm.s32 @!p1 $0x1082;
	[sflag:s4] =	ssyncset.s32 $0xFFFFF086  }
0x25: {  	[simem:s6], [sflag:s4] =	dma.local [hbm:s3], $0xF7A  }
0x26: {  	[smem:$0x3F91] =	sst s1;
	(tag) =	ssettag s2;
	_ =	strace s9  }
0x27: {  	s1 =	sld [smem:$0x3FA1]  }
0x28: {  	s2 =	sld [smem:$0x3FA2]  }
0x29: {  	s4 =	sld [smem:$0x3FA4]  }
0x2a: {  	p0 =	seq.s32 s5, $0x0;
	s5 =	sld [smem:$0x3FA5]  }
0x2b: {  	s6 =	sld [smem:$0x3FA6]  }
0x2c: {  	s7 =	sld [smem:$0x3FA7]  }
0x2d: {  	s3 =	simm.s32 $0x108;
	s8 =	sld [smem:$0x3FA8]  }
0x2e: {  	s3 =	simm.s32 @!p0 $0x1082;
	s9 =	sld [smem:$0x3FA9]  }
0x2f: {  	lr =	sadd.s32 s0, s3;
	s0 =	sld [smem:$0x3FA0]  }
0x30: {  	s3 =	sld [smem:$0x3FA3]  }
0x31: {  	[smem:$0x3FAC] =	sst s10  }
0x32: {  	s10 =	sld [smem:$0x3FAA];
	_ =	sdelay $0x3  }
0x33: {  	p0 =	seq.s32 s10, $0x1;
	s10 =	sld [smem:$0x3FAC];
	_ =	sdelay $0x3  }
0x34: {  	[smem:$0x3FAC] =	sst s10  }
0x35: {  	s10 =	sld [smem:$0x3FAB];
	_ =	sdelay $0x3  }
0x36: {  	p1 =	seq.s32 s10, $0x1;
	s10 =	sld [smem:$0x3FAC];
	_ =	sdelay $0x3  }
0x37: {  	[smem:$0x3FAC] =	sst s10  }
0x38: {  	s10 =	sld [smem:$0x3FAD]  }
0x39: {  	_ = 	snop;
	(pc) =	sbr.ind lr, $3  }
0x3a: {  	_ = 	snop  }
0x3b: {  	_ = 	snop  }
0x3c: {  	p2 =	seq.s32 s10, $0x1;
	s10 =	sld [smem:$0x3FAC]  }
0x3d: {  	_ =	shalt  }
0x3e: {  	_ =	shalt  }
0x3f: {  	_ =	shalt  }
0x40: {  	_ =	shalt  }
0x41: {  	_ =	shalt  }
0x42: {  	_ =	shalt  }
0x43: {  	_ =	shalt  }
0x44: {  	_ =	shalt  }
0x45: {  	_ =	shalt  }
0x46: {  	_ =	shalt  }
0x47: {  	_ =	shalt  }
0x48: {  	_ =	shalt  }
0x49: {  	_ =	shalt  }
0x4a: {  	_ =	shalt  }
0x4b: {  	_ =	shalt  }
0x4c: {  	_ =	shalt  }
0x4d: {  	_ =	shalt  }
0x4e: {  	_ =	shalt  }
0x4f: {  	_ =	shalt  }
0x50: {  	_ =	shalt  }
0x51: {  	_ =	shalt  }
0x52: {  	_ =	shalt  }
0x53: {  	_ =	shalt  }
0x54: {  	_ =	shalt  }
0x55: {  	_ =	shalt  }
0x56: {  	_ =	shalt  }
0x57: {  	_ =	shalt  }
0x58: {  	_ =	shalt  }
0x59: {  	_ =	shalt  }
0x5a: {  	_ =	shalt  }
0x5b: {  	_ =	shalt  }
0x5c: {  	_ =	shalt  }
0x5d: {  	_ =	shalt  }
0x5e: {  	_ =	shalt  }
0x5f: {  	_ =	shalt  }
0x60: {  	_ =	shalt  }
0x61: {  	_ =	shalt  }
0x62: {  	_ =	shalt  }
0x63: {  	_ =	shalt  }
0x64: {  	_ =	shalt  }
0x65: {  	_ =	shalt  }
0x66: {  	_ =	shalt  }
0x67: {  	_ =	shalt  }
0x68: {  	_ =	shalt  }
0x69: {  	_ =	shalt  }
0x6a: {  	_ =	shalt  }
0x6b: {  	_ =	shalt  }
0x6c: {  	_ =	shalt  }
0x6d: {  	_ =	shalt  }
0x6e: {  	_ =	shalt  }
0x6f: {  	_ =	shalt  }
0x70: {  	_ =	shalt  }
0x71: {  	_ =	shalt  }
0x72: {  	_ =	shalt  }
0x73: {  	_ =	shalt  }
0x74: {  	_ =	shalt  }
0x75: {  	_ =	shalt  }
0x76: {  	_ =	shalt  }
0x77: {  	_ =	shalt  }
0x78: {  	_ =	shalt  }
0x79: {  	_ =	shalt  }
0x7a: {  	_ =	shalt  }
0x7b: {  	_ =	shalt  }
0x7c: {  	_ =	shalt  }
0x7d: {  	_ =	shalt  }
0x7e: {  	_ =	shalt  }
0x7f: {  	_ =	shalt  }
0x80: {  	_ =	shalt  }
0x81: {  	_ =	shalt  }
0x82: {  	_ =	shalt  }
0x83: {  	_ =	shalt  }
0x84: {  	_ =	shalt  }
0x85: {  	_ =	shalt  }
0x86: {  	_ =	shalt  }
0x87: {  	_ =	shalt  }
.Lfunc_end0:
.L_simem_size_0:
called_computation.1_lowered:
.L_overlay_start_0:
0x88: {  	s2 =	sld [smem:$0x3FD9]  }
0x89: {  	s3 =	sld [smem:$0x3FFE];
	_ =	sdelay $0x1  }
0x8a: {  	s1 =	srdreg.scid  }
0x8b: {  	s0 =	sand.u32 $0x1, s1  }
0x8c: {  	s17 =	sshll.u32 s0, $0xA;
	s2 =	sadd.s32 s3, s2  }
0x8d: {  	s2 =	sadd.s32 s2, s17  }
0x8e: {  	[smem:$0x3FB8] =	sst s2  }
0x8f: {  	_ = 	snop  }
0x90: {  	s2 =	sld [smem:$0x3FD0];
	(tm) =	ssettm $0x1  }
0x91: {  	s18 =	sld [smem:$0x3FFB];
	_ =	sdelay $0x3  }
0x92: {  	_ =	strace s18  }
0x93: {  	s3 =	sld [smem:$0x3FFC];
	_ =	sdelay $0x3  }
0x94: {  	_ =	strace s3  }
0x95: {  	s3 =	sld [smem:$0x3FFD];
	_ =	sdelay $0x3  }
0x96: {  	_ =	strace s3  }
0x97: {  	_ =	strace $0x8FFFFFFF  }
0x98: {  	s19 =	sld [smem:$0x3FDB];
	_ =	sdelay $0x1  }
0x99: {  	s4 =	simm.s32 $_scs_section_size  }
0x9a: {  	s5 =	simm.s32 $_size__tile_overlayer_lowered;
	s6 =	simm.s32 $_tile_overlayer_lowered  }
0x9b: {  	s22 =	simm.s32 $0x1BFF;
	s21 =	sshll.u32 s6, $0x1;
	s3 =	sadd.s32 s4, s19  }
0x9c: {  	s7 =	simm.s32 $0x0;
	s20 =	sshll.u32 s5, $0x1;
	s5 =	sadd.s32 s21, s3  }
0x9d: {  	[timem:s7], [sflag:s22] =	dma.local [hbm:s5], s20  }
0x9e: {  	_ =	swait.ge [sflag:s22], s20  }
0x9f: {  	s4 =	ssub.s32 $0x0, s20;
	[sflag:s22] =	ssyncset.done $0x0  }
0xa0: {  	[sflag:s22] =	ssyncadd.s32 s4;
	_ =	sdelay $0x1  }
0xa1: {  	s23 =	simm.s32 $0x1B8B  }
0xa2: {  	_ =	swait.ge [sflag:s23], $0x1  }
0xa3: {  	[sflag:s23] =	ssyncset.done $0x0  }
0xa4: {  	s25 =	simm.s32 $0x1B8E;
	s24 =	sld [smem:$0x3FFE];
	[sflag:s23] =	ssyncadd.s32 $0xFFFFFFFF  }
0xa5: {  	s26 =	simm.s32 $execute0_lowered;
	[smem:$0x3FD2] =	sst s25  }
0xa6: {  	s5 =	sshll.u32 s26, $0x1;
	_ =	strace $0x80000049;
	[dreg:$0x1] =	wrdreg $0xFFFFFFFF  }
0xa7: {  	s28 =	simm.s32 $_size_execute0_lowered;
	s3 =	sadd.s32 s3, s5;
	[dreg:$0x0] =	wrdreg $0x0  }
0xa8: {  	s5 =	sshll.u32 s28, $0x1;
	[dreg:$0x2] =	wrdreg s3  }
0xa9: {  	[dreg:$0x3] =	wrdreg s5  }
0xaa: {  	[dreg:$0x4] =	wrdreg $0xC0  }
0xab: {  	_ =	task [dreg:s7], $0x5FFFF  }
0xac: {  	[dreg:$0x1] =	wrdreg $0xFFFFFFFF  }
0xad: {  	[dreg:$0x0] =	wrdreg $0x60  }
0xae: {  	[dreg:$0x2] =	wrdreg s24  }
0xaf: {  	[dreg:$0x3] =	wrdreg s2  }
0xb0: {  	[dreg:$0x4] =	wrdreg $0x70800  }
0xb1: {  	[dreg:$0x5] =	wrdreg $0x9  }
0xb2: {  	_ =	task.clear_ibuf [dreg:s7], $0x6FFFF;
	_ =	strace $0x90000049  }
0xb3: {  	s29 =	simm.s32 $0x9;
	_ =	strace $0x8000004B  }
0xb4: {  	_ =	swait.ge [sflag:s29], $0x1  }
0xb5: {  	[sflag:s29] =	ssyncadd.s32 $0xFFFFFFFF  }
0xb6: {  	_ =	strace $0x9000004B  }
0xb7: {  	_ =	sfence  }
0xb8: {  	s30 =	sld [smem:$0x0];
	_ =	sdelay $0x2  }
0xb9: {  	s31 =	sshll.u32 s1, $0xD;
	s1 =	sshrl.u32 s1, $0x2  }
0xba: {  	s3 =	sand.u32 $0x4000, s31;
	s1 =	sadd.s32 s1, s30  }
0xbb: {  	s0 =	sor.u32 s3, s0;
	s1 =	sshll.u32 s1, $0x11  }
0xbc: {  	s0 =	sor.u32 s1, s0  }
0xbd: {  	s0 =	sadd.s32 $0x8F2B, s0  }
0xbe: {  	[sflag:s0] =	ssyncadd.remote.s32 $0x1  }
0xbf: {  	_ =	sfence.sel $0xFFFF  }
0xc0: {  	[dreg:$0x0] =	wrdreg $0xFFFFFFFF;
	(pc) =	sbr.abs _section_cstart, $3  }
0xc1: {  	[dreg:$0x1] =	wrdreg $0xFFFFFFFF  }
0xc2: {  	_ =	task.clear_ibuf [dreg:s7], $0x2FFFF;
	_ =	strace $0x9FFFFFFF  }
0xc3: {  	(tm) =	ssettm $0x7FFFFFFF  }
tec
execute0_lowered:
.L_overlay_start_1:
0x0: {  	(tag) =	ssettag $0x1  }
0x1: {  	s0 =	rddreg [dreg:$0x0]  }
0x2: {  	s2 =	rddreg [dreg:$0x2];
	s4 =	simm.s32 $0x0  }
0x3: {  	s1 =	srdreg.scid;
	s11 =	stileid.u32;
	s28 =	simm.s32 $0x960  }
0x4: {  	s29 =	simm.s32 $0x3;
	s30 =	simm.s32 $0x2;
	s31 =	simm.s32 $0x8  }
0x5: {  	[smem:$0x7FF] =	sst s4;
	s5 =	sadd.s32 $0x33400, s0;
	s6 =	smul.u32 $0x186A0, s11  }
0x6: {  	s1 =	sand.u32 $0x1, s1;
	s7 =	sadd.s32 $0x101800, s0;
	s12 =	smul.u32 $0x62000, s11  }
0x7: {  	s8 =	sadd.s32 $0x2600, s0;
	s0 =	sadd.s32 $0x351800, s0;
	s15 =	sshll.u32 s11, $0x6  }
0x8: {  	_ =	strace $0x8000004A;
	s3 =	ssub.s32 $0x2, s1;
	s9 =	smul.u32 $0x320000, s1  }
0x9: {  	s10 =	sshrl.u32 s3, $0x1;
	s14 =	sshrl.u32 s12, $0x2;
	s20 =	sadd.s32 $0x320, s6  }
0xa: {  	s3 =	ssub.s32 s3, s10;
	s21 =	sadd.s32 s14, s2;
	s16 =	sadd.s32 s6, s9  }
0xb: {  	s10 =	sor.u32 $0x1C04, s15;
	s14 =	sshllo.u32 s1, $0x1;
	s15 =	sshrl.u32 s6, $0x3  }
0xc: {  	s1 =	sshll.u32 s1, $0x5;
	s23 =	sadd.s32 s9, s20;
	s24 =	sshrl.u32 s20, $0x3  }
0xd: {  	s13 =	sshrl.u32 s16, $0x3;
	s11 =	smul.u32 $0x190000, s14;
	s1 =	sor.u32 s1, s12  }
0xe: {  	s16 =	sshll.u32 s14, $0x4;
	s22 =	smax.u32 s3, $0x1;
	s21 =	sshrl.u32 s21, $0x3  }
0xf: {  	s13 =	sadd.s32 s7, s13;
	s1 =	sshrl.u32 s1, $0x3;
	[dreg:$0x8] =	wrdreg s22  }
0x10: {  	s12 =	sor.u32 s12, s16;
	s22 =	simm.s32 $0x4;
	[dreg:$0x4] =	wrdreg s13  }
0x11: {  	s13 =	sadd.s32 s8, s15;
	s17 =	sadd.s32 s6, s11;
	s1 =	sadd.s32 s0, s1  }
0x12: {  	s19 =	sshrl.u32 s12, $0x3;
	s25 =	sadd.s32 s11, s20;
	[dreg:$0x5] =	wrdreg s1  }
0x13: {  	s18 =	sshrl.u32 s17, $0x3;
	s0 =	sadd.s32 s0, s19;
	s19 =	sadd.s32 s8, s24  }
0x14: {  	s26 =	sshrl.u32 s25, $0x3;
	s24 =	simm.s32 $0x1;
	s25 =	simm.s32 $0x320  }
0x15: {  	s1 =	sadd.s32 s7, s18;
	[dreg:$0x7] =	wrdreg s0;
	s0 =	sshrl.u32 s23, $0x3  }
0x16: {  	s20 =	sadd.s32 s7, s26;
	s23 =	simm.s32 $0x640;
	s26 =	simm.s32 $0xC80  }
0x17: {  	[dreg:$0x6] =	wrdreg s1;
	s18 =	sadd.s32 s7, s0;
	s0 =	simm.s32 $0x0  }
.LBB2_1:
0x18: {  	s1 =	rddreg [dreg:$0x1]  }
0x19: {  	[spmem:s21], [sflag:s10] =	dma.local [hbm:s1], $0x3100  }
0x1a: {  	_ =	swait.ge [sflag:s22], $0x3100  }
0x1b: {  	[sflag:s22] =	ssyncset.done $0x0  }
0x1c: {  	[sflag:s22] =	ssyncadd.s32 $0xFFFFCF00  }
0x1d: {  	[bflag:$0x0] =	sbarrier.arrive $0xFFFF  }
0x1e: {  	s16 =	rddreg [dreg:$0x4]  }
0x1f: {  	[tilespmem:s4], [sflag:$0x1] =	stream.linear.gather [hbm4b:s16+s4], $0x320, $0x38;
	[tilespmem:$0x1F880] =	vst v63  }
0x20: {  	_ = 	snop  }
0x21: {  	[tilespmem:s23], [sflag:$0x1] =	stream.linear.gather [hbm4b:s13+s4], $0x320, $0x38;
	[tilespmem:$0x1F880] =	vst v63  }
0x22: {  	_ =	swait.ge [sflag:s24], $0x320  }
0x23: {  	[sflag:s24] =	ssyncset.done $0x0  }
0x24: {  	[sflag:s24] =	ssyncadd.s32 $0xFFFFFCE0  }
0x25: {  	_ =	swait.ge [sflag:s24], $0x320  }
0x26: {  	[sflag:s24] =	ssyncset.done $0x0  }
0x27: {  	[sflag:s24] =	ssyncadd.s32 $0xFFFFFCE0  }
0x28: {  	[tilespmem:s26], [sflag:$0x2] =	stream.indirect.gather [hbm4b:s5+s25], $0x10, s4, s25, $0xb8;
	[tilespmem:$0x1F880] =	vst v63  }
0x29: {  	_ = 	snop  }
0x2a: {  	[tilespmem:s25], [sflag:$0x1] =	stream.linear.gather [hbm4b:s18+s4], $0x320, $0x38;
	[tilespmem:$0x1F880] =	vst v63  }
0x2b: {  	_ = 	snop  }
0x2c: {  	[tilespmem:s28], [sflag:$0x1] =	stream.linear.gather [hbm4b:s19+s4], $0x320, $0x38;
	[tilespmem:$0x1F880] =	vst v63  }
0x2d: {  	_ =	swait.ge [sflag:s30], $0x3200  }
0x2e: {  	[sflag:s30] =	ssyncset.done $0x0  }
0x2f: {  	[sflag:s30] =	ssyncadd.s32 $0xFFFFCE00  }
0x30: {  	[spmem:s2] =	stream.indirect.scatter.add.f32 [tilespmem:s26], [sflag:$0x3], $0x10, s23, s25, $0xb8;
	[tilespmem:$0x1F880] =	vst v63  }
0x31: {  	s17 =	simm.s32 $0x1;
	_ =	swait.ge [sflag:s24], $0x320  }
0x32: {  	s3 =	sand.u32 $0x1, s17;
	[sflag:s24] =	ssyncset.done $0x0  }
0x33: {  	s14 =	smin.u32 s30, $0x7C;
	s1 =	smul.u32 $0xC800, s3;
	[sflag:s24] =	ssyncadd.s32 $0xFFFFFCE0  }
0x34: {  	s14 =	smul.u32 $0x320, s14;
	_ =	swait.ge [sflag:s24], $0x320  }
0x35: {  	s12 =	smul.u32 $0x320, s3;
	s1 =	sshrl.u32 s1, $0x2;
	[sflag:s24] =	ssyncset.done $0x0  }
0x36: {  	s14 =	sadd.s32 s6, s14;
	s1 =	sadd.s32 $0xC80, s1;
	[sflag:s24] =	ssyncadd.s32 $0xFFFFFCE0  }
0x37: {  	[tilespmem:s1], [sflag:$0x2] =	stream.indirect.gather [hbm4b:s5+s25], $0x10, s12, s25, $0xb8;
	[tilespmem:$0x1F880] =	vst v63  }
0x38: {  	s3 =	sxor.u32 $0x1, s3;
	s15 =	sadd.s32 s9, s14;
	_ =	swait.ge [sflag:s29], $0x3200  }
0x39: {  	s3 =	smul.u32 $0x320, s3;
	s15 =	sshrl.u32 s15, $0x3;
	[sflag:s29] =	ssyncset.done $0x0  }
0x3a: {  	s14 =	sshrl.u32 s14, $0x3;
	s15 =	sadd.s32 s7, s15;
	[sflag:s29] =	ssyncadd.s32 $0xFFFFCE00  }
0x3b: {  	[tilespmem:s3], [sflag:$0x1] =	stream.linear.gather [hbm4b:s15+s4], $0x320, $0x38;
	[tilespmem:$0x1F880] =	vst v63  }
0x3c: {  	s14 =	sadd.s32 s8, s14;
	s3 =	sadd.s32 $0x640, s3  }
0x3d: {  	[tilespmem:s3], [sflag:$0x1] =	stream.linear.gather [hbm4b:s14+s4], $0x320, $0x38;
	[tilespmem:$0x1F880] =	vst v63  }
0x3e: {  	_ =	swait.ge [sflag:s30], $0x3200  }
0x3f: {  	s12 =	sadd.s32 $0x640, s12;
	s3 =	simm.s32 $0x3;
	[sflag:s30] =	ssyncset.done $0x0  }
.LBB2_2:
0x40: {  	p0 =	sne.s32 s3, $0x7D  }
0x41: {  	[sflag:s30] =	ssyncadd.s32 $0xFFFFCE00;
	s14 =	smov.u32 s3;
	s3 =	sadd.s32 $0x1, s3  }
0x42: {  	[spmem:s2] =	stream.indirect.scatter.add.f32 [tilespmem:s1], [sflag:$0x3], $0x10, s12, s25, $0xb8;
	[tilespmem:$0x1F880] =	vst v63  }
0x43: {  	s1 =	sadd.s32 $0xFFFFFFFF, s14;
	_ =	swait.ge [sflag:s24], $0x320  }
0x44: {  	s1 =	sand.u32 $0x1, s1;
	[sflag:s24] =	ssyncset.done $0x0  }
0x45: {  	s12 =	sxor.u32 $0x1, s1;
	s15 =	smul.u32 $0xC800, s1;
	[sflag:s24] =	ssyncadd.s32 $0xFFFFFCE0  }
0x46: {  	s16 =	smul.u32 $0x320, s1;
	s1 =	smin.u32 s14, $0x7C;
	_ =	swait.ge [sflag:s24], $0x320  }
0x47: {  	s14 =	sshrl.u32 s15, $0x2;
	s15 =	smul.u32 $0x320, s1;
	[sflag:s24] =	ssyncset.done $0x0  }
0x48: {  	s1 =	sadd.s32 $0xC80, s14;
	[sflag:s24] =	ssyncadd.s32 $0xFFFFFCE0  }
0x49: {  	[tilespmem:s1], [sflag:$0x2] =	stream.indirect.gather [hbm4b:s5+s25], $0x10, s16, s25, $0xb8;
	[tilespmem:$0x1F880] =	vst v63  }
0x4a: {  	s12 =	smul.u32 $0x320, s12;
	s14 =	sadd.s32 s6, s15;
	_ =	swait.ge [sflag:s29], $0x3200  }
0x4b: {  	s15 =	sadd.s32 s9, s14;
	s14 =	sshrl.u32 s14, $0x3;
	[sflag:s29] =	ssyncset.done $0x0  }
0x4c: {  	s15 =	sshrl.u32 s15, $0x3;
	[sflag:s29] =	ssyncadd.s32 $0xFFFFCE00  }
0x4d: {  	s17 =	sadd.s32 $0x640, s12;
	s14 =	sadd.s32 s8, s14;
	s15 =	sadd.s32 s7, s15  }
0x4e: {  	[tilespmem:s12], [sflag:$0x1] =	stream.linear.gather [hbm4b:s15+s4], $0x320, $0x38;
	[tilespmem:$0x1F880] =	vst v63  }
.Ltmp0:
0x4f: {  	_ = 	snop;
	(pc) =	sbr.rel @p0 .LBB2_2-.Ltmp0, $4  }
0x50: {  	_ = 	snop  }
0x51: {  	[tilespmem:s17], [sflag:$0x1] =	stream.linear.gather [hbm4b:s14+s4], $0x320, $0x38;
	[tilespmem:$0x1F880] =	vst v63  }
0x52: {  	_ =	swait.ge [sflag:s30], $0x3200  }
0x53: {  	s12 =	sadd.s32 $0x640, s16;
	[sflag:s30] =	ssyncset.done $0x0  }
0x54: {  	[sflag:s30] =	ssyncadd.s32 $0xFFFFCE00  }
0x55: {  	[spmem:s2] =	stream.indirect.scatter.add.f32 [tilespmem:s1], [sflag:$0x3], $0x10, s12, s25, $0xb8;
	[tilespmem:$0x1F880] =	vst v63  }
0x56: {  	_ =	swait.ge [sflag:s24], $0x320  }
0x57: {  	[sflag:s24] =	ssyncset.done $0x0  }
0x58: {  	[sflag:s24] =	ssyncadd.s32 $0xFFFFFCE0  }
0x59: {  	_ =	swait.ge [sflag:s24], $0x320  }
0x5a: {  	[sflag:s24] =	ssyncset.done $0x0  }
0x5b: {  	[sflag:s24] =	ssyncadd.s32 $0xFFFFFCE0  }
0x5c: {  	_ =	swait.ge [sflag:s29], $0x3200  }
0x5d: {  	[sflag:s29] =	ssyncset.done $0x0  }
0x5e: {  	[sflag:s29] =	ssyncadd.s32 $0xFFFFCE00  }
0x5f: {  	[bflag:$0x0] =	sbarrier.arrive $0xFFFF  }
0x60: {  	s17 =	simm.s32 $0x2;
	s3 =	rddreg [dreg:$0x5]  }
0x61: {  	[hbm:s3@s31], [sflag:s10] =	dma.strided [spmem:s21@s17], $0x3100, s24, $0x2   }
0x62: {  	_ =	swait.ge [sflag:s22], $0x3100  }
0x63: {  	[sflag:s22] =	ssyncset.done $0x0  }
0x64: {  	[sflag:s22] =	ssyncadd.s32 $0xFFFFCF00  }
0x65: {  	[bflag:$0x0] =	sbarrier.arrive $0xFFFF  }
0x66: {  	s12 =	rddreg [dreg:$0x1]  }
0x67: {  	[spmem:s21], [sflag:s10] =	dma.local [hbm:s12], $0x3100  }
0x68: {  	_ =	swait.ge [sflag:s22], $0x3100  }
0x69: {  	[sflag:s22] =	ssyncset.done $0x0  }
0x6a: {  	[sflag:s22] =	ssyncadd.s32 $0xFFFFCF00  }
0x6b: {  	[bflag:$0x0] =	sbarrier.arrive $0xFFFF  }
0x6c: {  	s14 =	rddreg [dreg:$0x6]  }
0x6d: {  	[tilespmem:s4], [sflag:$0x1] =	stream.linear.gather [hbm4b:s14+s4], $0x320, $0x38;
	[tilespmem:$0x1F880] =	vst v63  }
0x6e: {  	_ = 	snop  }
0x6f: {  	[tilespmem:s23], [sflag:$0x1] =	stream.linear.gather [hbm4b:s13+s4], $0x320, $0x38;
	[tilespmem:$0x1F880] =	vst v63  }
0x70: {  	_ =	swait.ge [sflag:s24], $0x320  }
0x71: {  	[sflag:s24] =	ssyncset.done $0x0  }
0x72: {  	[sflag:s24] =	ssyncadd.s32 $0xFFFFFCE0  }
0x73: {  	_ =	swait.ge [sflag:s24], $0x320  }
0x74: {  	[sflag:s24] =	ssyncset.done $0x0  }
0x75: {  	[sflag:s24] =	ssyncadd.s32 $0xFFFFFCE0  }
0x76: {  	[tilespmem:s26], [sflag:$0x2] =	stream.indirect.gather [hbm4b:s5+s25], $0x10, s4, s25, $0xb8;
	[tilespmem:$0x1F880] =	vst v63  }
0x77: {  	_ = 	snop  }
0x78: {  	[tilespmem:s25], [sflag:$0x1] =	stream.linear.gather [hbm4b:s20+s4], $0x320, $0x38;
	[tilespmem:$0x1F880] =	vst v63  }
0x79: {  	_ = 	snop  }
0x7a: {  	[tilespmem:s28], [sflag:$0x1] =	stream.linear.gather [hbm4b:s19+s4], $0x320, $0x38;
	[tilespmem:$0x1F880] =	vst v63  }
0x7b: {  	_ =	swait.ge [sflag:s17], $0x3200  }
0x7c: {  	[sflag:s17] =	ssyncset.done $0x0  }
0x7d: {  	[sflag:s17] =	ssyncadd.s32 $0xFFFFCE00  }
0x7e: {  	[spmem:s2] =	stream.indirect.scatter.add.f32 [tilespmem:s26], [sflag:$0x3], $0x10, s23, s25, $0xb8;
	[tilespmem:$0x1F880] =	vst v63  }
0x7f: {  	s15 =	simm.s32 $0x1;
	_ =	swait.ge [sflag:s24], $0x320  }
0x80: {  	s3 =	sand.u32 $0x1, s15;
	[sflag:s24] =	ssyncset.done $0x0  }
0x81: {  	s1 =	smin.u32 s17, $0x7C;
	s16 =	smul.u32 $0xC800, s3;
	[sflag:s24] =	ssyncadd.s32 $0xFFFFFCE0  }
0x82: {  	s15 =	smul.u32 $0x320, s1;
	_ =	swait.ge [sflag:s24], $0x320  }
0x83: {  	s12 =	sshrl.u32 s16, $0x2;
	s14 =	smul.u32 $0x320, s3;
	[sflag:s24] =	ssyncset.done $0x0  }
0x84: {  	s1 =	sadd.s32 $0xC80, s12;
	s17 =	sadd.s32 s6, s15;
	[sflag:s24] =	ssyncadd.s32 $0xFFFFFCE0  }
0x85: {  	[tilespmem:s1], [sflag:$0x2] =	stream.indirect.gather [hbm4b:s5+s25], $0x10, s14, s25, $0xb8;
	[tilespmem:$0x1F880] =	vst v63  }
0x86: {  	s3 =	sxor.u32 $0x1, s3;
	s15 =	sadd.s32 s11, s17;
	_ =	swait.ge [sflag:s29], $0x3200  }
0x87: {  	s3 =	smul.u32 $0x320, s3;
	s15 =	sshrl.u32 s15, $0x3;
	[sflag:s29] =	ssyncset.done $0x0  }
0x88: {  	s12 =	sshrl.u32 s17, $0x3;
	s15 =	sadd.s32 s7, s15;
	[sflag:s29] =	ssyncadd.s32 $0xFFFFCE00  }
0x89: {  	[tilespmem:s3], [sflag:$0x1] =	stream.linear.gather [hbm4b:s15+s4], $0x320, $0x38;
	[tilespmem:$0x1F880] =	vst v63  }
0x8a: {  	s12 =	sadd.s32 s8, s12;
	s3 =	sadd.s32 $0x640, s3  }
0x8b: {  	[tilespmem:s3], [sflag:$0x1] =	stream.linear.gather [hbm4b:s12+s4], $0x320, $0x38;
	[tilespmem:$0x1F880] =	vst v63  }
0x8c: {  	_ =	swait.ge [sflag:s30], $0x3200  }
0x8d: {  	s3 =	simm.s32 $0x3;
	s12 =	sadd.s32 $0x640, s14;
	[sflag:s30] =	ssyncset.done $0x0  }
.LBB2_4:
0x8e: {  	p0 =	sne.s32 s3, $0x7D  }
0x8f: {  	[sflag:s30] =	ssyncadd.s32 $0xFFFFCE00;
	s14 =	smov.u32 s3;
	s3 =	sadd.s32 $0x1, s3  }
0x90: {  	[spmem:s2] =	stream.indirect.scatter.add.f32 [tilespmem:s1], [sflag:$0x3], $0x10, s12, s25, $0xb8;
	[tilespmem:$0x1F880] =	vst v63  }
0x91: {  	s1 =	sadd.s32 $0xFFFFFFFF, s14;
	_ =	swait.ge [sflag:s24], $0x320  }
0x92: {  	s1 =	sand.u32 $0x1, s1;
	[sflag:s24] =	ssyncset.done $0x0  }
0x93: {  	s12 =	sxor.u32 $0x1, s1;
	s15 =	smul.u32 $0xC800, s1;
	[sflag:s24] =	ssyncadd.s32 $0xFFFFFCE0  }
0x94: {  	s16 =	smul.u32 $0x320, s1;
	s1 =	smin.u32 s14, $0x7C;
	_ =	swait.ge [sflag:s24], $0x320  }
0x95: {  	s14 =	sshrl.u32 s15, $0x2;
	s15 =	smul.u32 $0x320, s1;
	[sflag:s24] =	ssyncset.done $0x0  }
0x96: {  	s1 =	sadd.s32 $0xC80, s14;
	[sflag:s24] =	ssyncadd.s32 $0xFFFFFCE0  }
0x97: {  	[tilespmem:s1], [sflag:$0x2] =	stream.indirect.gather [hbm4b:s5+s25], $0x10, s16, s25, $0xb8;
	[tilespmem:$0x1F880] =	vst v63  }
0x98: {  	s12 =	smul.u32 $0x320, s12;
	s14 =	sadd.s32 s6, s15;
	_ =	swait.ge [sflag:s29], $0x3200  }
0x99: {  	s15 =	sadd.s32 s11, s14;
	s14 =	sshrl.u32 s14, $0x3;
	[sflag:s29] =	ssyncset.done $0x0  }
0x9a: {  	s15 =	sshrl.u32 s15, $0x3;
	[sflag:s29] =	ssyncadd.s32 $0xFFFFCE00  }
0x9b: {  	s17 =	sadd.s32 $0x640, s12;
	s14 =	sadd.s32 s8, s14;
	s15 =	sadd.s32 s7, s15  }
0x9c: {  	[tilespmem:s12], [sflag:$0x1] =	stream.linear.gather [hbm4b:s15+s4], $0x320, $0x38;
	[tilespmem:$0x1F880] =	vst v63  }
.Ltmp1:
0x9d: {  	_ = 	snop;
	(pc) =	sbr.rel @p0 .LBB2_4-.Ltmp1, $4  }
0x9e: {  	_ = 	snop  }
0x9f: {  	[tilespmem:s17], [sflag:$0x1] =	stream.linear.gather [hbm4b:s14+s4], $0x320, $0x38;
	[tilespmem:$0x1F880] =	vst v63  }
0xa0: {  	_ =	swait.ge [sflag:s30], $0x3200  }
0xa1: {  	s12 =	sadd.s32 $0x640, s16;
	[sflag:s30] =	ssyncset.done $0x0  }
0xa2: {  	[sflag:s30] =	ssyncadd.s32 $0xFFFFCE00  }
0xa3: {  	[spmem:s2] =	stream.indirect.scatter.add.f32 [tilespmem:s1], [sflag:$0x3], $0x10, s12, s25, $0xb8;
	[tilespmem:$0x1F880] =	vst v63  }
0xa4: {  	_ =	swait.ge [sflag:s24], $0x320  }
0xa5: {  	[sflag:s24] =	ssyncset.done $0x0  }
0xa6: {  	[sflag:s24] =	ssyncadd.s32 $0xFFFFFCE0  }
0xa7: {  	_ =	swait.ge [sflag:s24], $0x320  }
0xa8: {  	[sflag:s24] =	ssyncset.done $0x0  }
0xa9: {  	[sflag:s24] =	ssyncadd.s32 $0xFFFFFCE0  }
0xaa: {  	_ =	swait.ge [sflag:s29], $0x3200  }
0xab: {  	[sflag:s29] =	ssyncset.done $0x0  }
0xac: {  	[sflag:s29] =	ssyncadd.s32 $0xFFFFCE00  }
0xad: {  	[bflag:$0x0] =	sbarrier.arrive $0xFFFF  }
0xae: {  	s16 =	rddreg [dreg:$0x7]  }
0xaf: {  	[hbm:s16@s31], [sflag:s10] =	dma.strided [spmem:s21@s30], $0x3100, s24, $0x2   }
0xb0: {  	_ =	swait.ge [sflag:s22], $0x3100  }
0xb1: {  	s0 =	sadd.s32 $0x1, s0;
	s17 =	rddreg [dreg:$0x8]  }
0xb2: {  	p0 =	sne.s32 s0, s17  }
.Ltmp2:
0xb3: {  	_ = 	snop;
	(pc) =	sbr.rel @p0 .LBB2_1-.Ltmp2, $3  }
0xb4: {  	[sflag:s22] =	ssyncset.done $0x0  }
0xb5: {  	[sflag:s22] =	ssyncadd.s32 $0xFFFFCF00  }
0xb6: {  	[bflag:$0x0] =	sbarrier.arrive $0xFFFF;
	_ =	sdelay $0x1  }
0xb7: {  	_ =	sfence.sel $0x180000  }
0xb8: {  	[bflag:$0x0] =	sbarrier.arrive $0xFFFF  }
0xb9: {  	_ =	strace $0x9000004A  }
0xba: {  	s0 =	stileid.u32;
	[bflag:$0x2] =	sbarrier.arrive $0xFFFF  }
0xbb: {  	p0 =	sne.s32 s0, $0x0;
	s0 =	rddreg [dreg:$0x3]  }
0xbc: {  	s0 =	sadd.s32 @!p0 $0x100000, s0  }
0xbd: {  	[sflag:s0] =	ssyncadd.tile.s32 @!p0 $0x1;
	_ =	shalt  }
.Lfunc_end2:
_tile_overlayer_lowered:
.L_overlay_start_2:
0xbe: {  	(tag) =	ssettag $0x2  }
0xbf: {  	s0 =	rddreg [dreg:$0x0];
	s2 =	stileid.u32  }
0xc0: {  	s1 =	rddreg [dreg:$0x1];
	p0 =	sne.s32 s2, $0x0  }
0xc1: {  	s3 =	rddreg [dreg:$0x2];
	[bflag:$0x3] =	sbarrier.arrive $0xFFFF;
	s2 =	simm.s32 @!p0 $0x1C04  }
0xc2: {  	[timem:s3], [sflag:s2] =	dma.local @!p0 [hbm:s0], s1  }
0xc3: {  	s0 =	simm.s32 @!p0 $0x4  }
0xc4: {  	_ =	swait.ge @!p0 [sflag:s0], s1  }
0xc5: {  	s1 =	ssub.s32 @!p0 $0x0, s1;
	[sflag:s0] =	ssyncset.done @!p0 $0x0  }
0xc6: {  	[sflag:s0] =	ssyncadd.s32 @!p0 s1  }
0xc7: {  	[bflag:$0x3] =	sbarrier.arrive $0xFFFF  }
0xc8: {  	_ =	shalt  }

// kernel: kernel.17.cloned.1.call-start
scs
__scs_entry_jumppad:
0x0: {  	(pc) =	sbr.rel $0x88, $3  }
0x1: {  	(tag) =	ssettag $0x0;
	lr =	simm.s32 $0x1  }
0x2: {  	[smem:$0x3F91] =	sst lr;
	_ =	strace $0xD0000000  }
0x3: {  	_ = 	snop  }
0x4: {  	_ = 	snop  }
0x5: {  	_ = 	snop  }
0x6: {  	_ = 	snop  }
0x7: {  	_ = 	snop  }
__scs_overlays_trampoline_lowered:
0x8: {  	[smem:$0x3FA0] =	sst s0  }
0x9: {  	[smem:$0x3FA1] =	sst s1  }
0xa: {  	[smem:$0x3FA2] =	sst s2  }
0xb: {  	[smem:$0x3FA3] =	sst s3  }
0xc: {  	[smem:$0x3FA4] =	sst s4  }
0xd: {  	[smem:$0x3FA5] =	sst s5  }
0xe: {  	[smem:$0x3FA6] =	sst s6  }
0xf: {  	[smem:$0x3FA7] =	sst s7  }
0x10: {  	[smem:$0x3FA8] =	sst s8  }
0x11: {  	[smem:$0x3FA9] =	sst s9;
	s0 =	simm.s32 @!p0 $0x0  }
0x12: {  	s1 =	sld [smem:$0x3F8F];
	s0 =	simm.s32 @p0 $0x1  }
0x13: {  	[smem:$0x3FAA] =	sst s0;
	s0 =	simm.s32 @!p1 $0x0  }
0x14: {  	s2 =	sld [smem:$0x3F8E];
	s0 =	simm.s32 @p1 $0x1  }
0x15: {  	[smem:$0x3FAB] =	sst s0;
	s0 =	simm.s32 @!p2 $0x0  }
0x16: {  	s3 =	sld [smem:$0x3FDB];
	s0 =	simm.s32 @p2 $0x1  }
0x17: {  	s4 =	simm.s32 $0x1BF5;
	[smem:$0x3FAD] =	sst s0  }
0x18: {  	s0 =	sld [smem:$0x3F90];
	_ =	swait.ge [sflag:s4], $0x0  }
0x19: {  	s7 =	sld [smem:$0x3F91]  }
0x1a: {  	s8 =	sadd.s32 $0xFFFFE003, lr  }
0x1b: {  	s9 =	sadd.s32 $0xFFFFFEF7, lr;
	s5 =	simm.s32 $0xFFFFFFFF;
	p2 =	slt.u32 s8, $0xFFFFF086  }
0x1c: {  	p1 =	slt.u32 s9, $0xF7A;
	s5 =	simm.s32 @!p2 $0x0  }
0x1d: {  	s5 =	simm.s32 @p1 $0x1;
	p0 =	seq.s32 s7, s2  }
0x1e: {  	s7 =	smul.u32 @!p0 $0xF7A, s2;
	p2 =	seq.s32 @!p0 s5, $0x0  }
0x1f: {  	s9 =	smul.u32 $0xF7A, s1;
	s8 =	simm.s32 @!p0 $0x1BF5;
	p2 =	por !p2, p0  }
0x20: {  	[sflag:s8] =	ssyncset.s32 @!p0 $0xFFFFF086;
	s6 =	sadd.s32 @!p0 s3, s7;
	s7 =	simm.s32 @!p0 $0x108  }
0x21: {  	s3 =	sadd.s32 s3, s9;
	s6 =	sadd.s32 @!p0 $0x88, s6;
	s7 =	simm.s32 @p2 $0x1082  }
0x22: {  	[simem:s7], [sflag:s8] =	dma.local @!p0 [hbm:s6], $0xF7A  }
0x23: {  	s9 =	sor.u32 $0xD0000000, s2;
	s6 =	simm.s32 $0x108;
	_ =	swait.ge @!p0 [sflag:s8], $0x0  }
0x24: {  	s3 =	sadd.s32 $0x88, s3;
	s6 =	simm.s32 @!p1 $0x1082;
	[sflag:s4] =	ssyncset.s32 $0xFFFFF086  }
0x25: {  	[simem:s6], [sflag:s4] =	dma.local [hbm:s3], $0xF7A  }
0x26: {  	[smem:$0x3F91] =	sst s1;
	(tag) =	ssettag s2;
	_ =	strace s9  }
0x27: {  	s1 =	sld [smem:$0x3FA1]  }
0x28: {  	s2 =	sld [smem:$0x3FA2]  }
0x29: {  	s4 =	sld [smem:$0x3FA4]  }
0x2a: {  	p0 =	seq.s32 s5, $0x0;
	s5 =	sld [smem:$0x3FA5]  }
0x2b: {  	s6 =	sld [smem:$0x3FA6]  }
0x2c: {  	s7 =	sld [smem:$0x3FA7]  }
0x2d: {  	s3 =	simm.s32 $0x108;
	s8 =	sld [smem:$0x3FA8]  }
0x2e: {  	s3 =	simm.s32 @!p0 $0x1082;
	s9 =	sld [smem:$0x3FA9]  }
0x2f: {  	lr =	sadd.s32 s0, s3;
	s0 =	sld [smem:$0x3FA0]  }
0x30: {  	s3 =	sld [smem:$0x3FA3]  }
0x31: {  	[smem:$0x3FAC] =	sst s10  }
0x32: {  	s10 =	sld [smem:$0x3FAA];
	_ =	sdelay $0x3  }
0x33: {  	p0 =	seq.s32 s10, $0x1;
	s10 =	sld [smem:$0x3FAC];
	_ =	sdelay $0x3  }
0x34: {  	[smem:$0x3FAC] =	sst s10  }
0x35: {  	s10 =	sld [smem:$0x3FAB];
	_ =	sdelay $0x3  }
0x36: {  	p1 =	seq.s32 s10, $0x1;
	s10 =	sld [smem:$0x3FAC];
	_ =	sdelay $0x3  }
0x37: {  	[smem:$0x3FAC] =	sst s10  }
0x38: {  	s10 =	sld [smem:$0x3FAD]  }
0x39: {  	_ = 	snop;
	(pc) =	sbr.ind lr, $3  }
0x3a: {  	_ = 	snop  }
0x3b: {  	_ = 	snop  }
0x3c: {  	p2 =	seq.s32 s10, $0x1;
	s10 =	sld [smem:$0x3FAC]  }
0x3d: {  	_ =	shalt  }
0x3e: {  	_ =	shalt  }
0x3f: {  	_ =	shalt  }
0x40: {  	_ =	shalt  }
0x41: {  	_ =	shalt  }
0x42: {  	_ =	shalt  }
0x43: {  	_ =	shalt  }
0x44: {  	_ =	shalt  }
0x45: {  	_ =	shalt  }
0x46: {  	_ =	shalt  }
0x47: {  	_ =	shalt  }
0x48: {  	_ =	shalt  }
0x49: {  	_ =	shalt  }
0x4a: {  	_ =	shalt  }
0x4b: {  	_ =	shalt  }
0x4c: {  	_ =	shalt  }
0x4d: {  	_ =	shalt  }
0x4e: {  	_ =	shalt  }
0x4f: {  	_ =	shalt  }
0x50: {  	_ =	shalt  }
0x51: {  	_ =	shalt  }
0x52: {  	_ =	shalt  }
0x53: {  	_ =	shalt  }
0x54: {  	_ =	shalt  }
0x55: {  	_ =	shalt  }
0x56: {  	_ =	shalt  }
0x57: {  	_ =	shalt  }
0x58: {  	_ =	shalt  }
0x59: {  	_ =	shalt  }
0x5a: {  	_ =	shalt  }
0x5b: {  	_ =	shalt  }
0x5c: {  	_ =	shalt  }
0x5d: {  	_ =	shalt  }
0x5e: {  	_ =	shalt  }
0x5f: {  	_ =	shalt  }
0x60: {  	_ =	shalt  }
0x61: {  	_ =	shalt  }
0x62: {  	_ =	shalt  }
0x63: {  	_ =	shalt  }
0x64: {  	_ =	shalt  }
0x65: {  	_ =	shalt  }
0x66: {  	_ =	shalt  }
0x67: {  	_ =	shalt  }
0x68: {  	_ =	shalt  }
0x69: {  	_ =	shalt  }
0x6a: {  	_ =	shalt  }
0x6b: {  	_ =	shalt  }
0x6c: {  	_ =	shalt  }
0x6d: {  	_ =	shalt  }
0x6e: {  	_ =	shalt  }
0x6f: {  	_ =	shalt  }
0x70: {  	_ =	shalt  }
0x71: {  	_ =	shalt  }
0x72: {  	_ =	shalt  }
0x73: {  	_ =	shalt  }
0x74: {  	_ =	shalt  }
0x75: {  	_ =	shalt  }
0x76: {  	_ =	shalt  }
0x77: {  	_ =	shalt  }
0x78: {  	_ =	shalt  }
0x79: {  	_ =	shalt  }
0x7a: {  	_ =	shalt  }
0x7b: {  	_ =	shalt  }
0x7c: {  	_ =	shalt  }
0x7d: {  	_ =	shalt  }
0x7e: {  	_ =	shalt  }
0x7f: {  	_ =	shalt  }
0x80: {  	_ =	shalt  }
0x81: {  	_ =	shalt  }
0x82: {  	_ =	shalt  }
0x83: {  	_ =	shalt  }
0x84: {  	_ =	shalt  }
0x85: {  	_ =	shalt  }
0x86: {  	_ =	shalt  }
0x87: {  	_ =	shalt  }
.Lfunc_end0:
.L_simem_size_0:
called_computation.2_lowered:
.L_overlay_start_0:
0x88: {  	s2 =	sld [smem:$0x3FD9]  }
0x89: {  	s3 =	sld [smem:$0x3FFE];
	_ =	sdelay $0x1  }
0x8a: {  	s1 =	srdreg.scid  }
0x8b: {  	s0 =	sand.u32 $0x1, s1  }
0x8c: {  	s17 =	sshll.u32 s0, $0xA;
	s2 =	sadd.s32 s3, s2  }
0x8d: {  	s2 =	sadd.s32 s2, s17  }
0x8e: {  	[smem:$0x3FB8] =	sst s2  }
0x8f: {  	_ = 	snop  }
0x90: {  	s2 =	sld [smem:$0x3FD0];
	(tm) =	ssettm $0x1  }
0x91: {  	s18 =	sld [smem:$0x3FFB];
	_ =	sdelay $0x3  }
0x92: {  	_ =	strace s18  }
0x93: {  	s3 =	sld [smem:$0x3FFC];
	_ =	sdelay $0x3  }
0x94: {  	_ =	strace s3  }
0x95: {  	s3 =	sld [smem:$0x3FFD];
	_ =	sdelay $0x3  }
0x96: {  	_ =	strace s3  }
0x97: {  	_ =	strace $0x8FFFFFFF  }
0x98: {  	s19 =	sld [smem:$0x3FDB];
	_ =	sdelay $0x1  }
0x99: {  	s4 =	simm.s32 $_scs_section_size  }
0x9a: {  	s5 =	simm.s32 $_size__tile_overlayer_lowered;
	s6 =	simm.s32 $_tile_overlayer_lowered  }
0x9b: {  	s22 =	simm.s32 $0x1BFF;
	s21 =	sshll.u32 s6, $0x1;
	s3 =	sadd.s32 s4, s19  }
0x9c: {  	s7 =	simm.s32 $0x0;
	s20 =	sshll.u32 s5, $0x1;
	s5 =	sadd.s32 s21, s3  }
0x9d: {  	[timem:s7], [sflag:s22] =	dma.local [hbm:s5], s20  }
0x9e: {  	_ =	swait.ge [sflag:s22], s20  }
0x9f: {  	s4 =	ssub.s32 $0x0, s20;
	[sflag:s22] =	ssyncset.done $0x0  }
0xa0: {  	[sflag:s22] =	ssyncadd.s32 s4;
	_ =	sdelay $0x1  }
0xa1: {  	s23 =	simm.s32 $0x1B8B  }
0xa2: {  	_ =	swait.ge [sflag:s23], $0x1  }
0xa3: {  	[sflag:s23] =	ssyncset.done $0x0  }
0xa4: {  	s25 =	simm.s32 $0x1B8E;
	s24 =	sld [smem:$0x3FFE];
	[sflag:s23] =	ssyncadd.s32 $0xFFFFFFFF  }
0xa5: {  	s26 =	simm.s32 $execute0_lowered;
	[smem:$0x3FD2] =	sst s25  }
0xa6: {  	s5 =	sshll.u32 s26, $0x1;
	_ =	strace $0x8000004C;
	[dreg:$0x1] =	wrdreg $0xFFFFFFFF  }
0xa7: {  	s28 =	simm.s32 $_size_execute0_lowered;
	s3 =	sadd.s32 s3, s5;
	[dreg:$0x0] =	wrdreg $0x0  }
0xa8: {  	s5 =	sshll.u32 s28, $0x1;
	[dreg:$0x2] =	wrdreg s3  }
0xa9: {  	[dreg:$0x3] =	wrdreg s5  }
0xaa: {  	[dreg:$0x4] =	wrdreg $0xC0  }
0xab: {  	_ =	task [dreg:s7], $0x5FFFF  }
0xac: {  	[dreg:$0x1] =	wrdreg $0xFFFFFFFF  }
0xad: {  	[dreg:$0x0] =	wrdreg $0x60  }
0xae: {  	[dreg:$0x2] =	wrdreg s24  }
0xaf: {  	[dreg:$0x3] =	wrdreg s2  }
0xb0: {  	[dreg:$0x4] =	wrdreg $0x70800  }
0xb1: {  	[dreg:$0x5] =	wrdreg $0x9  }
0xb2: {  	_ =	task.clear_ibuf [dreg:s7], $0x6FFFF;
	_ =	strace $0x9000004C  }
0xb3: {  	s29 =	simm.s32 $0x9;
	_ =	strace $0x8000004E  }
0xb4: {  	_ =	swait.ge [sflag:s29], $0x1  }
0xb5: {  	[sflag:s29] =	ssyncadd.s32 $0xFFFFFFFF  }
0xb6: {  	_ =	strace $0x9000004E  }
0xb7: {  	_ =	sfence  }
0xb8: {  	s30 =	sld [smem:$0x0];
	_ =	sdelay $0x2  }
0xb9: {  	s31 =	sshll.u32 s1, $0xD;
	s1 =	sshrl.u32 s1, $0x2  }
0xba: {  	s3 =	sand.u32 $0x4000, s31;
	s1 =	sadd.s32 s1, s30  }
0xbb: {  	s0 =	sor.u32 s3, s0;
	s1 =	sshll.u32 s1, $0x11  }
0xbc: {  	s0 =	sor.u32 s1, s0  }
0xbd: {  	s0 =	sadd.s32 $0x8F2B, s0  }
0xbe: {  	[sflag:s0] =	ssyncadd.remote.s32 $0x1  }
0xbf: {  	_ =	sfence.sel $0xFFFF  }
0xc0: {  	[dreg:$0x0] =	wrdreg $0xFFFFFFFF;
	(pc) =	sbr.abs _section_cstart, $3  }
0xc1: {  	[dreg:$0x1] =	wrdreg $0xFFFFFFFF  }
0xc2: {  	_ =	task.clear_ibuf [dreg:s7], $0x2FFFF;
	_ =	strace $0x9FFFFFFF  }
0xc3: {  	(tm) =	ssettm $0x7FFFFFFF  }
tec
execute0_lowered:
.L_overlay_start_1:
0x0: {  	(tag) =	ssettag $0x1  }
0x1: {  	s0 =	rddreg [dreg:$0x0]  }
0x2: {  	s2 =	rddreg [dreg:$0x2];
	s4 =	simm.s32 $0x0  }
0x3: {  	s1 =	srdreg.scid;
	s11 =	stileid.u32;
	s28 =	simm.s32 $0x960  }
0x4: {  	s29 =	simm.s32 $0x3;
	s30 =	simm.s32 $0x2;
	s31 =	simm.s32 $0x8  }
0x5: {  	[smem:$0x7FF] =	sst s4;
	s5 =	sadd.s32 $0x33400, s0;
	s6 =	smul.u32 $0x186A0, s11  }
0x6: {  	s1 =	sand.u32 $0x1, s1;
	s7 =	sadd.s32 $0x101800, s0;
	s12 =	smul.u32 $0x62000, s11  }
0x7: {  	s8 =	sadd.s32 $0x2600, s0;
	s0 =	sadd.s32 $0x1C9800, s0;
	s15 =	sshll.u32 s11, $0x6  }
0x8: {  	_ =	strace $0x8000004D;
	s3 =	ssub.s32 $0x2, s1;
	s9 =	smul.u32 $0x320000, s1  }
0x9: {  	s10 =	sshrl.u32 s3, $0x1;
	s14 =	sshrl.u32 s12, $0x2;
	s20 =	sadd.s32 $0x320, s6  }
0xa: {  	s3 =	ssub.s32 s3, s10;
	s21 =	sadd.s32 s14, s2;
	s16 =	sadd.s32 s6, s9  }
0xb: {  	s10 =	sor.u32 $0x1C04, s15;
	s14 =	sshllo.u32 s1, $0x1;
	s15 =	sshrl.u32 s6, $0x3  }
0xc: {  	s1 =	sshll.u32 s1, $0x5;
	s23 =	sadd.s32 s9, s20;
	s24 =	sshrl.u32 s20, $0x3  }
0xd: {  	s13 =	sshrl.u32 s16, $0x3;
	s11 =	smul.u32 $0x190000, s14;
	s1 =	sor.u32 s1, s12  }
0xe: {  	s16 =	sshll.u32 s14, $0x4;
	s22 =	smax.u32 s3, $0x1;
	s21 =	sshrl.u32 s21, $0x3  }
0xf: {  	s13 =	sadd.s32 s7, s13;
	s1 =	sshrl.u32 s1, $0x3;
	[dreg:$0x8] =	wrdreg s22  }
0x10: {  	s12 =	sor.u32 s12, s16;
	s22 =	simm.s32 $0x4;
	[dreg:$0x4] =	wrdreg s13  }
0x11: {  	s13 =	sadd.s32 s8, s15;
	s17 =	sadd.s32 s6, s11;
	s1 =	sadd.s32 s0, s1  }
0x12: {  	s19 =	sshrl.u32 s12, $0x3;
	s25 =	sadd.s32 s11, s20;
	[dreg:$0x5] =	wrdreg s1  }
0x13: {  	s18 =	sshrl.u32 s17, $0x3;
	s0 =	sadd.s32 s0, s19;
	s19 =	sadd.s32 s8, s24  }
0x14: {  	s26 =	sshrl.u32 s25, $0x3;
	s24 =	simm.s32 $0x1;
	s25 =	simm.s32 $0x320  }
0x15: {  	s1 =	sadd.s32 s7, s18;
	[dreg:$0x7] =	wrdreg s0;
	s0 =	sshrl.u32 s23, $0x3  }
0x16: {  	s20 =	sadd.s32 s7, s26;
	s23 =	simm.s32 $0x640;
	s26 =	simm.s32 $0xC80  }
0x17: {  	[dreg:$0x6] =	wrdreg s1;
	s18 =	sadd.s32 s7, s0;
	s0 =	simm.s32 $0x0  }
.LBB2_1:
0x18: {  	s1 =	rddreg [dreg:$0x1]  }
0x19: {  	[spmem:s21], [sflag:s10] =	dma.local [hbm:s1], $0x3100  }
0x1a: {  	_ =	swait.ge [sflag:s22], $0x3100  }
0x1b: {  	[sflag:s22] =	ssyncset.done $0x0  }
0x1c: {  	[sflag:s22] =	ssyncadd.s32 $0xFFFFCF00  }
0x1d: {  	[bflag:$0x0] =	sbarrier.arrive $0xFFFF  }
0x1e: {  	s16 =	rddreg [dreg:$0x4]  }
0x1f: {  	[tilespmem:s4], [sflag:$0x1] =	stream.linear.gather [hbm4b:s16+s4], $0x320, $0x38;
	[tilespmem:$0x1F880] =	vst v63  }
0x20: {  	_ = 	snop  }
0x21: {  	[tilespmem:s23], [sflag:$0x1] =	stream.linear.gather [hbm4b:s13+s4], $0x320, $0x38;
	[tilespmem:$0x1F880] =	vst v63  }
0x22: {  	_ =	swait.ge [sflag:s24], $0x320  }
0x23: {  	[sflag:s24] =	ssyncset.done $0x0  }
0x24: {  	[sflag:s24] =	ssyncadd.s32 $0xFFFFFCE0  }
0x25: {  	_ =	swait.ge [sflag:s24], $0x320  }
0x26: {  	[sflag:s24] =	ssyncset.done $0x0  }
0x27: {  	[sflag:s24] =	ssyncadd.s32 $0xFFFFFCE0  }
0x28: {  	[tilespmem:s26], [sflag:$0x2] =	stream.indirect.gather [hbm4b:s5+s25], $0x10, s4, s25, $0xb8;
	[tilespmem:$0x1F880] =	vst v63  }
0x29: {  	_ = 	snop  }
0x2a: {  	[tilespmem:s25], [sflag:$0x1] =	stream.linear.gather [hbm4b:s18+s4], $0x320, $0x38;
	[tilespmem:$0x1F880] =	vst v63  }
0x2b: {  	_ = 	snop  }
0x2c: {  	[tilespmem:s28], [sflag:$0x1] =	stream.linear.gather [hbm4b:s19+s4], $0x320, $0x38;
	[tilespmem:$0x1F880] =	vst v63  }
0x2d: {  	_ =	swait.ge [sflag:s30], $0x3200  }
0x2e: {  	[sflag:s30] =	ssyncset.done $0x0  }
0x2f: {  	[sflag:s30] =	ssyncadd.s32 $0xFFFFCE00  }
0x30: {  	[spmem:s2] =	stream.indirect.scatter.add.f32 [tilespmem:s26], [sflag:$0x3], $0x10, s23, s25, $0xb8;
	[tilespmem:$0x1F880] =	vst v63  }
0x31: {  	s17 =	simm.s32 $0x1;
	_ =	swait.ge [sflag:s24], $0x320  }
0x32: {  	s3 =	sand.u32 $0x1, s17;
	[sflag:s24] =	ssyncset.done $0x0  }
0x33: {  	s14 =	smin.u32 s30, $0x7C;
	s1 =	smul.u32 $0xC800, s3;
	[sflag:s24] =	ssyncadd.s32 $0xFFFFFCE0  }
0x34: {  	s14 =	smul.u32 $0x320, s14;
	_ =	swait.ge [sflag:s24], $0x320  }
0x35: {  	s12 =	smul.u32 $0x320, s3;
	s1 =	sshrl.u32 s1, $0x2;
	[sflag:s24] =	ssyncset.done $0x0  }
0x36: {  	s14 =	sadd.s32 s6, s14;
	s1 =	sadd.s32 $0xC80, s1;
	[sflag:s24] =	ssyncadd.s32 $0xFFFFFCE0  }
0x37: {  	[tilespmem:s1], [sflag:$0x2] =	stream.indirect.gather [hbm4b:s5+s25], $0x10, s12, s25, $0xb8;
	[tilespmem:$0x1F880] =	vst v63  }
0x38: {  	s3 =	sxor.u32 $0x1, s3;
	s15 =	sadd.s32 s9, s14;
	_ =	swait.ge [sflag:s29], $0x3200  }
0x39: {  	s3 =	smul.u32 $0x320, s3;
	s15 =	sshrl.u32 s15, $0x3;
	[sflag:s29] =	ssyncset.done $0x0  }
0x3a: {  	s14 =	sshrl.u32 s14, $0x3;
	s15 =	sadd.s32 s7, s15;
	[sflag:s29] =	ssyncadd.s32 $0xFFFFCE00  }
0x3b: {  	[tilespmem:s3], [sflag:$0x1] =	stream.linear.gather [hbm4b:s15+s4], $0x320, $0x38;
	[tilespmem:$0x1F880] =	vst v63  }
0x3c: {  	s14 =	sadd.s32 s8, s14;
	s3 =	sadd.s32 $0x640, s3  }
0x3d: {  	[tilespmem:s3], [sflag:$0x1] =	stream.linear.gather [hbm4b:s14+s4], $0x320, $0x38;
	[tilespmem:$0x1F880] =	vst v63  }
0x3e: {  	_ =	swait.ge [sflag:s30], $0x3200  }
0x3f: {  	s12 =	sadd.s32 $0x640, s12;
	s3 =	simm.s32 $0x3;
	[sflag:s30] =	ssyncset.done $0x0  }
.LBB2_2:
0x40: {  	p0 =	sne.s32 s3, $0x7D  }
0x41: {  	[sflag:s30] =	ssyncadd.s32 $0xFFFFCE00;
	s14 =	smov.u32 s3;
	s3 =	sadd.s32 $0x1, s3  }
0x42: {  	[spmem:s2] =	stream.indirect.scatter.add.f32 [tilespmem:s1], [sflag:$0x3], $0x10, s12, s25, $0xb8;
	[tilespmem:$0x1F880] =	vst v63  }
0x43: {  	s1 =	sadd.s32 $0xFFFFFFFF, s14;
	_ =	swait.ge [sflag:s24], $0x320  }
0x44: {  	s1 =	sand.u32 $0x1, s1;
	[sflag:s24] =	ssyncset.done $0x0  }
0x45: {  	s12 =	sxor.u32 $0x1, s1;
	s15 =	smul.u32 $0xC800, s1;
	[sflag:s24] =	ssyncadd.s32 $0xFFFFFCE0  }
0x46: {  	s16 =	smul.u32 $0x320, s1;
	s1 =	smin.u32 s14, $0x7C;
	_ =	swait.ge [sflag:s24], $0x320  }
0x47: {  	s14 =	sshrl.u32 s15, $0x2;
	s15 =	smul.u32 $0x320, s1;
	[sflag:s24] =	ssyncset.done $0x0  }
0x48: {  	s1 =	sadd.s32 $0xC80, s14;
	[sflag:s24] =	ssyncadd.s32 $0xFFFFFCE0  }
0x49: {  	[tilespmem:s1], [sflag:$0x2] =	stream.indirect.gather [hbm4b:s5+s25], $0x10, s16, s25, $0xb8;
	[tilespmem:$0x1F880] =	vst v63  }
0x4a: {  	s12 =	smul.u32 $0x320, s12;
	s14 =	sadd.s32 s6, s15;
	_ =	swait.ge [sflag:s29], $0x3200  }
0x4b: {  	s15 =	sadd.s32 s9, s14;
	s14 =	sshrl.u32 s14, $0x3;
	[sflag:s29] =	ssyncset.done $0x0  }
0x4c: {  	s15 =	sshrl.u32 s15, $0x3;
	[sflag:s29] =	ssyncadd.s32 $0xFFFFCE00  }
0x4d: {  	s17 =	sadd.s32 $0x640, s12;
	s14 =	sadd.s32 s8, s14;
	s15 =	sadd.s32 s7, s15  }
0x4e: {  	[tilespmem:s12], [sflag:$0x1] =	stream.linear.gather [hbm4b:s15+s4], $0x320, $0x38;
	[tilespmem:$0x1F880] =	vst v63  }
.Ltmp0:
0x4f: {  	_ = 	snop;
	(pc) =	sbr.rel @p0 .LBB2_2-.Ltmp0, $4  }
0x50: {  	_ = 	snop  }
0x51: {  	[tilespmem:s17], [sflag:$0x1] =	stream.linear.gather [hbm4b:s14+s4], $0x320, $0x38;
	[tilespmem:$0x1F880] =	vst v63  }
0x52: {  	_ =	swait.ge [sflag:s30], $0x3200  }
0x53: {  	s12 =	sadd.s32 $0x640, s16;
	[sflag:s30] =	ssyncset.done $0x0  }
0x54: {  	[sflag:s30] =	ssyncadd.s32 $0xFFFFCE00  }
0x55: {  	[spmem:s2] =	stream.indirect.scatter.add.f32 [tilespmem:s1], [sflag:$0x3], $0x10, s12, s25, $0xb8;
	[tilespmem:$0x1F880] =	vst v63  }
0x56: {  	_ =	swait.ge [sflag:s24], $0x320  }
0x57: {  	[sflag:s24] =	ssyncset.done $0x0  }
0x58: {  	[sflag:s24] =	ssyncadd.s32 $0xFFFFFCE0  }
0x59: {  	_ =	swait.ge [sflag:s24], $0x320  }
0x5a: {  	[sflag:s24] =	ssyncset.done $0x0  }
0x5b: {  	[sflag:s24] =	ssyncadd.s32 $0xFFFFFCE0  }
0x5c: {  	_ =	swait.ge [sflag:s29], $0x3200  }
0x5d: {  	[sflag:s29] =	ssyncset.done $0x0  }
0x5e: {  	[sflag:s29] =	ssyncadd.s32 $0xFFFFCE00  }
0x5f: {  	[bflag:$0x0] =	sbarrier.arrive $0xFFFF  }
0x60: {  	s17 =	simm.s32 $0x2;
	s3 =	rddreg [dreg:$0x5]  }
0x61: {  	[hbm:s3@s31], [sflag:s10] =	dma.strided [spmem:s21@s17], $0x3100, s24, $0x2   }
0x62: {  	_ =	swait.ge [sflag:s22], $0x3100  }
0x63: {  	[sflag:s22] =	ssyncset.done $0x0  }
0x64: {  	[sflag:s22] =	ssyncadd.s32 $0xFFFFCF00  }
0x65: {  	[bflag:$0x0] =	sbarrier.arrive $0xFFFF  }
0x66: {  	s12 =	rddreg [dreg:$0x1]  }
0x67: {  	[spmem:s21], [sflag:s10] =	dma.local [hbm:s12], $0x3100  }
0x68: {  	_ =	swait.ge [sflag:s22], $0x3100  }
0x69: {  	[sflag:s22] =	ssyncset.done $0x0  }
0x6a: {  	[sflag:s22] =	ssyncadd.s32 $0xFFFFCF00  }
0x6b: {  	[bflag:$0x0] =	sbarrier.arrive $0xFFFF  }
0x6c: {  	s14 =	rddreg [dreg:$0x6]  }
0x6d: {  	[tilespmem:s4], [sflag:$0x1] =	stream.linear.gather [hbm4b:s14+s4], $0x320, $0x38;
	[tilespmem:$0x1F880] =	vst v63  }
0x6e: {  	_ = 	snop  }
0x6f: {  	[tilespmem:s23], [sflag:$0x1] =	stream.linear.gather [hbm4b:s13+s4], $0x320, $0x38;
	[tilespmem:$0x1F880] =	vst v63  }
0x70: {  	_ =	swait.ge [sflag:s24], $0x320  }
0x71: {  	[sflag:s24] =	ssyncset.done $0x0  }
0x72: {  	[sflag:s24] =	ssyncadd.s32 $0xFFFFFCE0  }
0x73: {  	_ =	swait.ge [sflag:s24], $0x320  }
0x74: {  	[sflag:s24] =	ssyncset.done $0x0  }
0x75: {  	[sflag:s24] =	ssyncadd.s32 $0xFFFFFCE0  }
0x76: {  	[tilespmem:s26], [sflag:$0x2] =	stream.indirect.gather [hbm4b:s5+s25], $0x10, s4, s25, $0xb8;
	[tilespmem:$0x1F880] =	vst v63  }
0x77: {  	_ = 	snop  }
0x78: {  	[tilespmem:s25], [sflag:$0x1] =	stream.linear.gather [hbm4b:s20+s4], $0x320, $0x38;
	[tilespmem:$0x1F880] =	vst v63  }
0x79: {  	_ = 	snop  }
0x7a: {  	[tilespmem:s28], [sflag:$0x1] =	stream.linear.gather [hbm4b:s19+s4], $0x320, $0x38;
	[tilespmem:$0x1F880] =	vst v63  }
0x7b: {  	_ =	swait.ge [sflag:s17], $0x3200  }
0x7c: {  	[sflag:s17] =	ssyncset.done $0x0  }
0x7d: {  	[sflag:s17] =	ssyncadd.s32 $0xFFFFCE00  }
0x7e: {  	[spmem:s2] =	stream.indirect.scatter.add.f32 [tilespmem:s26], [sflag:$0x3], $0x10, s23, s25, $0xb8;
	[tilespmem:$0x1F880] =	vst v63  }
0x7f: {  	s15 =	simm.s32 $0x1;
	_ =	swait.ge [sflag:s24], $0x320  }
0x80: {  	s3 =	sand.u32 $0x1, s15;
	[sflag:s24] =	ssyncset.done $0x0  }
0x81: {  	s1 =	smin.u32 s17, $0x7C;
	s16 =	smul.u32 $0xC800, s3;
	[sflag:s24] =	ssyncadd.s32 $0xFFFFFCE0  }
0x82: {  	s15 =	smul.u32 $0x320, s1;
	_ =	swait.ge [sflag:s24], $0x320  }
0x83: {  	s12 =	sshrl.u32 s16, $0x2;
	s14 =	smul.u32 $0x320, s3;
	[sflag:s24] =	ssyncset.done $0x0  }
0x84: {  	s1 =	sadd.s32 $0xC80, s12;
	s17 =	sadd.s32 s6, s15;
	[sflag:s24] =	ssyncadd.s32 $0xFFFFFCE0  }
0x85: {  	[tilespmem:s1], [sflag:$0x2] =	stream.indirect.gather [hbm4b:s5+s25], $0x10, s14, s25, $0xb8;
	[tilespmem:$0x1F880] =	vst v63  }
0x86: {  	s3 =	sxor.u32 $0x1, s3;
	s15 =	sadd.s32 s11, s17;
	_ =	swait.ge [sflag:s29], $0x3200  }
0x87: {  	s3 =	smul.u32 $0x320, s3;
	s15 =	sshrl.u32 s15, $0x3;
	[sflag:s29] =	ssyncset.done $0x0  }
0x88: {  	s12 =	sshrl.u32 s17, $0x3;
	s15 =	sadd.s32 s7, s15;
	[sflag:s29] =	ssyncadd.s32 $0xFFFFCE00  }
0x89: {  	[tilespmem:s3], [sflag:$0x1] =	stream.linear.gather [hbm4b:s15+s4], $0x320, $0x38;
	[tilespmem:$0x1F880] =	vst v63  }
0x8a: {  	s12 =	sadd.s32 s8, s12;
	s3 =	sadd.s32 $0x640, s3  }
0x8b: {  	[tilespmem:s3], [sflag:$0x1] =	stream.linear.gather [hbm4b:s12+s4], $0x320, $0x38;
	[tilespmem:$0x1F880] =	vst v63  }
0x8c: {  	_ =	swait.ge [sflag:s30], $0x3200  }
0x8d: {  	s3 =	simm.s32 $0x3;
	s12 =	sadd.s32 $0x640, s14;
	[sflag:s30] =	ssyncset.done $0x0  }
.LBB2_4:
0x8e: {  	p0 =	sne.s32 s3, $0x7D  }
0x8f: {  	[sflag:s30] =	ssyncadd.s32 $0xFFFFCE00;
	s14 =	smov.u32 s3;
	s3 =	sadd.s32 $0x1, s3  }
0x90: {  	[spmem:s2] =	stream.indirect.scatter.add.f32 [tilespmem:s1], [sflag:$0x3], $0x10, s12, s25, $0xb8;
	[tilespmem:$0x1F880] =	vst v63  }
0x91: {  	s1 =	sadd.s32 $0xFFFFFFFF, s14;
	_ =	swait.ge [sflag:s24], $0x320  }
0x92: {  	s1 =	sand.u32 $0x1, s1;
	[sflag:s24] =	ssyncset.done $0x0  }
0x93: {  	s12 =	sxor.u32 $0x1, s1;
	s15 =	smul.u32 $0xC800, s1;
	[sflag:s24] =	ssyncadd.s32 $0xFFFFFCE0  }
0x94: {  	s16 =	smul.u32 $0x320, s1;
	s1 =	smin.u32 s14, $0x7C;
	_ =	swait.ge [sflag:s24], $0x320  }
0x95: {  	s14 =	sshrl.u32 s15, $0x2;
	s15 =	smul.u32 $0x320, s1;
	[sflag:s24] =	ssyncset.done $0x0  }
0x96: {  	s1 =	sadd.s32 $0xC80, s14;
	[sflag:s24] =	ssyncadd.s32 $0xFFFFFCE0  }
0x97: {  	[tilespmem:s1], [sflag:$0x2] =	stream.indirect.gather [hbm4b:s5+s25], $0x10, s16, s25, $0xb8;
	[tilespmem:$0x1F880] =	vst v63  }
0x98: {  	s12 =	smul.u32 $0x320, s12;
	s14 =	sadd.s32 s6, s15;
	_ =	swait.ge [sflag:s29], $0x3200  }
0x99: {  	s15 =	sadd.s32 s11, s14;
	s14 =	sshrl.u32 s14, $0x3;
	[sflag:s29] =	ssyncset.done $0x0  }
0x9a: {  	s15 =	sshrl.u32 s15, $0x3;
	[sflag:s29] =	ssyncadd.s32 $0xFFFFCE00  }
0x9b: {  	s17 =	sadd.s32 $0x640, s12;
	s14 =	sadd.s32 s8, s14;
	s15 =	sadd.s32 s7, s15  }
0x9c: {  	[tilespmem:s12], [sflag:$0x1] =	stream.linear.gather [hbm4b:s15+s4], $0x320, $0x38;
	[tilespmem:$0x1F880] =	vst v63  }
.Ltmp1:
0x9d: {  	_ = 	snop;
	(pc) =	sbr.rel @p0 .LBB2_4-.Ltmp1, $4  }
0x9e: {  	_ = 	snop  }
0x9f: {  	[tilespmem:s17], [sflag:$0x1] =	stream.linear.gather [hbm4b:s14+s4], $0x320, $0x38;
	[tilespmem:$0x1F880] =	vst v63  }
0xa0: {  	_ =	swait.ge [sflag:s30], $0x3200  }
0xa1: {  	s12 =	sadd.s32 $0x640, s16;
	[sflag:s30] =	ssyncset.done $0x0  }
0xa2: {  	[sflag:s30] =	ssyncadd.s32 $0xFFFFCE00  }
0xa3: {  	[spmem:s2] =	stream.indirect.scatter.add.f32 [tilespmem:s1], [sflag:$0x3], $0x10, s12, s25, $0xb8;
	[tilespmem:$0x1F880] =	vst v63  }
0xa4: {  	_ =	swait.ge [sflag:s24], $0x320  }
0xa5: {  	[sflag:s24] =	ssyncset.done $0x0  }
0xa6: {  	[sflag:s24] =	ssyncadd.s32 $0xFFFFFCE0  }
0xa7: {  	_ =	swait.ge [sflag:s24], $0x320  }
0xa8: {  	[sflag:s24] =	ssyncset.done $0x0  }
0xa9: {  	[sflag:s24] =	ssyncadd.s32 $0xFFFFFCE0  }
0xaa: {  	_ =	swait.ge [sflag:s29], $0x3200  }
0xab: {  	[sflag:s29] =	ssyncset.done $0x0  }
0xac: {  	[sflag:s29] =	ssyncadd.s32 $0xFFFFCE00  }
0xad: {  	[bflag:$0x0] =	sbarrier.arrive $0xFFFF  }
0xae: {  	s16 =	rddreg [dreg:$0x7]  }
0xaf: {  	[hbm:s16@s31], [sflag:s10] =	dma.strided [spmem:s21@s30], $0x3100, s24, $0x2   }
0xb0: {  	_ =	swait.ge [sflag:s22], $0x3100  }
0xb1: {  	s0 =	sadd.s32 $0x1, s0;
	s17 =	rddreg [dreg:$0x8]  }
0xb2: {  	p0 =	sne.s32 s0, s17  }
.Ltmp2:
0xb3: {  	_ = 	snop;
	(pc) =	sbr.rel @p0 .LBB2_1-.Ltmp2, $3  }
0xb4: {  	[sflag:s22] =	ssyncset.done $0x0  }
0xb5: {  	[sflag:s22] =	ssyncadd.s32 $0xFFFFCF00  }
0xb6: {  	[bflag:$0x0] =	sbarrier.arrive $0xFFFF;
	_ =	sdelay $0x1  }
0xb7: {  	_ =	sfence.sel $0x180000  }
0xb8: {  	[bflag:$0x0] =	sbarrier.arrive $0xFFFF  }
0xb9: {  	_ =	strace $0x9000004D  }
0xba: {  	s0 =	stileid.u32;
	[bflag:$0x2] =	sbarrier.arrive $0xFFFF  }
0xbb: {  	p0 =	sne.s32 s0, $0x0;
	s0 =	rddreg [dreg:$0x3]  }
0xbc: {  	s0 =	sadd.s32 @!p0 $0x100000, s0  }
0xbd: {  	[sflag:s0] =	ssyncadd.tile.s32 @!p0 $0x1;
	_ =	shalt  }
.Lfunc_end2:
_tile_overlayer_lowered:
.L_overlay_start_2:
0xbe: {  	(tag) =	ssettag $0x2  }
0xbf: {  	s0 =	rddreg [dreg:$0x0];
	s2 =	stileid.u32  }
0xc0: {  	s1 =	rddreg [dreg:$0x1];
	p0 =	sne.s32 s2, $0x0  }
0xc1: {  	s3 =	rddreg [dreg:$0x2];
	[bflag:$0x3] =	sbarrier.arrive $0xFFFF;
	s2 =	simm.s32 @!p0 $0x1C04  }
0xc2: {  	[timem:s3], [sflag:s2] =	dma.local @!p0 [hbm:s0], s1  }
0xc3: {  	s0 =	simm.s32 @!p0 $0x4  }
0xc4: {  	_ =	swait.ge @!p0 [sflag:s0], s1  }
0xc5: {  	s1 =	ssub.s32 @!p0 $0x0, s1;
	[sflag:s0] =	ssyncset.done @!p0 $0x0  }
0xc6: {  	[sflag:s0] =	ssyncadd.s32 @!p0 s1  }
0xc7: {  	[bflag:$0x3] =	sbarrier.arrive $0xFFFF  }
0xc8: {  	_ =	shalt  }

// kernel: kernel.20.cloned.1.call-start
scs
__scs_entry_jumppad:
0x0: {  	(pc) =	sbr.rel $0x88, $3  }
0x1: {  	(tag) =	ssettag $0x0;
	lr =	simm.s32 $0x1  }
0x2: {  	[smem:$0x3F91] =	sst lr;
	_ =	strace $0xD0000000  }
0x3: {  	_ = 	snop  }
0x4: {  	_ = 	snop  }
0x5: {  	_ = 	snop  }
0x6: {  	_ = 	snop  }
0x7: {  	_ = 	snop  }
__scs_overlays_trampoline_lowered:
0x8: {  	[smem:$0x3FA0] =	sst s0  }
0x9: {  	[smem:$0x3FA1] =	sst s1  }
0xa: {  	[smem:$0x3FA2] =	sst s2  }
0xb: {  	[smem:$0x3FA3] =	sst s3  }
0xc: {  	[smem:$0x3FA4] =	sst s4  }
0xd: {  	[smem:$0x3FA5] =	sst s5  }
0xe: {  	[smem:$0x3FA6] =	sst s6  }
0xf: {  	[smem:$0x3FA7] =	sst s7  }
0x10: {  	[smem:$0x3FA8] =	sst s8  }
0x11: {  	[smem:$0x3FA9] =	sst s9;
	s0 =	simm.s32 @!p0 $0x0  }
0x12: {  	s1 =	sld [smem:$0x3F8F];
	s0 =	simm.s32 @p0 $0x1  }
0x13: {  	[smem:$0x3FAA] =	sst s0;
	s0 =	simm.s32 @!p1 $0x0  }
0x14: {  	s2 =	sld [smem:$0x3F8E];
	s0 =	simm.s32 @p1 $0x1  }
0x15: {  	[smem:$0x3FAB] =	sst s0;
	s0 =	simm.s32 @!p2 $0x0  }
0x16: {  	s3 =	sld [smem:$0x3FDB];
	s0 =	simm.s32 @p2 $0x1  }
0x17: {  	s4 =	simm.s32 $0x1BF5;
	[smem:$0x3FAD] =	sst s0  }
0x18: {  	s0 =	sld [smem:$0x3F90];
	_ =	swait.ge [sflag:s4], $0x0  }
0x19: {  	s7 =	sld [smem:$0x3F91]  }
0x1a: {  	s8 =	sadd.s32 $0xFFFFE003, lr  }
0x1b: {  	s9 =	sadd.s32 $0xFFFFFEF7, lr;
	s5 =	simm.s32 $0xFFFFFFFF;
	p2 =	slt.u32 s8, $0xFFFFF086  }
0x1c: {  	p1 =	slt.u32 s9, $0xF7A;
	s5 =	simm.s32 @!p2 $0x0  }
0x1d: {  	s5 =	simm.s32 @p1 $0x1;
	p0 =	seq.s32 s7, s2  }
0x1e: {  	s7 =	smul.u32 @!p0 $0xF7A, s2;
	p2 =	seq.s32 @!p0 s5, $0x0  }
0x1f: {  	s9 =	smul.u32 $0xF7A, s1;
	s8 =	simm.s32 @!p0 $0x1BF5;
	p2 =	por !p2, p0  }
0x20: {  	[sflag:s8] =	ssyncset.s32 @!p0 $0xFFFFF086;
	s6 =	sadd.s32 @!p0 s3, s7;
	s7 =	simm.s32 @!p0 $0x108  }
0x21: {  	s3 =	sadd.s32 s3, s9;
	s6 =	sadd.s32 @!p0 $0x88, s6;
	s7 =	simm.s32 @p2 $0x1082  }
0x22: {  	[simem:s7], [sflag:s8] =	dma.local @!p0 [hbm:s6], $0xF7A  }
0x23: {  	s9 =	sor.u32 $0xD0000000, s2;
	s6 =	simm.s32 $0x108;
	_ =	swait.ge @!p0 [sflag:s8], $0x0  }
0x24: {  	s3 =	sadd.s32 $0x88, s3;
	s6 =	simm.s32 @!p1 $0x1082;
	[sflag:s4] =	ssyncset.s32 $0xFFFFF086  }
0x25: {  	[simem:s6], [sflag:s4] =	dma.local [hbm:s3], $0xF7A  }
0x26: {  	[smem:$0x3F91] =	sst s1;
	(tag) =	ssettag s2;
	_ =	strace s9  }
0x27: {  	s1 =	sld [smem:$0x3FA1]  }
0x28: {  	s2 =	sld [smem:$0x3FA2]  }
0x29: {  	s4 =	sld [smem:$0x3FA4]  }
0x2a: {  	p0 =	seq.s32 s5, $0x0;
	s5 =	sld [smem:$0x3FA5]  }
0x2b: {  	s6 =	sld [smem:$0x3FA6]  }
0x2c: {  	s7 =	sld [smem:$0x3FA7]  }
0x2d: {  	s3 =	simm.s32 $0x108;
	s8 =	sld [smem:$0x3FA8]  }
0x2e: {  	s3 =	simm.s32 @!p0 $0x1082;
	s9 =	sld [smem:$0x3FA9]  }
0x2f: {  	lr =	sadd.s32 s0, s3;
	s0 =	sld [smem:$0x3FA0]  }
0x30: {  	s3 =	sld [smem:$0x3FA3]  }
0x31: {  	[smem:$0x3FAC] =	sst s10  }
0x32: {  	s10 =	sld [smem:$0x3FAA];
	_ =	sdelay $0x3  }
0x33: {  	p0 =	seq.s32 s10, $0x1;
	s10 =	sld [smem:$0x3FAC];
	_ =	sdelay $0x3  }
0x34: {  	[smem:$0x3FAC] =	sst s10  }
0x35: {  	s10 =	sld [smem:$0x3FAB];
	_ =	sdelay $0x3  }
0x36: {  	p1 =	seq.s32 s10, $0x1;
	s10 =	sld [smem:$0x3FAC];
	_ =	sdelay $0x3  }
0x37: {  	[smem:$0x3FAC] =	sst s10  }
0x38: {  	s10 =	sld [smem:$0x3FAD]  }
0x39: {  	_ = 	snop;
	(pc) =	sbr.ind lr, $3  }
0x3a: {  	_ = 	snop  }
0x3b: {  	_ = 	snop  }
0x3c: {  	p2 =	seq.s32 s10, $0x1;
	s10 =	sld [smem:$0x3FAC]  }
0x3d: {  	_ =	shalt  }
0x3e: {  	_ =	shalt  }
0x3f: {  	_ =	shalt  }
0x40: {  	_ =	shalt  }
0x41: {  	_ =	shalt  }
0x42: {  	_ =	shalt  }
0x43: {  	_ =	shalt  }
0x44: {  	_ =	shalt  }
0x45: {  	_ =	shalt  }
0x46: {  	_ =	shalt  }
0x47: {  	_ =	shalt  }
0x48: {  	_ =	shalt  }
0x49: {  	_ =	shalt  }
0x4a: {  	_ =	shalt  }
0x4b: {  	_ =	shalt  }
0x4c: {  	_ =	shalt  }
0x4d: {  	_ =	shalt  }
0x4e: {  	_ =	shalt  }
0x4f: {  	_ =	shalt  }
0x50: {  	_ =	shalt  }
0x51: {  	_ =	shalt  }
0x52: {  	_ =	shalt  }
0x53: {  	_ =	shalt  }
0x54: {  	_ =	shalt  }
0x55: {  	_ =	shalt  }
0x56: {  	_ =	shalt  }
0x57: {  	_ =	shalt  }
0x58: {  	_ =	shalt  }
0x59: {  	_ =	shalt  }
0x5a: {  	_ =	shalt  }
0x5b: {  	_ =	shalt  }
0x5c: {  	_ =	shalt  }
0x5d: {  	_ =	shalt  }
0x5e: {  	_ =	shalt  }
0x5f: {  	_ =	shalt  }
0x60: {  	_ =	shalt  }
0x61: {  	_ =	shalt  }
0x62: {  	_ =	shalt  }
0x63: {  	_ =	shalt  }
0x64: {  	_ =	shalt  }
0x65: {  	_ =	shalt  }
0x66: {  	_ =	shalt  }
0x67: {  	_ =	shalt  }
0x68: {  	_ =	shalt  }
0x69: {  	_ =	shalt  }
0x6a: {  	_ =	shalt  }
0x6b: {  	_ =	shalt  }
0x6c: {  	_ =	shalt  }
0x6d: {  	_ =	shalt  }
0x6e: {  	_ =	shalt  }
0x6f: {  	_ =	shalt  }
0x70: {  	_ =	shalt  }
0x71: {  	_ =	shalt  }
0x72: {  	_ =	shalt  }
0x73: {  	_ =	shalt  }
0x74: {  	_ =	shalt  }
0x75: {  	_ =	shalt  }
0x76: {  	_ =	shalt  }
0x77: {  	_ =	shalt  }
0x78: {  	_ =	shalt  }
0x79: {  	_ =	shalt  }
0x7a: {  	_ =	shalt  }
0x7b: {  	_ =	shalt  }
0x7c: {  	_ =	shalt  }
0x7d: {  	_ =	shalt  }
0x7e: {  	_ =	shalt  }
0x7f: {  	_ =	shalt  }
0x80: {  	_ =	shalt  }
0x81: {  	_ =	shalt  }
0x82: {  	_ =	shalt  }
0x83: {  	_ =	shalt  }
0x84: {  	_ =	shalt  }
0x85: {  	_ =	shalt  }
0x86: {  	_ =	shalt  }
0x87: {  	_ =	shalt  }
.Lfunc_end0:
.L_simem_size_0:
called_computation.3_lowered:
.L_overlay_start_0:
0x88: {  	s2 =	sld [smem:$0x3FD9]  }
0x89: {  	s3 =	sld [smem:$0x3FFE];
	_ =	sdelay $0x1  }
0x8a: {  	s1 =	srdreg.scid  }
0x8b: {  	s0 =	sand.u32 $0x1, s1  }
0x8c: {  	s17 =	sshll.u32 s0, $0xA;
	s2 =	sadd.s32 s3, s2  }
0x8d: {  	s2 =	sadd.s32 s2, s17  }
0x8e: {  	[smem:$0x3FB8] =	sst s2  }
0x8f: {  	_ = 	snop  }
0x90: {  	s2 =	sld [smem:$0x3FD0];
	(tm) =	ssettm $0x1  }
0x91: {  	s18 =	sld [smem:$0x3FFB];
	_ =	sdelay $0x3  }
0x92: {  	_ =	strace s18  }
0x93: {  	s3 =	sld [smem:$0x3FFC];
	_ =	sdelay $0x3  }
0x94: {  	_ =	strace s3  }
0x95: {  	s3 =	sld [smem:$0x3FFD];
	_ =	sdelay $0x3  }
0x96: {  	_ =	strace s3  }
0x97: {  	_ =	strace $0x8FFFFFFF  }
0x98: {  	s19 =	sld [smem:$0x3FDB];
	_ =	sdelay $0x1  }
0x99: {  	s4 =	simm.s32 $_scs_section_size  }
0x9a: {  	s5 =	simm.s32 $_size__tile_overlayer_lowered;
	s6 =	simm.s32 $_tile_overlayer_lowered  }
0x9b: {  	s22 =	simm.s32 $0x1BFF;
	s21 =	sshll.u32 s6, $0x1;
	s3 =	sadd.s32 s4, s19  }
0x9c: {  	s7 =	simm.s32 $0x0;
	s20 =	sshll.u32 s5, $0x1;
	s5 =	sadd.s32 s21, s3  }
0x9d: {  	[timem:s7], [sflag:s22] =	dma.local [hbm:s5], s20  }
0x9e: {  	_ =	swait.ge [sflag:s22], s20  }
0x9f: {  	s4 =	ssub.s32 $0x0, s20;
	[sflag:s22] =	ssyncset.done $0x0  }
0xa0: {  	[sflag:s22] =	ssyncadd.s32 s4;
	_ =	sdelay $0x1  }
0xa1: {  	s23 =	simm.s32 $0x1B8B  }
0xa2: {  	_ =	swait.ge [sflag:s23], $0x1  }
0xa3: {  	[sflag:s23] =	ssyncset.done $0x0  }
0xa4: {  	s25 =	simm.s32 $0x1B8E;
	s24 =	sld [smem:$0x3FFE];
	[sflag:s23] =	ssyncadd.s32 $0xFFFFFFFF  }
0xa5: {  	s26 =	simm.s32 $execute0_lowered;
	[smem:$0x3FD2] =	sst s25  }
0xa6: {  	s5 =	sshll.u32 s26, $0x1;
	_ =	strace $0x8000004F;
	[dreg:$0x1] =	wrdreg $0xFFFFFFFF  }
0xa7: {  	s28 =	simm.s32 $_size_execute0_lowered;
	s3 =	sadd.s32 s3, s5;
	[dreg:$0x0] =	wrdreg $0x0  }
0xa8: {  	s5 =	sshll.u32 s28, $0x1;
	[dreg:$0x2] =	wrdreg s3  }
0xa9: {  	[dreg:$0x3] =	wrdreg s5  }
0xaa: {  	[dreg:$0x4] =	wrdreg $0xC0  }
0xab: {  	_ =	task [dreg:s7], $0x5FFFF  }
0xac: {  	[dreg:$0x1] =	wrdreg $0xFFFFFFFF  }
0xad: {  	[dreg:$0x0] =	wrdreg $0x60  }
0xae: {  	[dreg:$0x2] =	wrdreg s24  }
0xaf: {  	[dreg:$0x3] =	wrdreg s2  }
0xb0: {  	[dreg:$0x4] =	wrdreg $0x70800  }
0xb1: {  	[dreg:$0x5] =	wrdreg $0x9  }
0xb2: {  	_ =	task.clear_ibuf [dreg:s7], $0x6FFFF;
	_ =	strace $0x9000004F  }
0xb3: {  	s29 =	simm.s32 $0x9;
	_ =	strace $0x80000051  }
0xb4: {  	_ =	swait.ge [sflag:s29], $0x1  }
0xb5: {  	[sflag:s29] =	ssyncadd.s32 $0xFFFFFFFF  }
0xb6: {  	_ =	strace $0x90000051  }
0xb7: {  	_ =	sfence  }
0xb8: {  	s30 =	sld [smem:$0x0];
	_ =	sdelay $0x2  }
0xb9: {  	s31 =	sshll.u32 s1, $0xD;
	s1 =	sshrl.u32 s1, $0x2  }
0xba: {  	s3 =	sand.u32 $0x4000, s31;
	s1 =	sadd.s32 s1, s30  }
0xbb: {  	s0 =	sor.u32 s3, s0;
	s1 =	sshll.u32 s1, $0x11  }
0xbc: {  	s0 =	sor.u32 s1, s0  }
0xbd: {  	s0 =	sadd.s32 $0x8F2B, s0  }
0xbe: {  	[sflag:s0] =	ssyncadd.remote.s32 $0x1  }
0xbf: {  	_ =	sfence.sel $0xFFFF  }
0xc0: {  	[dreg:$0x0] =	wrdreg $0xFFFFFFFF;
	(pc) =	sbr.abs _section_cstart, $3  }
0xc1: {  	[dreg:$0x1] =	wrdreg $0xFFFFFFFF  }
0xc2: {  	_ =	task.clear_ibuf [dreg:s7], $0x2FFFF;
	_ =	strace $0x9FFFFFFF  }
0xc3: {  	(tm) =	ssettm $0x7FFFFFFF  }
tec
execute0_lowered:
.L_overlay_start_1:
0x0: {  	(tag) =	ssettag $0x1  }
0x1: {  	s0 =	rddreg [dreg:$0x0]  }
0x2: {  	s2 =	rddreg [dreg:$0x2];
	s4 =	simm.s32 $0x0  }
0x3: {  	s1 =	srdreg.scid;
	s11 =	stileid.u32;
	s28 =	simm.s32 $0x960  }
0x4: {  	s29 =	simm.s32 $0x3;
	s30 =	simm.s32 $0x2;
	s31 =	simm.s32 $0x8  }
0x5: {  	[smem:$0x7FF] =	sst s4;
	s5 =	sadd.s32 $0x33400, s0;
	s6 =	smul.u32 $0x186A0, s11  }
0x6: {  	s1 =	sand.u32 $0x1, s1;
	s7 =	sadd.s32 $0x101800, s0;
	s12 =	smul.u32 $0x62000, s11  }
0x7: {  	s8 =	sadd.s32 $0x2600, s0;
	s0 =	sadd.s32 $0x1C9800, s0;
	s15 =	sshll.u32 s11, $0x6  }
0x8: {  	_ =	strace $0x80000050;
	s3 =	ssub.s32 $0x2, s1;
	s9 =	smul.u32 $0x320000, s1  }
0x9: {  	s10 =	sshrl.u32 s3, $0x1;
	s14 =	sshrl.u32 s12, $0x2;
	s20 =	sadd.s32 $0x320, s6  }
0xa: {  	s3 =	ssub.s32 s3, s10;
	s21 =	sadd.s32 s14, s2;
	s16 =	sadd.s32 s6, s9  }
0xb: {  	s10 =	sor.u32 $0x1C04, s15;
	s14 =	sshllo.u32 s1, $0x1;
	s15 =	sshrl.u32 s6, $0x3  }
0xc: {  	s1 =	sshll.u32 s1, $0x5;
	s23 =	sadd.s32 s9, s20;
	s24 =	sshrl.u32 s20, $0x3  }
0xd: {  	s13 =	sshrl.u32 s16, $0x3;
	s11 =	smul.u32 $0x190000, s14;
	s1 =	sor.u32 s1, s12  }
0xe: {  	s16 =	sshll.u32 s14, $0x4;
	s22 =	smax.u32 s3, $0x1;
	s21 =	sshrl.u32 s21, $0x3  }
0xf: {  	s13 =	sadd.s32 s7, s13;
	s1 =	sshrl.u32 s1, $0x3;
	[dreg:$0x8] =	wrdreg s22  }
0x10: {  	s12 =	sor.u32 s12, s16;
	s22 =	simm.s32 $0x4;
	[dreg:$0x4] =	wrdreg s13  }
0x11: {  	s13 =	sadd.s32 s8, s15;
	s17 =	sadd.s32 s6, s11;
	s1 =	sadd.s32 s0, s1  }
0x12: {  	s19 =	sshrl.u32 s12, $0x3;
	s25 =	sadd.s32 s11, s20;
	[dreg:$0x5] =	wrdreg s1  }
0x13: {  	s18 =	sshrl.u32 s17, $0x3;
	s0 =	sadd.s32 s0, s19;
	s19 =	sadd.s32 s8, s24  }
0x14: {  	s26 =	sshrl.u32 s25, $0x3;
	s24 =	simm.s32 $0x1;
	s25 =	simm.s32 $0x320  }
0x15: {  	s1 =	sadd.s32 s7, s18;
	[dreg:$0x7] =	wrdreg s0;
	s0 =	sshrl.u32 s23, $0x3  }
0x16: {  	s20 =	sadd.s32 s7, s26;
	s23 =	simm.s32 $0x640;
	s26 =	simm.s32 $0xC80  }
0x17: {  	[dreg:$0x6] =	wrdreg s1;
	s18 =	sadd.s32 s7, s0;
	s0 =	simm.s32 $0x0  }
.LBB2_1:
0x18: {  	s1 =	rddreg [dreg:$0x1]  }
0x19: {  	[spmem:s21], [sflag:s10] =	dma.local [hbm:s1], $0x3100  }
0x1a: {  	_ =	swait.ge [sflag:s22], $0x3100  }
0x1b: {  	[sflag:s22] =	ssyncset.done $0x0  }
0x1c: {  	[sflag:s22] =	ssyncadd.s32 $0xFFFFCF00  }
0x1d: {  	[bflag:$0x0] =	sbarrier.arrive $0xFFFF  }
0x1e: {  	s16 =	rddreg [dreg:$0x4]  }
0x1f: {  	[tilespmem:s4], [sflag:$0x1] =	stream.linear.gather [hbm4b:s16+s4], $0x320, $0x38;
	[tilespmem:$0x1F880] =	vst v63  }
0x20: {  	_ = 	snop  }
0x21: {  	[tilespmem:s23], [sflag:$0x1] =	stream.linear.gather [hbm4b:s13+s4], $0x320, $0x38;
	[tilespmem:$0x1F880] =	vst v63  }
0x22: {  	_ =	swait.ge [sflag:s24], $0x320  }
0x23: {  	[sflag:s24] =	ssyncset.done $0x0  }
0x24: {  	[sflag:s24] =	ssyncadd.s32 $0xFFFFFCE0  }
0x25: {  	_ =	swait.ge [sflag:s24], $0x320  }
0x26: {  	[sflag:s24] =	ssyncset.done $0x0  }
0x27: {  	[sflag:s24] =	ssyncadd.s32 $0xFFFFFCE0  }
0x28: {  	[tilespmem:s26], [sflag:$0x2] =	stream.indirect.gather [hbm4b:s5+s25], $0x10, s4, s25, $0xb8;
	[tilespmem:$0x1F880] =	vst v63  }
0x29: {  	_ = 	snop  }
0x2a: {  	[tilespmem:s25], [sflag:$0x1] =	stream.linear.gather [hbm4b:s18+s4], $0x320, $0x38;
	[tilespmem:$0x1F880] =	vst v63  }
0x2b: {  	_ = 	snop  }
0x2c: {  	[tilespmem:s28], [sflag:$0x1] =	stream.linear.gather [hbm4b:s19+s4], $0x320, $0x38;
	[tilespmem:$0x1F880] =	vst v63  }
0x2d: {  	_ =	swait.ge [sflag:s30], $0x3200  }
0x2e: {  	[sflag:s30] =	ssyncset.done $0x0  }
0x2f: {  	[sflag:s30] =	ssyncadd.s32 $0xFFFFCE00  }
0x30: {  	[spmem:s2] =	stream.indirect.scatter.add.f32 [tilespmem:s26], [sflag:$0x3], $0x10, s23, s25, $0xb8;
	[tilespmem:$0x1F880] =	vst v63  }
0x31: {  	s17 =	simm.s32 $0x1;
	_ =	swait.ge [sflag:s24], $0x320  }
0x32: {  	s3 =	sand.u32 $0x1, s17;
	[sflag:s24] =	ssyncset.done $0x0  }
0x33: {  	s14 =	smin.u32 s30, $0x7C;
	s1 =	smul.u32 $0xC800, s3;
	[sflag:s24] =	ssyncadd.s32 $0xFFFFFCE0  }
0x34: {  	s14 =	smul.u32 $0x320, s14;
	_ =	swait.ge [sflag:s24], $0x320  }
0x35: {  	s12 =	smul.u32 $0x320, s3;
	s1 =	sshrl.u32 s1, $0x2;
	[sflag:s24] =	ssyncset.done $0x0  }
0x36: {  	s14 =	sadd.s32 s6, s14;
	s1 =	sadd.s32 $0xC80, s1;
	[sflag:s24] =	ssyncadd.s32 $0xFFFFFCE0  }
0x37: {  	[tilespmem:s1], [sflag:$0x2] =	stream.indirect.gather [hbm4b:s5+s25], $0x10, s12, s25, $0xb8;
	[tilespmem:$0x1F880] =	vst v63  }
0x38: {  	s3 =	sxor.u32 $0x1, s3;
	s15 =	sadd.s32 s9, s14;
	_ =	swait.ge [sflag:s29], $0x3200  }
0x39: {  	s3 =	smul.u32 $0x320, s3;
	s15 =	sshrl.u32 s15, $0x3;
	[sflag:s29] =	ssyncset.done $0x0  }
0x3a: {  	s14 =	sshrl.u32 s14, $0x3;
	s15 =	sadd.s32 s7, s15;
	[sflag:s29] =	ssyncadd.s32 $0xFFFFCE00  }
0x3b: {  	[tilespmem:s3], [sflag:$0x1] =	stream.linear.gather [hbm4b:s15+s4], $0x320, $0x38;
	[tilespmem:$0x1F880] =	vst v63  }
0x3c: {  	s14 =	sadd.s32 s8, s14;
	s3 =	sadd.s32 $0x640, s3  }
0x3d: {  	[tilespmem:s3], [sflag:$0x1] =	stream.linear.gather [hbm4b:s14+s4], $0x320, $0x38;
	[tilespmem:$0x1F880] =	vst v63  }
0x3e: {  	_ =	swait.ge [sflag:s30], $0x3200  }
0x3f: {  	s12 =	sadd.s32 $0x640, s12;
	s3 =	simm.s32 $0x3;
	[sflag:s30] =	ssyncset.done $0x0  }
.LBB2_2:
0x40: {  	p0 =	sne.s32 s3, $0x7D  }
0x41: {  	[sflag:s30] =	ssyncadd.s32 $0xFFFFCE00;
	s14 =	smov.u32 s3;
	s3 =	sadd.s32 $0x1, s3  }
0x42: {  	[spmem:s2] =	stream.indirect.scatter.add.f32 [tilespmem:s1], [sflag:$0x3], $0x10, s12, s25, $0xb8;
	[tilespmem:$0x1F880] =	vst v63  }
0x43: {  	s1 =	sadd.s32 $0xFFFFFFFF, s14;
	_ =	swait.ge [sflag:s24], $0x320  }
0x44: {  	s1 =	sand.u32 $0x1, s1;
	[sflag:s24] =	ssyncset.done $0x0  }
0x45: {  	s12 =	sxor.u32 $0x1, s1;
	s15 =	smul.u32 $0xC800, s1;
	[sflag:s24] =	ssyncadd.s32 $0xFFFFFCE0  }
0x46: {  	s16 =	smul.u32 $0x320, s1;
	s1 =	smin.u32 s14, $0x7C;
	_ =	swait.ge [sflag:s24], $0x320  }
0x47: {  	s14 =	sshrl.u32 s15, $0x2;
	s15 =	smul.u32 $0x320, s1;
	[sflag:s24] =	ssyncset.done $0x0  }
0x48: {  	s1 =	sadd.s32 $0xC80, s14;
	[sflag:s24] =	ssyncadd.s32 $0xFFFFFCE0  }
0x49: {  	[tilespmem:s1], [sflag:$0x2] =	stream.indirect.gather [hbm4b:s5+s25], $0x10, s16, s25, $0xb8;
	[tilespmem:$0x1F880] =	vst v63  }
0x4a: {  	s12 =	smul.u32 $0x320, s12;
	s14 =	sadd.s32 s6, s15;
	_ =	swait.ge [sflag:s29], $0x3200  }
0x4b: {  	s15 =	sadd.s32 s9, s14;
	s14 =	sshrl.u32 s14, $0x3;
	[sflag:s29] =	ssyncset.done $0x0  }
0x4c: {  	s15 =	sshrl.u32 s15, $0x3;
	[sflag:s29] =	ssyncadd.s32 $0xFFFFCE00  }
0x4d: {  	s17 =	sadd.s32 $0x640, s12;
	s14 =	sadd.s32 s8, s14;
	s15 =	sadd.s32 s7, s15  }
0x4e: {  	[tilespmem:s12], [sflag:$0x1] =	stream.linear.gather [hbm4b:s15+s4], $0x320, $0x38;
	[tilespmem:$0x1F880] =	vst v63  }
.Ltmp0:
0x4f: {  	_ = 	snop;
	(pc) =	sbr.rel @p0 .LBB2_2-.Ltmp0, $4  }
0x50: {  	_ = 	snop  }
0x51: {  	[tilespmem:s17], [sflag:$0x1] =	stream.linear.gather [hbm4b:s14+s4], $0x320, $0x38;
	[tilespmem:$0x1F880] =	vst v63  }
0x52: {  	_ =	swait.ge [sflag:s30], $0x3200  }
0x53: {  	s12 =	sadd.s32 $0x640, s16;
	[sflag:s30] =	ssyncset.done $0x0  }
0x54: {  	[sflag:s30] =	ssyncadd.s32 $0xFFFFCE00  }
0x55: {  	[spmem:s2] =	stream.indirect.scatter.add.f32 [tilespmem:s1], [sflag:$0x3], $0x10, s12, s25, $0xb8;
	[tilespmem:$0x1F880] =	vst v63  }
0x56: {  	_ =	swait.ge [sflag:s24], $0x320  }
0x57: {  	[sflag:s24] =	ssyncset.done $0x0  }
0x58: {  	[sflag:s24] =	ssyncadd.s32 $0xFFFFFCE0  }
0x59: {  	_ =	swait.ge [sflag:s24], $0x320  }
0x5a: {  	[sflag:s24] =	ssyncset.done $0x0  }
0x5b: {  	[sflag:s24] =	ssyncadd.s32 $0xFFFFFCE0  }
0x5c: {  	_ =	swait.ge [sflag:s29], $0x3200  }
0x5d: {  	[sflag:s29] =	ssyncset.done $0x0  }
0x5e: {  	[sflag:s29] =	ssyncadd.s32 $0xFFFFCE00  }
0x5f: {  	[bflag:$0x0] =	sbarrier.arrive $0xFFFF  }
0x60: {  	s17 =	simm.s32 $0x2;
	s3 =	rddreg [dreg:$0x5]  }
0x61: {  	[hbm:s3@s31], [sflag:s10] =	dma.strided [spmem:s21@s17], $0x3100, s24, $0x2   }
0x62: {  	_ =	swait.ge [sflag:s22], $0x3100  }
0x63: {  	[sflag:s22] =	ssyncset.done $0x0  }
0x64: {  	[sflag:s22] =	ssyncadd.s32 $0xFFFFCF00  }
0x65: {  	[bflag:$0x0] =	sbarrier.arrive $0xFFFF  }
0x66: {  	s12 =	rddreg [dreg:$0x1]  }
0x67: {  	[spmem:s21], [sflag:s10] =	dma.local [hbm:s12], $0x3100  }
0x68: {  	_ =	swait.ge [sflag:s22], $0x3100  }
0x69: {  	[sflag:s22] =	ssyncset.done $0x0  }
0x6a: {  	[sflag:s22] =	ssyncadd.s32 $0xFFFFCF00  }
0x6b: {  	[bflag:$0x0] =	sbarrier.arrive $0xFFFF  }
0x6c: {  	s14 =	rddreg [dreg:$0x6]  }
0x6d: {  	[tilespmem:s4], [sflag:$0x1] =	stream.linear.gather [hbm4b:s14+s4], $0x320, $0x38;
	[tilespmem:$0x1F880] =	vst v63  }
0x6e: {  	_ = 	snop  }
0x6f: {  	[tilespmem:s23], [sflag:$0x1] =	stream.linear.gather [hbm4b:s13+s4], $0x320, $0x38;
	[tilespmem:$0x1F880] =	vst v63  }
0x70: {  	_ =	swait.ge [sflag:s24], $0x320  }
0x71: {  	[sflag:s24] =	ssyncset.done $0x0  }
0x72: {  	[sflag:s24] =	ssyncadd.s32 $0xFFFFFCE0  }
0x73: {  	_ =	swait.ge [sflag:s24], $0x320  }
0x74: {  	[sflag:s24] =	ssyncset.done $0x0  }
0x75: {  	[sflag:s24] =	ssyncadd.s32 $0xFFFFFCE0  }
0x76: {  	[tilespmem:s26], [sflag:$0x2] =	stream.indirect.gather [hbm4b:s5+s25], $0x10, s4, s25, $0xb8;
	[tilespmem:$0x1F880] =	vst v63  }
0x77: {  	_ = 	snop  }
0x78: {  	[tilespmem:s25], [sflag:$0x1] =	stream.linear.gather [hbm4b:s20+s4], $0x320, $0x38;
	[tilespmem:$0x1F880] =	vst v63  }
0x79: {  	_ = 	snop  }
0x7a: {  	[tilespmem:s28], [sflag:$0x1] =	stream.linear.gather [hbm4b:s19+s4], $0x320, $0x38;
	[tilespmem:$0x1F880] =	vst v63  }
0x7b: {  	_ =	swait.ge [sflag:s17], $0x3200  }
0x7c: {  	[sflag:s17] =	ssyncset.done $0x0  }
0x7d: {  	[sflag:s17] =	ssyncadd.s32 $0xFFFFCE00  }
0x7e: {  	[spmem:s2] =	stream.indirect.scatter.add.f32 [tilespmem:s26], [sflag:$0x3], $0x10, s23, s25, $0xb8;
	[tilespmem:$0x1F880] =	vst v63  }
0x7f: {  	s15 =	simm.s32 $0x1;
	_ =	swait.ge [sflag:s24], $0x320  }
0x80: {  	s3 =	sand.u32 $0x1, s15;
	[sflag:s24] =	ssyncset.done $0x0  }
0x81: {  	s1 =	smin.u32 s17, $0x7C;
	s16 =	smul.u32 $0xC800, s3;
	[sflag:s24] =	ssyncadd.s32 $0xFFFFFCE0  }
0x82: {  	s15 =	smul.u32 $0x320, s1;
	_ =	swait.ge [sflag:s24], $0x320  }
0x83: {  	s12 =	sshrl.u32 s16, $0x2;
	s14 =	smul.u32 $0x320, s3;
	[sflag:s24] =	ssyncset.done $0x0  }
0x84: {  	s1 =	sadd.s32 $0xC80, s12;
	s17 =	sadd.s32 s6, s15;
	[sflag:s24] =	ssyncadd.s32 $0xFFFFFCE0  }
0x85: {  	[tilespmem:s1], [sflag:$0x2] =	stream.indirect.gather [hbm4b:s5+s25], $0x10, s14, s25, $0xb8;
	[tilespmem:$0x1F880] =	vst v63  }
0x86: {  	s3 =	sxor.u32 $0x1, s3;
	s15 =	sadd.s32 s11, s17;
	_ =	swait.ge [sflag:s29], $0x3200  }
0x87: {  	s3 =	smul.u32 $0x320, s3;
	s15 =	sshrl.u32 s15, $0x3;
	[sflag:s29] =	ssyncset.done $0x0  }
0x88: {  	s12 =	sshrl.u32 s17, $0x3;
	s15 =	sadd.s32 s7, s15;
	[sflag:s29] =	ssyncadd.s32 $0xFFFFCE00  }
0x89: {  	[tilespmem:s3], [sflag:$0x1] =	stream.linear.gather [hbm4b:s15+s4], $0x320, $0x38;
	[tilespmem:$0x1F880] =	vst v63  }
0x8a: {  	s12 =	sadd.s32 s8, s12;
	s3 =	sadd.s32 $0x640, s3  }
0x8b: {  	[tilespmem:s3], [sflag:$0x1] =	stream.linear.gather [hbm4b:s12+s4], $0x320, $0x38;
	[tilespmem:$0x1F880] =	vst v63  }
0x8c: {  	_ =	swait.ge [sflag:s30], $0x3200  }
0x8d: {  	s3 =	simm.s32 $0x3;
	s12 =	sadd.s32 $0x640, s14;
	[sflag:s30] =	ssyncset.done $0x0  }
.LBB2_4:
0x8e: {  	p0 =	sne.s32 s3, $0x7D  }
0x8f: {  	[sflag:s30] =	ssyncadd.s32 $0xFFFFCE00;
	s14 =	smov.u32 s3;
	s3 =	sadd.s32 $0x1, s3  }
0x90: {  	[spmem:s2] =	stream.indirect.scatter.add.f32 [tilespmem:s1], [sflag:$0x3], $0x10, s12, s25, $0xb8;
	[tilespmem:$0x1F880] =	vst v63  }
0x91: {  	s1 =	sadd.s32 $0xFFFFFFFF, s14;
	_ =	swait.ge [sflag:s24], $0x320  }
0x92: {  	s1 =	sand.u32 $0x1, s1;
	[sflag:s24] =	ssyncset.done $0x0  }
0x93: {  	s12 =	sxor.u32 $0x1, s1;
	s15 =	smul.u32 $0xC800, s1;
	[sflag:s24] =	ssyncadd.s32 $0xFFFFFCE0  }
0x94: {  	s16 =	smul.u32 $0x320, s1;
	s1 =	smin.u32 s14, $0x7C;
	_ =	swait.ge [sflag:s24], $0x320  }
0x95: {  	s14 =	sshrl.u32 s15, $0x2;
	s15 =	smul.u32 $0x320, s1;
	[sflag:s24] =	ssyncset.done $0x0  }
0x96: {  	s1 =	sadd.s32 $0xC80, s14;
	[sflag:s24] =	ssyncadd.s32 $0xFFFFFCE0  }
0x97: {  	[tilespmem:s1], [sflag:$0x2] =	stream.indirect.gather [hbm4b:s5+s25], $0x10, s16, s25, $0xb8;
	[tilespmem:$0x1F880] =	vst v63  }
0x98: {  	s12 =	smul.u32 $0x320, s12;
	s14 =	sadd.s32 s6, s15;
	_ =	swait.ge [sflag:s29], $0x3200  }
0x99: {  	s15 =	sadd.s32 s11, s14;
	s14 =	sshrl.u32 s14, $0x3;
	[sflag:s29] =	ssyncset.done $0x0  }
0x9a: {  	s15 =	sshrl.u32 s15, $0x3;
	[sflag:s29] =	ssyncadd.s32 $0xFFFFCE00  }
0x9b: {  	s17 =	sadd.s32 $0x640, s12;
	s14 =	sadd.s32 s8, s14;
	s15 =	sadd.s32 s7, s15  }
0x9c: {  	[tilespmem:s12], [sflag:$0x1] =	stream.linear.gather [hbm4b:s15+s4], $0x320, $0x38;
	[tilespmem:$0x1F880] =	vst v63  }
.Ltmp1:
0x9d: {  	_ = 	snop;
	(pc) =	sbr.rel @p0 .LBB2_4-.Ltmp1, $4  }
0x9e: {  	_ = 	snop  }
0x9f: {  	[tilespmem:s17], [sflag:$0x1] =	stream.linear.gather [hbm4b:s14+s4], $0x320, $0x38;
	[tilespmem:$0x1F880] =	vst v63  }
0xa0: {  	_ =	swait.ge [sflag:s30], $0x3200  }
0xa1: {  	s12 =	sadd.s32 $0x640, s16;
	[sflag:s30] =	ssyncset.done $0x0  }
0xa2: {  	[sflag:s30] =	ssyncadd.s32 $0xFFFFCE00  }
0xa3: {  	[spmem:s2] =	stream.indirect.scatter.add.f32 [tilespmem:s1], [sflag:$0x3], $0x10, s12, s25, $0xb8;
	[tilespmem:$0x1F880] =	vst v63  }
0xa4: {  	_ =	swait.ge [sflag:s24], $0x320  }
0xa5: {  	[sflag:s24] =	ssyncset.done $0x0  }
0xa6: {  	[sflag:s24] =	ssyncadd.s32 $0xFFFFFCE0  }
0xa7: {  	_ =	swait.ge [sflag:s24], $0x320  }
0xa8: {  	[sflag:s24] =	ssyncset.done $0x0  }
0xa9: {  	[sflag:s24] =	ssyncadd.s32 $0xFFFFFCE0  }
0xaa: {  	_ =	swait.ge [sflag:s29], $0x3200  }
0xab: {  	[sflag:s29] =	ssyncset.done $0x0  }
0xac: {  	[sflag:s29] =	ssyncadd.s32 $0xFFFFCE00  }
0xad: {  	[bflag:$0x0] =	sbarrier.arrive $0xFFFF  }
0xae: {  	s16 =	rddreg [dreg:$0x7]  }
0xaf: {  	[hbm:s16@s31], [sflag:s10] =	dma.strided [spmem:s21@s30], $0x3100, s24, $0x2   }
0xb0: {  	_ =	swait.ge [sflag:s22], $0x3100  }
0xb1: {  	s0 =	sadd.s32 $0x1, s0;
	s17 =	rddreg [dreg:$0x8]  }
0xb2: {  	p0 =	sne.s32 s0, s17  }
.Ltmp2:
0xb3: {  	_ = 	snop;
	(pc) =	sbr.rel @p0 .LBB2_1-.Ltmp2, $3  }
0xb4: {  	[sflag:s22] =	ssyncset.done $0x0  }
0xb5: {  	[sflag:s22] =	ssyncadd.s32 $0xFFFFCF00  }
0xb6: {  	[bflag:$0x0] =	sbarrier.arrive $0xFFFF;
	_ =	sdelay $0x1  }
0xb7: {  	_ =	sfence.sel $0x180000  }
0xb8: {  	[bflag:$0x0] =	sbarrier.arrive $0xFFFF  }
0xb9: {  	_ =	strace $0x90000050  }
0xba: {  	s0 =	stileid.u32;
	[bflag:$0x2] =	sbarrier.arrive $0xFFFF  }
0xbb: {  	p0 =	sne.s32 s0, $0x0;
	s0 =	rddreg [dreg:$0x3]  }
0xbc: {  	s0 =	sadd.s32 @!p0 $0x100000, s0  }
0xbd: {  	[sflag:s0] =	ssyncadd.tile.s32 @!p0 $0x1;
	_ =	shalt  }
.Lfunc_end2:
_tile_overlayer_lowered:
.L_overlay_start_2:
0xbe: {  	(tag) =	ssettag $0x2  }
0xbf: {  	s0 =	rddreg [dreg:$0x0];
	s2 =	stileid.u32  }
0xc0: {  	s1 =	rddreg [dreg:$0x1];
	p0 =	sne.s32 s2, $0x0  }
0xc1: {  	s3 =	rddreg [dreg:$0x2];
	[bflag:$0x3] =	sbarrier.arrive $0xFFFF;
	s2 =	simm.s32 @!p0 $0x1C04  }
0xc2: {  	[timem:s3], [sflag:s2] =	dma.local @!p0 [hbm:s0], s1  }
0xc3: {  	s0 =	simm.s32 @!p0 $0x4  }
0xc4: {  	_ =	swait.ge @!p0 [sflag:s0], s1  }
0xc5: {  	s1 =	ssub.s32 @!p0 $0x0, s1;
	[sflag:s0] =	ssyncset.done @!p0 $0x0  }
0xc6: {  	[sflag:s0] =	ssyncadd.s32 @!p0 s1  }
0xc7: {  	[bflag:$0x3] =	sbarrier.arrive $0xFFFF  }
0xc8: {  	_ =	shalt  }

</sc_bundles>
